<compile_context>
chip_gen: v7x
topology: tpu7x:2x2x1
jax: 0.10.2.dev20260603
libtpu: 0.0.44.dev20260713+nightly
codegen_flags: <defaults>
</compile_context>

<pallas_src>
import dataclasses
import functools

import jax
import jax.numpy as jnp
from jax import lax
from jax.experimental import pallas as pl
from jax.experimental.pallas import tpu as pltpu
from jax.experimental.pallas import tpu_sc as plsc

N_NODES = 10000
D_IN = 256
D_HID = 256
D_LAT = 128

N_PAD = 10112
E_PAD = 163840
NB = 80
BB = 128
ROWS_PER_SUB = N_PAD // 16



def _hist_body(dst3, out, dst_v, hist):
    c = lax.axis_index("c")
    s = lax.axis_index("s")
    wid = c * 16 + s
    pltpu.sync_copy(dst3.at[s], dst_v)

    @pl.loop(0, N_PAD, step=16)
    def _zero(i):
        hist[pl.ds(i, 16)] = jnp.zeros((16,), jnp.float32)

    ones = jnp.ones((16,), jnp.float32)

    @pl.loop(0, NB // 2)
    def _row(j):
        @pl.loop(0, BB, step=16)
        def _vec(k):
            idx = dst_v[j + c * (NB // 2), pl.ds(k, 16)]
            plsc.addupdate_scatter(hist, [idx], ones)

    pltpu.sync_copy(hist, out.at[wid])




def _conv_body(hsA, hsB, src3, dst3, outA, outB, src_v, dst_v, rows0, rows1,
               acc, sem0, sem1, ssem0, ssem1):
    c = lax.axis_index("c")
    s = lax.axis_index("s")
    base = s * ROWS_PER_SUB

    @pl.loop(0, BB)
    def _zr(i):
        @pl.loop(0, 128, step=16)
        def _zc(j):
            rows0[i, pl.ds(j, 16)] = jnp.zeros((16,), jnp.float32)

    @pl.loop(0, ROWS_PER_SUB // BB)
    def _za(k):
        pltpu.sync_copy(rows0, acc.at[pl.ds(base + k * BB, BB)])

    pltpu.sync_copy(
        rows0.at[pl.ds(0, ROWS_PER_SUB % BB)],
        acc.at[pl.ds(base + (ROWS_PER_SUB // BB) * BB, ROWS_PER_SUB % BB)],
    )

    plsc.subcore_barrier()

    def work(hs_ref):
        @pl.loop(0, 2)
        def _half(h):
            pltpu.sync_copy(src3.at[s].at[pl.ds(h * (NB // 2), NB // 2)],
                            src_v)
            pltpu.sync_copy(dst3.at[s].at[pl.ds(h * (NB // 2), NB // 2)],
                            dst_v)

            pltpu.async_copy(hs_ref.at[src_v.at[0]], rows0, sem0)
            pltpu.async_copy(hs_ref.at[src_v.at[1]], rows1, sem1)

            @pl.loop(0, NB // 4 - 1)
            def _pair(jh):
                j = jh * 2
                pltpu.make_async_copy(hs_ref.at[src_v.at[j]], rows0,
                                      sem0).wait()
                s0 = pltpu.async_copy(rows0, acc.at[dst_v.at[j]], ssem0,
                                      add=True)
                pltpu.make_async_copy(hs_ref.at[src_v.at[j + 1]], rows1,
                                      sem1).wait()
                s1 = pltpu.async_copy(rows1, acc.at[dst_v.at[j + 1]], ssem1,
                                      add=True)
                s0.wait()
                pltpu.async_copy(hs_ref.at[src_v.at[j + 2]], rows0, sem0)
                s1.wait()
                pltpu.async_copy(hs_ref.at[src_v.at[j + 3]], rows1, sem1)

            jl = NB // 2 - 2
            pltpu.make_async_copy(hs_ref.at[src_v.at[jl]], rows0, sem0).wait()
            pltpu.sync_copy(rows0, acc.at[dst_v.at[jl]], add=True)
            pltpu.make_async_copy(hs_ref.at[src_v.at[jl + 1]], rows1,
                                  sem1).wait()
            pltpu.sync_copy(rows1, acc.at[dst_v.at[jl + 1]], add=True)

    @pl.when(c == 0)
    def _w0():
        work(hsA)

    @pl.when(c == 1)
    def _w1():
        work(hsB)

    plsc.subcore_barrier()

    @pl.when(c == 0)
    def _o0():
        pltpu.sync_copy(acc.at[pl.ds(base, ROWS_PER_SUB)],
                        outA.at[pl.ds(base, ROWS_PER_SUB)])

    @pl.when(c == 1)
    def _o1():
        pltpu.sync_copy(acc.at[pl.ds(base, ROWS_PER_SUB)],
                        outB.at[pl.ds(base, ROWS_PER_SUB)])


@functools.cache
def _sc_kernels():
    mesh = plsc.VectorSubcoreMesh(core_axis_name="c", subcore_axis_name="s")
    cp = pltpu.CompilerParams()
    if "needs_layout_passes" in pltpu.CompilerParams.__dataclass_fields__:
        cp = dataclasses.replace(cp, needs_layout_passes=False)
    hist = functools.partial(
        pl.kernel,
        out_type=jax.ShapeDtypeStruct((32, N_PAD), jnp.float32),
        mesh=mesh,
        compiler_params=cp,
        scratch_types=[
            pltpu.VMEM((NB, BB), jnp.int32),
            pltpu.VMEM((N_PAD,), jnp.float32),
        ],
    )(_hist_body)
    conv = functools.partial(
        pl.kernel,
        out_type=[
            jax.ShapeDtypeStruct((N_PAD, 128), jnp.float32),
            jax.ShapeDtypeStruct((N_PAD, 128), jnp.float32),
        ],
        mesh=mesh,
        scratch_types=[
            pltpu.VMEM((NB // 2, BB), jnp.int32),
            pltpu.VMEM((NB // 2, BB), jnp.int32),
            pltpu.VMEM((BB, 128), jnp.float32),
            pltpu.VMEM((BB, 128), jnp.float32),
            pltpu.VMEM_SHARED((N_PAD, 128), jnp.float32),
            pltpu.SemaphoreType.DMA,
            pltpu.SemaphoreType.DMA,
            pltpu.SemaphoreType.DMA,
            pltpu.SemaphoreType.DMA,
        ],
    )(_conv_body)
    return hist, conv



_BM = 1000
_PREC = jax.lax.Precision.DEFAULT


def _deg_body(p_ref, dis_ref):
    deg = jnp.sum(p_ref[...], axis=0, keepdims=True) + 1.0
    dis_ref[...] = lax.rsqrt(deg)


def _degree_kernel(partials):
    return pl.pallas_call(
        _deg_body,
        out_shape=jax.ShapeDtypeStruct((1, N_PAD), jnp.float32),
    )(partials)


def _m1_body(x_ref, w_ref, dis_ref, a_ref, b_ref):
    hs = jax.lax.dot_general(x_ref[...], w_ref[...], (((1,), (0,)), ((), ())),
                             precision=_PREC,
                             preferred_element_type=jnp.float32)
    hs = hs * dis_ref[...]
    a_ref[...] = hs[:, :128]
    b_ref[...] = hs[:, 128:]


def _m1_kernel(x, W1, dis_col):
    return pl.pallas_call(
        _m1_body,
        grid=(N_NODES // _BM,),
        in_specs=[
            pl.BlockSpec((_BM, D_IN), lambda i: (i, 0)),
            pl.BlockSpec((D_IN, D_HID), lambda i: (0, 0)),
            pl.BlockSpec((_BM, 1), lambda i: (i, 0)),
        ],
        out_specs=[
            pl.BlockSpec((_BM, 128), lambda i: (i, 0)),
            pl.BlockSpec((_BM, 128), lambda i: (i, 0)),
        ],
        out_shape=[
            jax.ShapeDtypeStruct((N_NODES, 128), jnp.float32),
            jax.ShapeDtypeStruct((N_NODES, 128), jnp.float32),
        ],
    )(x, W1, dis_col)


def _e1_body(aggA_ref, aggB_ref, hsA_ref, hsB_ref, dis_ref, b1_ref, w_ref,
             a_ref, b_ref):
    dis = dis_ref[...]
    hidden = jnp.concatenate(
        [(aggA_ref[...] + hsA_ref[...]) * dis,
         (aggB_ref[...] + hsB_ref[...]) * dis], axis=1)
    hidden = jnp.maximum(hidden + b1_ref[...], 0.0)
    hs2 = jax.lax.dot_general(hidden, w_ref[...], (((1,), (0,)), ((), ())),
                              precision=_PREC,
                              preferred_element_type=jnp.float32)
    hs2 = hs2 * dis
    a_ref[...] = hs2[:, :128]
    b_ref[...] = hs2[:, 128:]


def _e1_kernel(aggA, aggB, hsA, hsB, dis_col, b1_row, Wcat):
    blk = lambda i: (i, 0)
    return pl.pallas_call(
        _e1_body,
        grid=(N_NODES // _BM,),
        in_specs=[
            pl.BlockSpec((_BM, 128), blk),
            pl.BlockSpec((_BM, 128), blk),
            pl.BlockSpec((_BM, 128), blk),
            pl.BlockSpec((_BM, 128), blk),
            pl.BlockSpec((_BM, 1), blk),
            pl.BlockSpec((1, D_HID), lambda i: (0, 0)),
            pl.BlockSpec((D_HID, 2 * D_LAT), lambda i: (0, 0)),
        ],
        out_specs=[
            pl.BlockSpec((_BM, 128), blk),
            pl.BlockSpec((_BM, 128), blk),
        ],
        out_shape=[
            jax.ShapeDtypeStruct((N_NODES, 128), jnp.float32),
            jax.ShapeDtypeStruct((N_NODES, 128), jnp.float32),
        ],
    )(aggA, aggB, hsA, hsB, dis_col, b1_row, Wcat)


def _e2_body(aggA_ref, aggB_ref, hsA_ref, hsB_ref, dis_ref, bmu_ref, bls_ref,
             eps_ref, mu_ref, ls_ref, z_ref):
    dis = dis_ref[...]
    mu = (aggA_ref[...] + hsA_ref[...]) * dis + bmu_ref[...]
    ls = (aggB_ref[...] + hsB_ref[...]) * dis + bls_ref[...]
    mu_ref[...] = mu
    ls_ref[...] = ls
    z_ref[...] = (mu + eps_ref[...] * jnp.exp(ls)).astype(jnp.bfloat16)


def _e2_kernel(aggA, aggB, hsA, hsB, dis_col, bmu_row, bls_row, eps):
    blk = lambda i: (i, 0)
    return pl.pallas_call(
        _e2_body,
        grid=(N_NODES // _BM,),
        in_specs=[
            pl.BlockSpec((_BM, 128), blk),
            pl.BlockSpec((_BM, 128), blk),
            pl.BlockSpec((_BM, 128), blk),
            pl.BlockSpec((_BM, 128), blk),
            pl.BlockSpec((_BM, 1), blk),
            pl.BlockSpec((1, D_LAT), lambda i: (0, 0)),
            pl.BlockSpec((1, D_LAT), lambda i: (0, 0)),
            pl.BlockSpec((_BM, D_LAT), blk),
        ],
        out_specs=[pl.BlockSpec((_BM, D_LAT), blk)] * 3,
        out_shape=[jax.ShapeDtypeStruct((N_NODES, D_LAT), jnp.float32)] * 2
        + [jax.ShapeDtypeStruct((N_NODES, D_LAT), jnp.bfloat16)],
    )(aggA, aggB, hsA, hsB, dis_col, bmu_row, bls_row, eps)


def _dec_body(zi_ref, zj_ref, o_ref):
    o_ref[...] = jax.lax.dot_general(
        zi_ref[...], zj_ref[...], (((1,), (1,)), ((), ())),
        precision=jax.lax.Precision.DEFAULT, preferred_element_type=jnp.float32)


_BD = 1024


def _decoder_kernel(z):
    nblk = (N_NODES + _BD - 1) // _BD
    return pl.pallas_call(
        _dec_body,
        grid=(nblk, nblk),
        in_specs=[
            pl.BlockSpec((_BD, D_LAT), lambda i, j: (i, 0)),
            pl.BlockSpec((_BD, D_LAT), lambda i, j: (j, 0)),
        ],
        out_specs=pl.BlockSpec((_BD, _BD), lambda i, j: (i, j)),
        out_shape=jax.ShapeDtypeStruct((N_NODES, N_NODES), jnp.float32),
        compiler_params=pltpu.CompilerParams(
            dimension_semantics=("parallel", "parallel")),
    )(z, z)




def kernel(x, edge_index, W1, b1, W_mu, b_mu, W_ls, b_ls, eps):
    src = edge_index[0].astype(jnp.int32)
    dst = edge_index[1].astype(jnp.int32)

    n_extra = E_PAD - src.shape[0]
    ar = jnp.arange(n_extra, dtype=jnp.int32)
    pad_src = (ar * 131) % N_NODES
    pad_dst = N_NODES + (ar % 16)
    src3 = jnp.concatenate([src, pad_src]).reshape(16, NB, BB)
    dst3 = jnp.concatenate([dst, pad_dst]).reshape(16, NB, BB)

    _hist_kernel, _conv_kernel = _sc_kernels()
    partials = _hist_kernel(dst3)
    dis_row = _degree_kernel(partials)
    dis_col = dis_row.reshape(N_PAD, 1)[:N_NODES]

    hsA1, hsB1 = _m1_kernel(x, W1, dis_col)
    aggA1, aggB1 = _conv_kernel(hsA1, hsB1, src3, dst3)
    Wcat = jnp.concatenate([W_mu, W_ls], axis=1)
    hsA2, hsB2 = _e1_kernel(aggA1, aggB1, hsA1, hsB1,
                            dis_col, b1.reshape(1, -1), Wcat)
    aggA2, aggB2 = _conv_kernel(hsA2, hsB2, src3, dst3)
    mu, logstd, z = _e2_kernel(aggA2, aggB2, hsA2, hsB2,
                               dis_col, b_mu.reshape(1, -1),
                               b_ls.reshape(1, -1), eps)
    adj = _decoder_kernel(z)
    return (adj, mu, logstd)

# --- scband reference (transcript-rebuilt; emitter-appended) ---
"""Pipeline reference for scband-vgae-5403068858557 (READ-ONLY COPY).

The authoritative reference and input builder live on the scoring server;
editing this copy changes nothing except your own understanding.
"""

import jax, jax.numpy as jnp
import numpy as np

N_NODES = 10000
D_IN = 256
D_HID = 256
D_LAT = 128
N_EDGES = 160000


def gcn_conv(x, edge_index, W, b, n_nodes):
    src = edge_index[0]
    dst = edge_index[1]
    loop = jnp.arange(n_nodes, dtype=edge_index.dtype)
    src = jnp.concatenate([src, loop])
    dst = jnp.concatenate([dst, loop])
    deg = jnp.zeros((n_nodes,), dtype=x.dtype).at[dst].add(1.0)
    deg_inv_sqrt = jnp.where(deg > 0, 1.0 / jnp.sqrt(deg), 0.0)
    norm = deg_inv_sqrt[src] * deg_inv_sqrt[dst]
    h = x @ W
    msg = h[src] * norm[:, None]
    out = jnp.zeros((n_nodes, W.shape[1]), dtype=x.dtype).at[dst].add(msg)
    return out + b


def setup_inputs(seed: int = 0) -> dict:
    key = jax.random.key(seed)
    k = jax.random.split(key, 10)
    x = jax.random.normal(k[0], (N_NODES, D_IN), dtype=jnp.float32)
    edge_index = jax.random.randint(k[1], (2, N_EDGES), 0, N_NODES, dtype=jnp.int64 if jax.config.jax_enable_x64 else jnp.int32).astype(jnp.int32)
    s1 = 1.0 / np.sqrt(D_IN)
    s2 = 1.0 / np.sqrt(D_HID)
    W1 = jax.random.uniform(k[2], (D_IN, D_HID), dtype=jnp.float32, minval=-s1, maxval=s1)
    b1 = jnp.zeros((D_HID,), dtype=jnp.float32)
    W_mu = jax.random.uniform(k[3], (D_HID, D_LAT), dtype=jnp.float32, minval=-s2, maxval=s2)
    b_mu = jnp.zeros((D_LAT,), dtype=jnp.float32)
    W_ls = jax.random.uniform(k[4], (D_HID, D_LAT), dtype=jnp.float32, minval=-s2, maxval=s2)
    b_ls = jnp.zeros((D_LAT,), dtype=jnp.float32)
    eps = jax.random.normal(k[5], (N_NODES, D_LAT), dtype=jnp.float32)
    return {"x": x, "edge_index": edge_index, "W1": W1, "b1": b1, "W_mu": W_mu, "b_mu": b_mu, "W_ls": W_ls, "b_ls": b_ls, "eps": eps}


def reference(x, edge_index, W1, b1, W_mu, b_mu, W_ls, b_ls, eps):
    n_nodes = x.shape[0]
    # GCN encoder
    hidden = jax.nn.relu(gcn_conv(x, edge_index, W1, b1, n_nodes))
    mu = gcn_conv(hidden, edge_index, W_mu, b_mu, n_nodes)
    logstd = gcn_conv(hidden, edge_index, W_ls, b_ls, n_nodes)
    # reparameterize: z = mu + eps * exp(logstd)
    z = mu + eps * jnp.exp(logstd)
    # dot-product decoder: full adjacency reconstruction logits
    adj_recon_logits = z @ z.T
    return (adj_recon_logits, mu, logstd)

if __name__ == "__main__":
    import jax
    _d = setup_inputs()
    print(jax.jit(kernel)(*tuple(_d.values())))

</pallas_src>

<mosaic_0001>
#map = affine_map<(d0, d1) -> (0, 0, 0)>
#map1 = affine_map<(d0, d1) -> (0, 0)>
module attributes {stable_mosaic.version = 14 : i64} {
  func.func @_hist_body(%arg0: i32, %arg1: i32, %arg2: memref<16x80x128xi32, #tpu.memory_space<hbm>>, %arg3: memref<32x10112xf32, #tpu.memory_space<hbm>>, %arg4: memref<80x128xi32, #tpu.memory_space<vmem>>, %arg5: memref<10112xf32, #tpu.memory_space<vmem>>) attributes {dimension_semantics = [#tpu.dimension_semantics<core_parallel>, #tpu.dimension_semantics<subcore_parallel>], iteration_bounds = array<i64: 2, 16>, scalar_prefetch = 0 : i64, scratch_operands = 2 : i64, tpu.core_type = #tpu.core_type<sc_vector_subcore>, window_params = [{transform_indices = #map}, {transform_indices = #map1}]} {
    %mul3A = arith.constant 16 : i32
    %mul3A_0 = arith.muli %arg0, %mul3A : i32
    %add3A = arith.addi %mul3A_0, %arg1 : i32
    "tpu.region"() ({
      %run_scoped3A = tpu.sem_alloc : memref<!tpu.dma_semaphore, #tpu.memory_space<semaphore_mem>>
      %dma_start3A = arith.constant 0 : i32
      %dma_start3A_11 = arith.constant 0 : i32
      %dma_start3A_12 = tpu.memref_slice %arg2[%arg1, %dma_start3A, %dma_start3A_11] : memref<16x80x128xi32, #tpu.memory_space<hbm>> -> memref<1x80x128xi32, #tpu.memory_space<hbm>>
      %dma_start3A_13 = tpu.memref_squeeze %dma_start3A_12 : memref<1x80x128xi32, #tpu.memory_space<hbm>> -> memref<80x128xi32, #tpu.memory_space<hbm>>
      %dma_start3A_14 = arith.constant 0 : i32
      %dma_start3A_15 = arith.constant 0 : i32
      %dma_start3A_16 = tpu.memref_slice %arg2[%arg1, %dma_start3A_14, %dma_start3A_15] : memref<16x80x128xi32, #tpu.memory_space<hbm>> -> memref<1x80x128xi32, #tpu.memory_space<hbm>>
      %dma_start3A_17 = tpu.memref_squeeze %dma_start3A_16 : memref<1x80x128xi32, #tpu.memory_space<hbm>> -> memref<80x128xi32, #tpu.memory_space<hbm>>
      tpu.enqueue_dma source(%dma_start3A_17 : memref<80x128xi32, #tpu.memory_space<hbm>>) target(%arg4 : memref<80x128xi32, #tpu.memory_space<vmem>>) target_semaphore(%run_scoped3A : memref<!tpu.dma_semaphore, #tpu.memory_space<semaphore_mem>>)
      %dma_wait3A = arith.constant 0 : i32
      %dma_wait3A_18 = arith.constant 0 : i32
      %dma_wait3A_19 = tpu.memref_slice %arg2[%arg1, %dma_wait3A, %dma_wait3A_18] : memref<16x80x128xi32, #tpu.memory_space<hbm>> -> memref<1x80x128xi32, #tpu.memory_space<hbm>>
      %dma_wait3A_20 = tpu.memref_squeeze %dma_wait3A_19 : memref<1x80x128xi32, #tpu.memory_space<hbm>> -> memref<80x128xi32, #tpu.memory_space<hbm>>
      %dma_wait3A_21 = arith.constant 0 : i32
      %dma_wait3A_22 = arith.constant 0 : i32
      %dma_wait3A_23 = tpu.memref_slice %arg2[%arg1, %dma_wait3A_21, %dma_wait3A_22] : memref<16x80x128xi32, #tpu.memory_space<hbm>> -> memref<1x80x128xi32, #tpu.memory_space<hbm>>
      %dma_wait3A_24 = tpu.memref_squeeze %dma_wait3A_23 : memref<1x80x128xi32, #tpu.memory_space<hbm>> -> memref<80x128xi32, #tpu.memory_space<hbm>>
      tpu.wait_dma2 semaphore(%run_scoped3A : memref<!tpu.dma_semaphore, #tpu.memory_space<semaphore_mem>>) src(%dma_wait3A_24 : memref<80x128xi32, #tpu.memory_space<hbm>>) dst(%arg4 : memref<80x128xi32, #tpu.memory_space<vmem>>)
      tpu.yield
    }) : () -> ()
    %scan3A = arith.constant 0 : i32
    %scan3A_1 = arith.constant 632 : i32
    %scan3A_2 = arith.addi %scan3A, %scan3A_1 : i32
    %scan3A_3 = arith.constant 1 : i32
    scf.for %scan3A_11 = %scan3A to %scan3A_2 step %scan3A_3  : i32 {
      %mul3A_12 = arith.constant 16 : i32
      %mul3A_13 = arith.muli %scan3A_11, %mul3A_12 : i32
      %add3A_14 = arith.constant 0 : i32
      %add3A_15 = arith.addi %add3A_14, %mul3A_13 : i32
      %broadcast_in_dim3A_16 = arith.constant 0.000000e+00 : f32
      %broadcast_in_dim3A_17 = vector.broadcast %broadcast_in_dim3A_16 : f32 to vector<16xf32>
      %swap3A = arith.index_cast %add3A_15 : i32 to index
      %swap3A_18 = tpu.vector_load %arg5[%swap3A] {strides = array<i32>} : memref<10112xf32, #tpu.memory_space<vmem>>, vector<16xf32>,
      tpu.vector_store %arg5[%swap3A], %broadcast_in_dim3A_17 {strides = array<i32>} : memref<10112xf32, #tpu.memory_space<vmem>>, vector<16xf32>,
    }
    %scan3A_4 = arith.constant 632 : i32
    %broadcast_in_dim3A = arith.constant 1.000000e+00 : f32
    %broadcast_in_dim3A_5 = vector.broadcast %broadcast_in_dim3A : f32 to vector<16xf32>
    %scan3A_6 = arith.constant 0 : i32
    %scan3A_7 = arith.constant 40 : i32
    %scan3A_8 = arith.addi %scan3A_6, %scan3A_7 : i32
    %scan3A_9 = arith.constant 1 : i32
    scf.for %scan3A_11 = %scan3A_6 to %scan3A_8 step %scan3A_9  : i32 {
      %mul3A_12 = arith.constant 1 : i32
      %mul3A_13 = arith.muli %scan3A_11, %mul3A_12 : i32
      %add3A_14 = arith.constant 0 : i32
      %add3A_15 = arith.addi %add3A_14, %mul3A_13 : i32
      %scan3A_16 = arith.constant 0 : i32
      %scan3A_17 = arith.constant 8 : i32
      %scan3A_18 = arith.addi %scan3A_16, %scan3A_17 : i32
      %scan3A_19 = arith.constant 1 : i32
      scf.for %scan3A_21 = %scan3A_16 to %scan3A_18 step %scan3A_19  : i32 {
        %mul3A_22 = arith.constant 16 : i32
        %mul3A_23 = arith.muli %scan3A_21, %mul3A_22 : i32
        %add3A_24 = arith.constant 0 : i32
        %add3A_25 = arith.addi %add3A_24, %mul3A_23 : i32
        %mul3A_26 = arith.constant 40 : i32
        %mul3A_27 = arith.muli %arg0, %mul3A_26 : i32
        %add3A_28 = arith.addi %add3A_15, %mul3A_27 : i32
        %get3A = arith.index_cast %add3A_28 : i32 to index
        %get3A_29 = arith.index_cast %add3A_25 : i32 to index
        %get3A_30 = tpu.vector_load %arg4[%get3A, %get3A_29] {strides = array<i32>} : memref<80x128xi32, #tpu.memory_space<vmem>>, vector<16xi32>,
        tpu.vector_store_idx %arg5[%get3A_30], %broadcast_in_dim3A_5 {add = true} : memref<10112xf32, #tpu.memory_space<vmem>>[vector<16xi32>], vector<16xf32>,
      }
      %scan3A_20 = arith.constant 8 : i32
    }
    %scan3A_10 = arith.constant 40 : i32
    "tpu.region"() ({
      %run_scoped3A = tpu.sem_alloc : memref<!tpu.dma_semaphore, #tpu.memory_space<semaphore_mem>>
      %dma_start3A = arith.constant 0 : i32
      %dma_start3A_11 = tpu.memref_slice %arg3[%add3A, %dma_start3A] : memref<32x10112xf32, #tpu.memory_space<hbm>> -> memref<1x10112xf32, #tpu.memory_space<hbm>>
      %dma_start3A_12 = tpu.memref_squeeze %dma_start3A_11 : memref<1x10112xf32, #tpu.memory_space<hbm>> -> memref<10112xf32, #tpu.memory_space<hbm>>
      %dma_start3A_13 = arith.constant 0 : i32
      %dma_start3A_14 = tpu.memref_slice %arg3[%add3A, %dma_start3A_13] : memref<32x10112xf32, #tpu.memory_space<hbm>> -> memref<1x10112xf32, #tpu.memory_space<hbm>>
      %dma_start3A_15 = tpu.memref_squeeze %dma_start3A_14 : memref<1x10112xf32, #tpu.memory_space<hbm>> -> memref<10112xf32, #tpu.memory_space<hbm>>
      tpu.enqueue_dma source(%arg5 : memref<10112xf32, #tpu.memory_space<vmem>>) target(%dma_start3A_15 : memref<10112xf32, #tpu.memory_space<hbm>>) target_semaphore(%run_scoped3A : memref<!tpu.dma_semaphore, #tpu.memory_space<semaphore_mem>>)
      %dma_wait3A = arith.constant 0 : i32
      %dma_wait3A_16 = tpu.memref_slice %arg3[%add3A, %dma_wait3A] : memref<32x10112xf32, #tpu.memory_space<hbm>> -> memref<1x10112xf32, #tpu.memory_space<hbm>>
      %dma_wait3A_17 = tpu.memref_squeeze %dma_wait3A_16 : memref<1x10112xf32, #tpu.memory_space<hbm>> -> memref<10112xf32, #tpu.memory_space<hbm>>
      %dma_wait3A_18 = arith.constant 0 : i32
      %dma_wait3A_19 = tpu.memref_slice %arg3[%add3A, %dma_wait3A_18] : memref<32x10112xf32, #tpu.memory_space<hbm>> -> memref<1x10112xf32, #tpu.memory_space<hbm>>
      %dma_wait3A_20 = tpu.memref_squeeze %dma_wait3A_19 : memref<1x10112xf32, #tpu.memory_space<hbm>> -> memref<10112xf32, #tpu.memory_space<hbm>>
      tpu.wait_dma2 semaphore(%run_scoped3A : memref<!tpu.dma_semaphore, #tpu.memory_space<semaphore_mem>>) src(%arg5 : memref<10112xf32, #tpu.memory_space<vmem>>) dst(%dma_wait3A_20 : memref<10112xf32, #tpu.memory_space<hbm>>)
      tpu.yield
    }) : () -> ()
    return
  }
}

#map = affine_map<(d0, d1) -> (0, 0)>
#map1 = affine_map<(d0, d1) -> (0, 0, 0)>
module attributes {stable_mosaic.version = 14 : i64} {
  func.func @_conv_body(%arg0: i32, %arg1: i32, %arg2: memref<10000x128xf32, #tpu.memory_space<hbm>>, %arg3: memref<10000x128xf32, #tpu.memory_space<hbm>>, %arg4: memref<16x80x128xi32, #tpu.memory_space<hbm>>, %arg5: memref<16x80x128xi32, #tpu.memory_space<hbm>>, %arg6: memref<10112x128xf32, #tpu.memory_space<hbm>>, %arg7: memref<10112x128xf32, #tpu.memory_space<hbm>>, %arg8: memref<40x128xi32, #tpu.memory_space<vmem>>, %arg9: memref<40x128xi32, #tpu.memory_space<vmem>>, %arg10: memref<128x128xf32, #tpu.memory_space<vmem>>, %arg11: memref<128x128xf32, #tpu.memory_space<vmem>>, %arg12: memref<10112x128xf32, #tpu.memory_space<vmem_shared>>, %arg13: memref<!tpu.dma_semaphore, #tpu.memory_space<semaphore_mem>>, %arg14: memref<!tpu.dma_semaphore, #tpu.memory_space<semaphore_mem>>, %arg15: memref<!tpu.dma_semaphore, #tpu.memory_space<semaphore_mem>>, %arg16: memref<!tpu.dma_semaphore, #tpu.memory_space<semaphore_mem>>) attributes {dimension_semantics = [#tpu.dimension_semantics<core_parallel>, #tpu.dimension_semantics<subcore_parallel>], iteration_bounds = array<i64: 2, 16>, scalar_prefetch = 0 : i64, scratch_operands = 9 : i64, tpu.core_type = #tpu.core_type<sc_vector_subcore>, window_params = [{transform_indices = #map}, {transform_indices = #map}, {transform_indices = #map1}, {transform_indices = #map1}, {transform_indices = #map}, {transform_indices = #map}]} {
    %mul3A = arith.constant 632 : i32
    %mul3A_0 = arith.muli %arg1, %mul3A : i32
    %scan3A = arith.constant 0 : i32
    %scan3A_1 = arith.constant 128 : i32
    %scan3A_2 = arith.addi %scan3A, %scan3A_1 : i32
    %scan3A_3 = arith.constant 1 : i32
    scf.for %scan3A_29 = %scan3A to %scan3A_2 step %scan3A_3  : i32 {
      %mul3A_30 = arith.constant 1 : i32
      %mul3A_31 = arith.muli %scan3A_29, %mul3A_30 : i32
      %add3A_32 = arith.constant 0 : i32
      %add3A_33 = arith.addi %add3A_32, %mul3A_31 : i32
      %scan3A_34 = arith.constant 0 : i32
      %scan3A_35 = arith.constant 8 : i32
      %scan3A_36 = arith.addi %scan3A_34, %scan3A_35 : i32
      %scan3A_37 = arith.constant 1 : i32
      scf.for %scan3A_39 = %scan3A_34 to %scan3A_36 step %scan3A_37  : i32 {
        %mul3A_40 = arith.constant 16 : i32
        %mul3A_41 = arith.muli %scan3A_39, %mul3A_40 : i32
        %add3A_42 = arith.constant 0 : i32
        %add3A_43 = arith.addi %add3A_42, %mul3A_41 : i32
        %broadcast_in_dim3A = arith.constant 0.000000e+00 : f32
        %broadcast_in_dim3A_44 = vector.broadcast %broadcast_in_dim3A : f32 to vector<16xf32>
        %swap3A = arith.index_cast %add3A_33 : i32 to index
        %swap3A_45 = arith.index_cast %add3A_43 : i32 to index
        %swap3A_46 = tpu.vector_load %arg10[%swap3A, %swap3A_45] {strides = array<i32>} : memref<128x128xf32, #tpu.memory_space<vmem>>, vector<1x16xf32>,
        %swap3A_47 = vector.shape_cast %swap3A_46 : vector<1x16xf32> to vector<16xf32>
        %swap3A_48 = vector.shape_cast %broadcast_in_dim3A_44 : vector<16xf32> to vector<1x16xf32>
        tpu.vector_store %arg10[%swap3A, %swap3A_45], %swap3A_48 {strides = array<i32>} : memref<128x128xf32, #tpu.memory_space<vmem>>, vector<1x16xf32>,
      }
      %scan3A_38 = arith.constant 8 : i32
    }
    %scan3A_4 = arith.constant 128 : i32
    %scan3A_5 = arith.constant 0 : i32
    %scan3A_6 = arith.constant 4 : i32
    %scan3A_7 = arith.addi %scan3A_5, %scan3A_6 : i32
    %scan3A_8 = arith.constant 1 : i32
    scf.for %scan3A_29 = %scan3A_5 to %scan3A_7 step %scan3A_8  : i32 {
      %mul3A_30 = arith.constant 1 : i32
      %mul3A_31 = arith.muli %scan3A_29, %mul3A_30 : i32
      %add3A_32 = arith.constant 0 : i32
      %add3A_33 = arith.addi %add3A_32, %mul3A_31 : i32
      %mul3A_34 = arith.constant 128 : i32
      %mul3A_35 = arith.muli %add3A_33, %mul3A_34 : i32
      %add3A_36 = arith.addi %mul3A_0, %mul3A_35 : i32
      "tpu.region"() ({
        %run_scoped3A = tpu.sem_alloc : memref<!tpu.dma_semaphore, #tpu.memory_space<semaphore_mem>>
        %dma_start3A = arith.constant 0 : i32
        %dma_start3A_37 = tpu.memref_slice %arg12[%add3A_36, %dma_start3A] : memref<10112x128xf32, #tpu.memory_space<vmem_shared>> -> memref<128x128xf32, #tpu.memory_space<vmem_shared>>
        %dma_start3A_38 = arith.constant 0 : i32
        %dma_start3A_39 = tpu.memref_slice %arg12[%add3A_36, %dma_start3A_38] : memref<10112x128xf32, #tpu.memory_space<vmem_shared>> -> memref<128x128xf32, #tpu.memory_space<vmem_shared>>
        tpu.enqueue_dma source(%arg10 : memref<128x128xf32, #tpu.memory_space<vmem>>) target(%dma_start3A_39 : memref<128x128xf32, #tpu.memory_space<vmem_shared>>) target_semaphore(%run_scoped3A : memref<!tpu.dma_semaphore, #tpu.memory_space<semaphore_mem>>)
        %dma_wait3A = arith.constant 0 : i32
        %dma_wait3A_40 = tpu.memref_slice %arg12[%add3A_36, %dma_wait3A] : memref<10112x128xf32, #tpu.memory_space<vmem_shared>> -> memref<128x128xf32, #tpu.memory_space<vmem_shared>>
        %dma_wait3A_41 = arith.constant 0 : i32
        %dma_wait3A_42 = tpu.memref_slice %arg12[%add3A_36, %dma_wait3A_41] : memref<10112x128xf32, #tpu.memory_space<vmem_shared>> -> memref<128x128xf32, #tpu.memory_space<vmem_shared>>
        tpu.wait_dma2 semaphore(%run_scoped3A : memref<!tpu.dma_semaphore, #tpu.memory_space<semaphore_mem>>) src(%arg10 : memref<128x128xf32, #tpu.memory_space<vmem>>) dst(%dma_wait3A_42 : memref<128x128xf32, #tpu.memory_space<vmem_shared>>)
        tpu.yield
      }) : () -> ()
    }
    %scan3A_9 = arith.constant 4 : i32
    %add3A = arith.constant 512 : i32
    %add3A_10 = arith.addi %mul3A_0, %add3A : i32
    "tpu.region"() ({
      %run_scoped3A = tpu.sem_alloc : memref<!tpu.dma_semaphore, #tpu.memory_space<semaphore_mem>>
      %dma_start3A = arith.constant 0 : i32
      %dma_start3A_29 = arith.constant 0 : i32
      %dma_start3A_30 = tpu.memref_slice %arg10[%dma_start3A, %dma_start3A_29] : memref<128x128xf32, #tpu.memory_space<vmem>> -> memref<120x128xf32, #tpu.memory_space<vmem>>
      %dma_start3A_31 = arith.constant 0 : i32
      %dma_start3A_32 = tpu.memref_slice %arg12[%add3A_10, %dma_start3A_31] : memref<10112x128xf32, #tpu.memory_space<vmem_shared>> -> memref<120x128xf32, #tpu.memory_space<vmem_shared>>
      %dma_start3A_33 = arith.constant 0 : i32
      %dma_start3A_34 = tpu.memref_slice %arg12[%add3A_10, %dma_start3A_33] : memref<10112x128xf32, #tpu.memory_space<vmem_shared>> -> memref<120x128xf32, #tpu.memory_space<vmem_shared>>
      %dma_start3A_35 = arith.constant 0 : i32
      %dma_start3A_36 = arith.constant 0 : i32
      %dma_start3A_37 = tpu.memref_slice %arg10[%dma_start3A_35, %dma_start3A_36] : memref<128x128xf32, #tpu.memory_space<vmem>> -> memref<120x128xf32, #tpu.memory_space<vmem>>
      tpu.enqueue_dma source(%dma_start3A_37 : memref<120x128xf32, #tpu.memory_space<vmem>>) target(%dma_start3A_34 : memref<120x128xf32, #tpu.memory_space<vmem_shared>>) target_semaphore(%run_scoped3A : memref<!tpu.dma_semaphore, #tpu.memory_space<semaphore_mem>>)
      %dma_wait3A = arith.constant 0 : i32
      %dma_wait3A_38 = arith.constant 0 : i32
      %dma_wait3A_39 = tpu.memref_slice %arg10[%dma_wait3A, %dma_wait3A_38] : memref<128x128xf32, #tpu.memory_space<vmem>> -> memref<120x128xf32, #tpu.memory_space<vmem>>
      %dma_wait3A_40 = arith.constant 0 : i32
      %dma_wait3A_41 = tpu.memref_slice %arg12[%add3A_10, %dma_wait3A_40] : memref<10112x128xf32, #tpu.memory_space<vmem_shared>> -> memref<120x128xf32, #tpu.memory_space<vmem_shared>>
      %dma_wait3A_42 = arith.constant 0 : i32
      %dma_wait3A_43 = tpu.memref_slice %arg12[%add3A_10, %dma_wait3A_42] : memref<10112x128xf32, #tpu.memory_space<vmem_shared>> -> memref<120x128xf32, #tpu.memory_space<vmem_shared>>
      %dma_wait3A_44 = arith.constant 0 : i32
      %dma_wait3A_45 = arith.constant 0 : i32
      %dma_wait3A_46 = tpu.memref_slice %arg10[%dma_wait3A_44, %dma_wait3A_45] : memref<128x128xf32, #tpu.memory_space<vmem>> -> memref<120x128xf32, #tpu.memory_space<vmem>>
      tpu.wait_dma2 semaphore(%run_scoped3A : memref<!tpu.dma_semaphore, #tpu.memory_space<semaphore_mem>>) src(%dma_wait3A_46 : memref<120x128xf32, #tpu.memory_space<vmem>>) dst(%dma_wait3A_43 : memref<120x128xf32, #tpu.memory_space<vmem_shared>>)
      tpu.yield
    }) : () -> ()
    %barrier3A = arith.constant 0 : index
    tpu.barrier barrier_id(%barrier3A)
    %eq3A = arith.constant 0 : i32
    %eq3A_11 = arith.cmpi eq, %arg0, %eq3A : i32
    %convert_element_type3A = arith.extui %eq3A_11 : i1 to i32
    %cond3A = arith.constant 0 : i32
    %cond3A_12 = arith.cmpi ne, %convert_element_type3A, %cond3A : i32
    scf.if %cond3A_12 {
      %scan3A_29 = arith.constant 0 : i32
      %scan3A_30 = arith.constant 2 : i32
      %scan3A_31 = arith.addi %scan3A_29, %scan3A_30 : i32
      %scan3A_32 = arith.constant 1 : i32
      scf.for %scan3A_34 = %scan3A_29 to %scan3A_31 step %scan3A_32  : i32 {
        %mul3A_35 = arith.constant 1 : i32
        %mul3A_36 = arith.muli %scan3A_34, %mul3A_35 : i32
        %add3A_37 = arith.constant 0 : i32
        %add3A_38 = arith.addi %add3A_37, %mul3A_36 : i32
        %mul3A_39 = arith.constant 40 : i32
        %mul3A_40 = arith.muli %add3A_38, %mul3A_39 : i32
        "tpu.region"() ({
          %run_scoped3A_75 = tpu.sem_alloc : memref<!tpu.dma_semaphore, #tpu.memory_space<semaphore_mem>>
          %dma_start3A_76 = arith.constant 0 : i32
          %dma_start3A_77 = arith.constant 0 : i32
          %dma_start3A_78 = tpu.memref_slice %arg4[%arg1, %dma_start3A_76, %dma_start3A_77] : memref<16x80x128xi32, #tpu.memory_space<hbm>> -> memref<1x80x128xi32, #tpu.memory_space<hbm>>
          %dma_start3A_79 = tpu.memref_squeeze %dma_start3A_78 : memref<1x80x128xi32, #tpu.memory_space<hbm>> -> memref<80x128xi32, #tpu.memory_space<hbm>>
          %dma_start3A_80 = arith.constant 0 : i32
          %dma_start3A_81 = tpu.memref_slice %dma_start3A_79[%mul3A_40, %dma_start3A_80] : memref<80x128xi32, #tpu.memory_space<hbm>> -> memref<40x128xi32, #tpu.memory_space<hbm>>
          %dma_start3A_82 = arith.constant 0 : i32
          %dma_start3A_83 = arith.constant 0 : i32
          %dma_start3A_84 = tpu.memref_slice %arg4[%arg1, %dma_start3A_82, %dma_start3A_83] : memref<16x80x128xi32, #tpu.memory_space<hbm>> -> memref<1x80x128xi32, #tpu.memory_space<hbm>>
          %dma_start3A_85 = tpu.memref_squeeze %dma_start3A_84 : memref<1x80x128xi32, #tpu.memory_space<hbm>> -> memref<80x128xi32, #tpu.memory_space<hbm>>
          %dma_start3A_86 = arith.constant 0 : i32
          %dma_start3A_87 = tpu.memref_slice %dma_start3A_85[%mul3A_40, %dma_start3A_86] : memref<80x128xi32, #tpu.memory_space<hbm>> -> memref<40x128xi32, #tpu.memory_space<hbm>>
          tpu.enqueue_dma source(%dma_start3A_87 : memref<40x128xi32, #tpu.memory_space<hbm>>) target(%arg8 : memref<40x128xi32, #tpu.memory_space<vmem>>) target_semaphore(%run_scoped3A_75 : memref<!tpu.dma_semaphore, #tpu.memory_space<semaphore_mem>>)
          %dma_wait3A_88 = arith.constant 0 : i32
          %dma_wait3A_89 = arith.constant 0 : i32
          %dma_wait3A_90 = tpu.memref_slice %arg4[%arg1, %dma_wait3A_88, %dma_wait3A_89] : memref<16x80x128xi32, #tpu.memory_space<hbm>> -> memref<1x80x128xi32, #tpu.memory_space<hbm>>
          %dma_wait3A_91 = tpu.memref_squeeze %dma_wait3A_90 : memref<1x80x128xi32, #tpu.memory_space<hbm>> -> memref<80x128xi32, #tpu.memory_space<hbm>>
          %dma_wait3A_92 = arith.constant 0 : i32
          %dma_wait3A_93 = tpu.memref_slice %dma_wait3A_91[%mul3A_40, %dma_wait3A_92] : memref<80x128xi32, #tpu.memory_space<hbm>> -> memref<40x128xi32, #tpu.memory_space<hbm>>
          %dma_wait3A_94 = arith.constant 0 : i32
          %dma_wait3A_95 = arith.constant 0 : i32
          %dma_wait3A_96 = tpu.memref_slice %arg4[%arg1, %dma_wait3A_94, %dma_wait3A_95] : memref<16x80x128xi32, #tpu.memory_space<hbm>> -> memref<1x80x128xi32, #tpu.memory_space<hbm>>
          %dma_wait3A_97 = tpu.memref_squeeze %dma_wait3A_96 : memref<1x80x128xi32, #tpu.memory_space<hbm>> -> memref<80x128xi32, #tpu.memory_space<hbm>>
          %dma_wait3A_98 = arith.constant 0 : i32
          %dma_wait3A_99 = tpu.memref_slice %dma_wait3A_97[%mul3A_40, %dma_wait3A_98] : memref<80x128xi32, #tpu.memory_space<hbm>> -> memref<40x128xi32, #tpu.memory_space<hbm>>
          tpu.wait_dma2 semaphore(%run_scoped3A_75 : memref<!tpu.dma_semaphore, #tpu.memory_space<semaphore_mem>>) src(%dma_wait3A_99 : memref<40x128xi32, #tpu.memory_space<hbm>>) dst(%arg8 : memref<40x128xi32, #tpu.memory_space<vmem>>)
          tpu.yield
        }) : () -> ()
        %mul3A_41 = arith.constant 40 : i32
        %mul3A_42 = arith.muli %add3A_38, %mul3A_41 : i32
        "tpu.region"() ({
          %run_scoped3A_75 = tpu.sem_alloc : memref<!tpu.dma_semaphore, #tpu.memory_space<semaphore_mem>>
          %dma_start3A_76 = arith.constant 0 : i32
          %dma_start3A_77 = arith.constant 0 : i32
          %dma_start3A_78 = tpu.memref_slice %arg5[%arg1, %dma_start3A_76, %dma_start3A_77] : memref<16x80x128xi32, #tpu.memory_space<hbm>> -> memref<1x80x128xi32, #tpu.memory_space<hbm>>
          %dma_start3A_79 = tpu.memref_squeeze %dma_start3A_78 : memref<1x80x128xi32, #tpu.memory_space<hbm>> -> memref<80x128xi32, #tpu.memory_space<hbm>>
          %dma_start3A_80 = arith.constant 0 : i32
          %dma_start3A_81 = tpu.memref_slice %dma_start3A_79[%mul3A_42, %dma_start3A_80] : memref<80x128xi32, #tpu.memory_space<hbm>> -> memref<40x128xi32, #tpu.memory_space<hbm>>
          %dma_start3A_82 = arith.constant 0 : i32
          %dma_start3A_83 = arith.constant 0 : i32
          %dma_start3A_84 = tpu.memref_slice %arg5[%arg1, %dma_start3A_82, %dma_start3A_83] : memref<16x80x128xi32, #tpu.memory_space<hbm>> -> memref<1x80x128xi32, #tpu.memory_space<hbm>>
          %dma_start3A_85 = tpu.memref_squeeze %dma_start3A_84 : memref<1x80x128xi32, #tpu.memory_space<hbm>> -> memref<80x128xi32, #tpu.memory_space<hbm>>
          %dma_start3A_86 = arith.constant 0 : i32
          %dma_start3A_87 = tpu.memref_slice %dma_start3A_85[%mul3A_42, %dma_start3A_86] : memref<80x128xi32, #tpu.memory_space<hbm>> -> memref<40x128xi32, #tpu.memory_space<hbm>>
          tpu.enqueue_dma source(%dma_start3A_87 : memref<40x128xi32, #tpu.memory_space<hbm>>) target(%arg9 : memref<40x128xi32, #tpu.memory_space<vmem>>) target_semaphore(%run_scoped3A_75 : memref<!tpu.dma_semaphore, #tpu.memory_space<semaphore_mem>>)
          %dma_wait3A_88 = arith.constant 0 : i32
          %dma_wait3A_89 = arith.constant 0 : i32
          %dma_wait3A_90 = tpu.memref_slice %arg5[%arg1, %dma_wait3A_88, %dma_wait3A_89] : memref<16x80x128xi32, #tpu.memory_space<hbm>> -> memref<1x80x128xi32, #tpu.memory_space<hbm>>
          %dma_wait3A_91 = tpu.memref_squeeze %dma_wait3A_90 : memref<1x80x128xi32, #tpu.memory_space<hbm>> -> memref<80x128xi32, #tpu.memory_space<hbm>>
          %dma_wait3A_92 = arith.constant 0 : i32
          %dma_wait3A_93 = tpu.memref_slice %dma_wait3A_91[%mul3A_42, %dma_wait3A_92] : memref<80x128xi32, #tpu.memory_space<hbm>> -> memref<40x128xi32, #tpu.memory_space<hbm>>
          %dma_wait3A_94 = arith.constant 0 : i32
          %dma_wait3A_95 = arith.constant 0 : i32
          %dma_wait3A_96 = tpu.memref_slice %arg5[%arg1, %dma_wait3A_94, %dma_wait3A_95] : memref<16x80x128xi32, #tpu.memory_space<hbm>> -> memref<1x80x128xi32, #tpu.memory_space<hbm>>
          %dma_wait3A_97 = tpu.memref_squeeze %dma_wait3A_96 : memref<1x80x128xi32, #tpu.memory_space<hbm>> -> memref<80x128xi32, #tpu.memory_space<hbm>>
          %dma_wait3A_98 = arith.constant 0 : i32
          %dma_wait3A_99 = tpu.memref_slice %dma_wait3A_97[%mul3A_42, %dma_wait3A_98] : memref<80x128xi32, #tpu.memory_space<hbm>> -> memref<40x128xi32, #tpu.memory_space<hbm>>
          tpu.wait_dma2 semaphore(%run_scoped3A_75 : memref<!tpu.dma_semaphore, #tpu.memory_space<semaphore_mem>>) src(%dma_wait3A_99 : memref<40x128xi32, #tpu.memory_space<hbm>>) dst(%arg9 : memref<40x128xi32, #tpu.memory_space<vmem>>)
          tpu.yield
        }) : () -> ()
        %dma_start3A = arith.constant 0 : i32
        %dma_start3A_43 = arith.constant 0 : i32
        %dma_start3A_44 = tpu.memref_slice %arg8[%dma_start3A, %dma_start3A_43] : memref<40x128xi32, #tpu.memory_space<vmem>> -> memref<1x128xi32, #tpu.memory_space<vmem>>
        %dma_start3A_45 = tpu.memref_squeeze %dma_start3A_44 : memref<1x128xi32, #tpu.memory_space<vmem>> -> memref<128xi32, #tpu.memory_space<vmem>>
        %dma_start3A_46 = arith.constant 0 : i32
        %dma_start3A_47 = arith.constant 0 : i32
        %dma_start3A_48 = tpu.memref_slice %arg2[%dma_start3A_46, %dma_start3A_47] : memref<10000x128xf32, #tpu.memory_space<hbm>> -> memref<10000x128xf32, #tpu.memory_space<hbm>>
        tpu.enqueue_indirect_dma source(%dma_start3A_48 : memref<10000x128xf32, #tpu.memory_space<hbm>>) target(%arg10 : memref<128x128xf32, #tpu.memory_space<vmem>>) offsets(%dma_start3A_45 : memref<128xi32, #tpu.memory_space<vmem>>) semaphore(%arg13 : memref<!tpu.dma_semaphore, #tpu.memory_space<semaphore_mem>>)
        %dma_start3A_49 = arith.constant 1 : i32
        %dma_start3A_50 = arith.constant 0 : i32
        %dma_start3A_51 = tpu.memref_slice %arg8[%dma_start3A_49, %dma_start3A_50] : memref<40x128xi32, #tpu.memory_space<vmem>> -> memref<1x128xi32, #tpu.memory_space<vmem>>
        %dma_start3A_52 = tpu.memref_squeeze %dma_start3A_51 : memref<1x128xi32, #tpu.memory_space<vmem>> -> memref<128xi32, #tpu.memory_space<vmem>>
        %dma_start3A_53 = arith.constant 0 : i32
        %dma_start3A_54 = arith.constant 0 : i32
        %dma_start3A_55 = tpu.memref_slice %arg2[%dma_start3A_53, %dma_start3A_54] : memref<10000x128xf32, #tpu.memory_space<hbm>> -> memref<10000x128xf32, #tpu.memory_space<hbm>>
        tpu.enqueue_indirect_dma source(%dma_start3A_55 : memref<10000x128xf32, #tpu.memory_space<hbm>>) target(%arg11 : memref<128x128xf32, #tpu.memory_space<vmem>>) offsets(%dma_start3A_52 : memref<128xi32, #tpu.memory_space<vmem>>) semaphore(%arg14 : memref<!tpu.dma_semaphore, #tpu.memory_space<semaphore_mem>>)
        %scan3A_56 = arith.constant 0 : i32
        %scan3A_57 = arith.constant 19 : i32
        %scan3A_58 = arith.addi %scan3A_56, %scan3A_57 : i32
        %scan3A_59 = arith.constant 1 : i32
        scf.for %scan3A_75 = %scan3A_56 to %scan3A_58 step %scan3A_59  : i32 {
          %mul3A_76 = arith.constant 1 : i32
          %mul3A_77 = arith.muli %scan3A_75, %mul3A_76 : i32
          %add3A_78 = arith.constant 0 : i32
          %add3A_79 = arith.addi %add3A_78, %mul3A_77 : i32
          %mul3A_80 = arith.constant 2 : i32
          %mul3A_81 = arith.muli %add3A_79, %mul3A_80 : i32
          %dma_wait3A_82 = arith.constant 0 : i32
          %dma_wait3A_83 = tpu.memref_slice %arg8[%mul3A_81, %dma_wait3A_82] : memref<40x128xi32, #tpu.memory_space<vmem>> -> memref<1x128xi32, #tpu.memory_space<vmem>>
          %dma_wait3A_84 = tpu.memref_squeeze %dma_wait3A_83 : memref<1x128xi32, #tpu.memory_space<vmem>> -> memref<128xi32, #tpu.memory_space<vmem>>
          %dma_wait3A_85 = arith.constant 0 : i32
          %dma_wait3A_86 = arith.constant 0 : i32
          %dma_wait3A_87 = tpu.memref_slice %arg2[%dma_wait3A_85, %dma_wait3A_86] : memref<10000x128xf32, #tpu.memory_space<hbm>> -> memref<10000x128xf32, #tpu.memory_space<hbm>>
          tpu.wait_indirect_dma semaphore(%arg13 : memref<!tpu.dma_semaphore, #tpu.memory_space<semaphore_mem>>) src(%dma_wait3A_87 : memref<10000x128xf32, #tpu.memory_space<hbm>>) dst(%arg10 : memref<128x128xf32, #tpu.memory_space<vmem>>)
          %dma_start3A_88 = arith.constant 0 : i32
          %dma_start3A_89 = tpu.memref_slice %arg9[%mul3A_81, %dma_start3A_88] : memref<40x128xi32, #tpu.memory_space<vmem>> -> memref<1x128xi32, #tpu.memory_space<vmem>>
          %dma_start3A_90 = tpu.memref_squeeze %dma_start3A_89 : memref<1x128xi32, #tpu.memory_space<vmem>> -> memref<128xi32, #tpu.memory_space<vmem>>
          %dma_start3A_91 = arith.constant 0 : i32
          %dma_start3A_92 = arith.constant 0 : i32
          %dma_start3A_93 = tpu.memref_slice %arg12[%dma_start3A_91, %dma_start3A_92] : memref<10112x128xf32, #tpu.memory_space<vmem_shared>> -> memref<10112x128xf32, #tpu.memory_space<vmem_shared>>
          tpu.enqueue_indirect_dma source(%arg10 : memref<128x128xf32, #tpu.memory_space<vmem>>) target(%dma_start3A_93 : memref<10112x128xf32, #tpu.memory_space<vmem_shared>>) offsets(%dma_start3A_90 : memref<128xi32, #tpu.memory_space<vmem>>) semaphore(%arg15 : memref<!tpu.dma_semaphore, #tpu.memory_space<semaphore_mem>>) {add = true}
          %add3A_94 = arith.constant 1 : i32
          %add3A_95 = arith.addi %mul3A_81, %add3A_94 : i32
          %dma_wait3A_96 = arith.constant 0 : i32
          %dma_wait3A_97 = tpu.memref_slice %arg8[%add3A_95, %dma_wait3A_96] : memref<40x128xi32, #tpu.memory_space<vmem>> -> memref<1x128xi32, #tpu.memory_space<vmem>>
          %dma_wait3A_98 = tpu.memref_squeeze %dma_wait3A_97 : memref<1x128xi32, #tpu.memory_space<vmem>> -> memref<128xi32, #tpu.memory_space<vmem>>
          %dma_wait3A_99 = arith.constant 0 : i32
          %dma_wait3A_100 = arith.constant 0 : i32
          %dma_wait3A_101 = tpu.memref_slice %arg2[%dma_wait3A_99, %dma_wait3A_100] : memref<10000x128xf32, #tpu.memory_space<hbm>> -> memref<10000x128xf32, #tpu.memory_space<hbm>>
          tpu.wait_indirect_dma semaphore(%arg14 : memref<!tpu.dma_semaphore, #tpu.memory_space<semaphore_mem>>) src(%dma_wait3A_101 : memref<10000x128xf32, #tpu.memory_space<hbm>>) dst(%arg11 : memref<128x128xf32, #tpu.memory_space<vmem>>)
          %add3A_102 = arith.constant 1 : i32
          %add3A_103 = arith.addi %mul3A_81, %add3A_102 : i32
          %dma_start3A_104 = arith.constant 0 : i32
          %dma_start3A_105 = tpu.memref_slice %arg9[%add3A_103, %dma_start3A_104] : memref<40x128xi32, #tpu.memory_space<vmem>> -> memref<1x128xi32, #tpu.memory_space<vmem>>
          %dma_start3A_106 = tpu.memref_squeeze %dma_start3A_105 : memref<1x128xi32, #tpu.memory_space<vmem>> -> memref<128xi32, #tpu.memory_space<vmem>>
          %dma_start3A_107 = arith.constant 0 : i32
          %dma_start3A_108 = arith.constant 0 : i32
          %dma_start3A_109 = tpu.memref_slice %arg12[%dma_start3A_107, %dma_start3A_108] : memref<10112x128xf32, #tpu.memory_space<vmem_shared>> -> memref<10112x128xf32, #tpu.memory_space<vmem_shared>>
          tpu.enqueue_indirect_dma source(%arg11 : memref<128x128xf32, #tpu.memory_space<vmem>>) target(%dma_start3A_109 : memref<10112x128xf32, #tpu.memory_space<vmem_shared>>) offsets(%dma_start3A_106 : memref<128xi32, #tpu.memory_space<vmem>>) semaphore(%arg16 : memref<!tpu.dma_semaphore, #tpu.memory_space<semaphore_mem>>) {add = true}
          %dma_wait3A_110 = arith.constant 0 : i32
          %dma_wait3A_111 = tpu.memref_slice %arg9[%mul3A_81, %dma_wait3A_110] : memref<40x128xi32, #tpu.memory_space<vmem>> -> memref<1x128xi32, #tpu.memory_space<vmem>>
          %dma_wait3A_112 = tpu.memref_squeeze %dma_wait3A_111 : memref<1x128xi32, #tpu.memory_space<vmem>> -> memref<128xi32, #tpu.memory_space<vmem>>
          %dma_wait3A_113 = arith.constant 0 : i32
          %dma_wait3A_114 = arith.constant 0 : i32
          %dma_wait3A_115 = tpu.memref_slice %arg12[%dma_wait3A_113, %dma_wait3A_114] : memref<10112x128xf32, #tpu.memory_space<vmem_shared>> -> memref<10112x128xf32, #tpu.memory_space<vmem_shared>>
          tpu.wait_indirect_dma semaphore(%arg15 : memref<!tpu.dma_semaphore, #tpu.memory_space<semaphore_mem>>) src(%arg10 : memref<128x128xf32, #tpu.memory_space<vmem>>) dst(%dma_wait3A_115 : memref<10112x128xf32, #tpu.memory_space<vmem_shared>>)
          %add3A_116 = arith.constant 2 : i32
          %add3A_117 = arith.addi %mul3A_81, %add3A_116 : i32
          %dma_start3A_118 = arith.constant 0 : i32
          %dma_start3A_119 = tpu.memref_slice %arg8[%add3A_117, %dma_start3A_118] : memref<40x128xi32, #tpu.memory_space<vmem>> -> memref<1x128xi32, #tpu.memory_space<vmem>>
          %dma_start3A_120 = tpu.memref_squeeze %dma_start3A_119 : memref<1x128xi32, #tpu.memory_space<vmem>> -> memref<128xi32, #tpu.memory_space<vmem>>
          %dma_start3A_121 = arith.constant 0 : i32
          %dma_start3A_122 = arith.constant 0 : i32
          %dma_start3A_123 = tpu.memref_slice %arg2[%dma_start3A_121, %dma_start3A_122] : memref<10000x128xf32, #tpu.memory_space<hbm>> -> memref<10000x128xf32, #tpu.memory_space<hbm>>
          tpu.enqueue_indirect_dma source(%dma_start3A_123 : memref<10000x128xf32, #tpu.memory_space<hbm>>) target(%arg10 : memref<128x128xf32, #tpu.memory_space<vmem>>) offsets(%dma_start3A_120 : memref<128xi32, #tpu.memory_space<vmem>>) semaphore(%arg13 : memref<!tpu.dma_semaphore, #tpu.memory_space<semaphore_mem>>)
          %dma_wait3A_124 = arith.constant 0 : i32
          %dma_wait3A_125 = tpu.memref_slice %arg9[%add3A_103, %dma_wait3A_124] : memref<40x128xi32, #tpu.memory_space<vmem>> -> memref<1x128xi32, #tpu.memory_space<vmem>>
          %dma_wait3A_126 = tpu.memref_squeeze %dma_wait3A_125 : memref<1x128xi32, #tpu.memory_space<vmem>> -> memref<128xi32, #tpu.memory_space<vmem>>
          %dma_wait3A_127 = arith.constant 0 : i32
          %dma_wait3A_128 = arith.constant 0 : i32
          %dma_wait3A_129 = tpu.memref_slice %arg12[%dma_wait3A_127, %dma_wait3A_128] : memref<10112x128xf32, #tpu.memory_space<vmem_shared>> -> memref<10112x128xf32, #tpu.memory_space<vmem_shared>>
          tpu.wait_indirect_dma semaphore(%arg16 : memref<!tpu.dma_semaphore, #tpu.memory_space<semaphore_mem>>) src(%arg11 : memref<128x128xf32, #tpu.memory_space<vmem>>) dst(%dma_wait3A_129 : memref<10112x128xf32, #tpu.memory_space<vmem_shared>>)
          %add3A_130 = arith.constant 3 : i32
          %add3A_131 = arith.addi %mul3A_81, %add3A_130 : i32
          %dma_start3A_132 = arith.constant 0 : i32
          %dma_start3A_133 = tpu.memref_slice %arg8[%add3A_131, %dma_start3A_132] : memref<40x128xi32, #tpu.memory_space<vmem>> -> memref<1x128xi32, #tpu.memory_space<vmem>>
          %dma_start3A_134 = tpu.memref_squeeze %dma_start3A_133 : memref<1x128xi32, #tpu.memory_space<vmem>> -> memref<128xi32, #tpu.memory_space<vmem>>
          %dma_start3A_135 = arith.constant 0 : i32
          %dma_start3A_136 = arith.constant 0 : i32
          %dma_start3A_137 = tpu.memref_slice %arg2[%dma_start3A_135, %dma_start3A_136] : memref<10000x128xf32, #tpu.memory_space<hbm>> -> memref<10000x128xf32, #tpu.memory_space<hbm>>
          tpu.enqueue_indirect_dma source(%dma_start3A_137 : memref<10000x128xf32, #tpu.memory_space<hbm>>) target(%arg11 : memref<128x128xf32, #tpu.memory_space<vmem>>) offsets(%dma_start3A_134 : memref<128xi32, #tpu.memory_space<vmem>>) semaphore(%arg14 : memref<!tpu.dma_semaphore, #tpu.memory_space<semaphore_mem>>)
        }
        %scan3A_60 = arith.constant 19 : i32
        %dma_wait3A = arith.constant 38 : i32
        %dma_wait3A_61 = arith.constant 0 : i32
        %dma_wait3A_62 = tpu.memref_slice %arg8[%dma_wait3A, %dma_wait3A_61] : memref<40x128xi32, #tpu.memory_space<vmem>> -> memref<1x128xi32, #tpu.memory_space<vmem>>
        %dma_wait3A_63 = tpu.memref_squeeze %dma_wait3A_62 : memref<1x128xi32, #tpu.memory_space<vmem>> -> memref<128xi32, #tpu.memory_space<vmem>>
        %dma_wait3A_64 = arith.constant 0 : i32
        %dma_wait3A_65 = arith.constant 0 : i32
        %dma_wait3A_66 = tpu.memref_slice %arg2[%dma_wait3A_64, %dma_wait3A_65] : memref<10000x128xf32, #tpu.memory_space<hbm>> -> memref<10000x128xf32, #tpu.memory_space<hbm>>
        tpu.wait_indirect_dma semaphore(%arg13 : memref<!tpu.dma_semaphore, #tpu.memory_space<semaphore_mem>>) src(%dma_wait3A_66 : memref<10000x128xf32, #tpu.memory_space<hbm>>) dst(%arg10 : memref<128x128xf32, #tpu.memory_space<vmem>>)
        %run_scoped3A = arith.constant 38 : i32
        "tpu.region"() ({
          %run_scoped3A_75 = tpu.sem_alloc : memref<!tpu.dma_semaphore, #tpu.memory_space<semaphore_mem>>
          %dma_start3A_76 = arith.constant 0 : i32
          %dma_start3A_77 = tpu.memref_slice %arg9[%run_scoped3A, %dma_start3A_76] : memref<40x128xi32, #tpu.memory_space<vmem>> -> memref<1x128xi32, #tpu.memory_space<vmem>>
          %dma_start3A_78 = tpu.memref_squeeze %dma_start3A_77 : memref<1x128xi32, #tpu.memory_space<vmem>> -> memref<128xi32, #tpu.memory_space<vmem>>
          %dma_start3A_79 = arith.constant 0 : i32
          %dma_start3A_80 = arith.constant 0 : i32
          %dma_start3A_81 = tpu.memref_slice %arg12[%dma_start3A_79, %dma_start3A_80] : memref<10112x128xf32, #tpu.memory_space<vmem_shared>> -> memref<10112x128xf32, #tpu.memory_space<vmem_shared>>
          tpu.enqueue_indirect_dma source(%arg10 : memref<128x128xf32, #tpu.memory_space<vmem>>) target(%dma_start3A_81 : memref<10112x128xf32, #tpu.memory_space<vmem_shared>>) offsets(%dma_start3A_78 : memref<128xi32, #tpu.memory_space<vmem>>) semaphore(%run_scoped3A_75 : memref<!tpu.dma_semaphore, #tpu.memory_space<semaphore_mem>>) {add = true}
          %dma_wait3A_82 = arith.constant 0 : i32
          %dma_wait3A_83 = tpu.memref_slice %arg9[%run_scoped3A, %dma_wait3A_82] : memref<40x128xi32, #tpu.memory_space<vmem>> -> memref<1x128xi32, #tpu.memory_space<vmem>>
          %dma_wait3A_84 = tpu.memref_squeeze %dma_wait3A_83 : memref<1x128xi32, #tpu.memory_space<vmem>> -> memref<128xi32, #tpu.memory_space<vmem>>
          %dma_wait3A_85 = arith.constant 0 : i32
          %dma_wait3A_86 = arith.constant 0 : i32
          %dma_wait3A_87 = tpu.memref_slice %arg12[%dma_wait3A_85, %dma_wait3A_86] : memref<10112x128xf32, #tpu.memory_space<vmem_shared>> -> memref<10112x128xf32, #tpu.memory_space<vmem_shared>>
          tpu.wait_indirect_dma semaphore(%run_scoped3A_75 : memref<!tpu.dma_semaphore, #tpu.memory_space<semaphore_mem>>) src(%arg10 : memref<128x128xf32, #tpu.memory_space<vmem>>) dst(%dma_wait3A_87 : memref<10112x128xf32, #tpu.memory_space<vmem_shared>>)
          tpu.yield
        }) : () -> ()
        %dma_wait3A_67 = arith.constant 39 : i32
        %dma_wait3A_68 = arith.constant 0 : i32
        %dma_wait3A_69 = tpu.memref_slice %arg8[%dma_wait3A_67, %dma_wait3A_68] : memref<40x128xi32, #tpu.memory_space<vmem>> -> memref<1x128xi32, #tpu.memory_space<vmem>>
        %dma_wait3A_70 = tpu.memref_squeeze %dma_wait3A_69 : memref<1x128xi32, #tpu.memory_space<vmem>> -> memref<128xi32, #tpu.memory_space<vmem>>
        %dma_wait3A_71 = arith.constant 0 : i32
        %dma_wait3A_72 = arith.constant 0 : i32
        %dma_wait3A_73 = tpu.memref_slice %arg2[%dma_wait3A_71, %dma_wait3A_72] : memref<10000x128xf32, #tpu.memory_space<hbm>> -> memref<10000x128xf32, #tpu.memory_space<hbm>>
        tpu.wait_indirect_dma semaphore(%arg14 : memref<!tpu.dma_semaphore, #tpu.memory_space<semaphore_mem>>) src(%dma_wait3A_73 : memref<10000x128xf32, #tpu.memory_space<hbm>>) dst(%arg11 : memref<128x128xf32, #tpu.memory_space<vmem>>)
        %run_scoped3A_74 = arith.constant 39 : i32
        "tpu.region"() ({
          %run_scoped3A_75 = tpu.sem_alloc : memref<!tpu.dma_semaphore, #tpu.memory_space<semaphore_mem>>
          %dma_start3A_76 = arith.constant 0 : i32
          %dma_start3A_77 = tpu.memref_slice %arg9[%run_scoped3A_74, %dma_start3A_76] : memref<40x128xi32, #tpu.memory_space<vmem>> -> memref<1x128xi32, #tpu.memory_space<vmem>>
          %dma_start3A_78 = tpu.memref_squeeze %dma_start3A_77 : memref<1x128xi32, #tpu.memory_space<vmem>> -> memref<128xi32, #tpu.memory_space<vmem>>
          %dma_start3A_79 = arith.constant 0 : i32
          %dma_start3A_80 = arith.constant 0 : i32
          %dma_start3A_81 = tpu.memref_slice %arg12[%dma_start3A_79, %dma_start3A_80] : memref<10112x128xf32, #tpu.memory_space<vmem_shared>> -> memref<10112x128xf32, #tpu.memory_space<vmem_shared>>
          tpu.enqueue_indirect_dma source(%arg11 : memref<128x128xf32, #tpu.memory_space<vmem>>) target(%dma_start3A_81 : memref<10112x128xf32, #tpu.memory_space<vmem_shared>>) offsets(%dma_start3A_78 : memref<128xi32, #tpu.memory_space<vmem>>) semaphore(%run_scoped3A_75 : memref<!tpu.dma_semaphore, #tpu.memory_space<semaphore_mem>>) {add = true}
          %dma_wait3A_82 = arith.constant 0 : i32
          %dma_wait3A_83 = tpu.memref_slice %arg9[%run_scoped3A_74, %dma_wait3A_82] : memref<40x128xi32, #tpu.memory_space<vmem>> -> memref<1x128xi32, #tpu.memory_space<vmem>>
          %dma_wait3A_84 = tpu.memref_squeeze %dma_wait3A_83 : memref<1x128xi32, #tpu.memory_space<vmem>> -> memref<128xi32, #tpu.memory_space<vmem>>
          %dma_wait3A_85 = arith.constant 0 : i32
          %dma_wait3A_86 = arith.constant 0 : i32
          %dma_wait3A_87 = tpu.memref_slice %arg12[%dma_wait3A_85, %dma_wait3A_86] : memref<10112x128xf32, #tpu.memory_space<vmem_shared>> -> memref<10112x128xf32, #tpu.memory_space<vmem_shared>>
          tpu.wait_indirect_dma semaphore(%run_scoped3A_75 : memref<!tpu.dma_semaphore, #tpu.memory_space<semaphore_mem>>) src(%arg11 : memref<128x128xf32, #tpu.memory_space<vmem>>) dst(%dma_wait3A_87 : memref<10112x128xf32, #tpu.memory_space<vmem_shared>>)
          tpu.yield
        }) : () -> ()
      }
      %scan3A_33 = arith.constant 2 : i32
    } else {
    }
    %eq3A_13 = arith.constant 1 : i32
    %eq3A_14 = arith.cmpi eq, %arg0, %eq3A_13 : i32
    %convert_element_type3A_15 = arith.extui %eq3A_14 : i1 to i32
    %cond3A_16 = arith.constant 0 : i32
    %cond3A_17 = arith.cmpi ne, %convert_element_type3A_15, %cond3A_16 : i32
    scf.if %cond3A_17 {
      %scan3A_29 = arith.constant 0 : i32
      %scan3A_30 = arith.constant 2 : i32
      %scan3A_31 = arith.addi %scan3A_29, %scan3A_30 : i32
      %scan3A_32 = arith.constant 1 : i32
      scf.for %scan3A_34 = %scan3A_29 to %scan3A_31 step %scan3A_32  : i32 {
        %mul3A_35 = arith.constant 1 : i32
        %mul3A_36 = arith.muli %scan3A_34, %mul3A_35 : i32
        %add3A_37 = arith.constant 0 : i32
        %add3A_38 = arith.addi %add3A_37, %mul3A_36 : i32
        %mul3A_39 = arith.constant 40 : i32
        %mul3A_40 = arith.muli %add3A_38, %mul3A_39 : i32
        "tpu.region"() ({
          %run_scoped3A_75 = tpu.sem_alloc : memref<!tpu.dma_semaphore, #tpu.memory_space<semaphore_mem>>
          %dma_start3A_76 = arith.constant 0 : i32
          %dma_start3A_77 = arith.constant 0 : i32
          %dma_start3A_78 = tpu.memref_slice %arg4[%arg1, %dma_start3A_76, %dma_start3A_77] : memref<16x80x128xi32, #tpu.memory_space<hbm>> -> memref<1x80x128xi32, #tpu.memory_space<hbm>>
          %dma_start3A_79 = tpu.memref_squeeze %dma_start3A_78 : memref<1x80x128xi32, #tpu.memory_space<hbm>> -> memref<80x128xi32, #tpu.memory_space<hbm>>
          %dma_start3A_80 = arith.constant 0 : i32
          %dma_start3A_81 = tpu.memref_slice %dma_start3A_79[%mul3A_40, %dma_start3A_80] : memref<80x128xi32, #tpu.memory_space<hbm>> -> memref<40x128xi32, #tpu.memory_space<hbm>>
          %dma_start3A_82 = arith.constant 0 : i32
          %dma_start3A_83 = arith.constant 0 : i32
          %dma_start3A_84 = tpu.memref_slice %arg4[%arg1, %dma_start3A_82, %dma_start3A_83] : memref<16x80x128xi32, #tpu.memory_space<hbm>> -> memref<1x80x128xi32, #tpu.memory_space<hbm>>
          %dma_start3A_85 = tpu.memref_squeeze %dma_start3A_84 : memref<1x80x128xi32, #tpu.memory_space<hbm>> -> memref<80x128xi32, #tpu.memory_space<hbm>>
          %dma_start3A_86 = arith.constant 0 : i32
          %dma_start3A_87 = tpu.memref_slice %dma_start3A_85[%mul3A_40, %dma_start3A_86] : memref<80x128xi32, #tpu.memory_space<hbm>> -> memref<40x128xi32, #tpu.memory_space<hbm>>
          tpu.enqueue_dma source(%dma_start3A_87 : memref<40x128xi32, #tpu.memory_space<hbm>>) target(%arg8 : memref<40x128xi32, #tpu.memory_space<vmem>>) target_semaphore(%run_scoped3A_75 : memref<!tpu.dma_semaphore, #tpu.memory_space<semaphore_mem>>)
          %dma_wait3A_88 = arith.constant 0 : i32
          %dma_wait3A_89 = arith.constant 0 : i32
          %dma_wait3A_90 = tpu.memref_slice %arg4[%arg1, %dma_wait3A_88, %dma_wait3A_89] : memref<16x80x128xi32, #tpu.memory_space<hbm>> -> memref<1x80x128xi32, #tpu.memory_space<hbm>>
          %dma_wait3A_91 = tpu.memref_squeeze %dma_wait3A_90 : memref<1x80x128xi32, #tpu.memory_space<hbm>> -> memref<80x128xi32, #tpu.memory_space<hbm>>
          %dma_wait3A_92 = arith.constant 0 : i32
          %dma_wait3A_93 = tpu.memref_slice %dma_wait3A_91[%mul3A_40, %dma_wait3A_92] : memref<80x128xi32, #tpu.memory_space<hbm>> -> memref<40x128xi32, #tpu.memory_space<hbm>>
          %dma_wait3A_94 = arith.constant 0 : i32
          %dma_wait3A_95 = arith.constant 0 : i32
          %dma_wait3A_96 = tpu.memref_slice %arg4[%arg1, %dma_wait3A_94, %dma_wait3A_95] : memref<16x80x128xi32, #tpu.memory_space<hbm>> -> memref<1x80x128xi32, #tpu.memory_space<hbm>>
          %dma_wait3A_97 = tpu.memref_squeeze %dma_wait3A_96 : memref<1x80x128xi32, #tpu.memory_space<hbm>> -> memref<80x128xi32, #tpu.memory_space<hbm>>
          %dma_wait3A_98 = arith.constant 0 : i32
          %dma_wait3A_99 = tpu.memref_slice %dma_wait3A_97[%mul3A_40, %dma_wait3A_98] : memref<80x128xi32, #tpu.memory_space<hbm>> -> memref<40x128xi32, #tpu.memory_space<hbm>>
          tpu.wait_dma2 semaphore(%run_scoped3A_75 : memref<!tpu.dma_semaphore, #tpu.memory_space<semaphore_mem>>) src(%dma_wait3A_99 : memref<40x128xi32, #tpu.memory_space<hbm>>) dst(%arg8 : memref<40x128xi32, #tpu.memory_space<vmem>>)
          tpu.yield
        }) : () -> ()
        %mul3A_41 = arith.constant 40 : i32
        %mul3A_42 = arith.muli %add3A_38, %mul3A_41 : i32
        "tpu.region"() ({
          %run_scoped3A_75 = tpu.sem_alloc : memref<!tpu.dma_semaphore, #tpu.memory_space<semaphore_mem>>
          %dma_start3A_76 = arith.constant 0 : i32
          %dma_start3A_77 = arith.constant 0 : i32
          %dma_start3A_78 = tpu.memref_slice %arg5[%arg1, %dma_start3A_76, %dma_start3A_77] : memref<16x80x128xi32, #tpu.memory_space<hbm>> -> memref<1x80x128xi32, #tpu.memory_space<hbm>>
          %dma_start3A_79 = tpu.memref_squeeze %dma_start3A_78 : memref<1x80x128xi32, #tpu.memory_space<hbm>> -> memref<80x128xi32, #tpu.memory_space<hbm>>
          %dma_start3A_80 = arith.constant 0 : i32
          %dma_start3A_81 = tpu.memref_slice %dma_start3A_79[%mul3A_42, %dma_start3A_80] : memref<80x128xi32, #tpu.memory_space<hbm>> -> memref<40x128xi32, #tpu.memory_space<hbm>>
          %dma_start3A_82 = arith.constant 0 : i32
          %dma_start3A_83 = arith.constant 0 : i32
          %dma_start3A_84 = tpu.memref_slice %arg5[%arg1, %dma_start3A_82, %dma_start3A_83] : memref<16x80x128xi32, #tpu.memory_space<hbm>> -> memref<1x80x128xi32, #tpu.memory_space<hbm>>
          %dma_start3A_85 = tpu.memref_squeeze %dma_start3A_84 : memref<1x80x128xi32, #tpu.memory_space<hbm>> -> memref<80x128xi32, #tpu.memory_space<hbm>>
          %dma_start3A_86 = arith.constant 0 : i32
          %dma_start3A_87 = tpu.memref_slice %dma_start3A_85[%mul3A_42, %dma_start3A_86] : memref<80x128xi32, #tpu.memory_space<hbm>> -> memref<40x128xi32, #tpu.memory_space<hbm>>
          tpu.enqueue_dma source(%dma_start3A_87 : memref<40x128xi32, #tpu.memory_space<hbm>>) target(%arg9 : memref<40x128xi32, #tpu.memory_space<vmem>>) target_semaphore(%run_scoped3A_75 : memref<!tpu.dma_semaphore, #tpu.memory_space<semaphore_mem>>)
          %dma_wait3A_88 = arith.constant 0 : i32
          %dma_wait3A_89 = arith.constant 0 : i32
          %dma_wait3A_90 = tpu.memref_slice %arg5[%arg1, %dma_wait3A_88, %dma_wait3A_89] : memref<16x80x128xi32, #tpu.memory_space<hbm>> -> memref<1x80x128xi32, #tpu.memory_space<hbm>>
          %dma_wait3A_91 = tpu.memref_squeeze %dma_wait3A_90 : memref<1x80x128xi32, #tpu.memory_space<hbm>> -> memref<80x128xi32, #tpu.memory_space<hbm>>
          %dma_wait3A_92 = arith.constant 0 : i32
          %dma_wait3A_93 = tpu.memref_slice %dma_wait3A_91[%mul3A_42, %dma_wait3A_92] : memref<80x128xi32, #tpu.memory_space<hbm>> -> memref<40x128xi32, #tpu.memory_space<hbm>>
          %dma_wait3A_94 = arith.constant 0 : i32
          %dma_wait3A_95 = arith.constant 0 : i32
          %dma_wait3A_96 = tpu.memref_slice %arg5[%arg1, %dma_wait3A_94, %dma_wait3A_95] : memref<16x80x128xi32, #tpu.memory_space<hbm>> -> memref<1x80x128xi32, #tpu.memory_space<hbm>>
          %dma_wait3A_97 = tpu.memref_squeeze %dma_wait3A_96 : memref<1x80x128xi32, #tpu.memory_space<hbm>> -> memref<80x128xi32, #tpu.memory_space<hbm>>
          %dma_wait3A_98 = arith.constant 0 : i32
          %dma_wait3A_99 = tpu.memref_slice %dma_wait3A_97[%mul3A_42, %dma_wait3A_98] : memref<80x128xi32, #tpu.memory_space<hbm>> -> memref<40x128xi32, #tpu.memory_space<hbm>>
          tpu.wait_dma2 semaphore(%run_scoped3A_75 : memref<!tpu.dma_semaphore, #tpu.memory_space<semaphore_mem>>) src(%dma_wait3A_99 : memref<40x128xi32, #tpu.memory_space<hbm>>) dst(%arg9 : memref<40x128xi32, #tpu.memory_space<vmem>>)
          tpu.yield
        }) : () -> ()
        %dma_start3A = arith.constant 0 : i32
        %dma_start3A_43 = arith.constant 0 : i32
        %dma_start3A_44 = tpu.memref_slice %arg8[%dma_start3A, %dma_start3A_43] : memref<40x128xi32, #tpu.memory_space<vmem>> -> memref<1x128xi32, #tpu.memory_space<vmem>>
        %dma_start3A_45 = tpu.memref_squeeze %dma_start3A_44 : memref<1x128xi32, #tpu.memory_space<vmem>> -> memref<128xi32, #tpu.memory_space<vmem>>
        %dma_start3A_46 = arith.constant 0 : i32
        %dma_start3A_47 = arith.constant 0 : i32
        %dma_start3A_48 = tpu.memref_slice %arg3[%dma_start3A_46, %dma_start3A_47] : memref<10000x128xf32, #tpu.memory_space<hbm>> -> memref<10000x128xf32, #tpu.memory_space<hbm>>
        tpu.enqueue_indirect_dma source(%dma_start3A_48 : memref<10000x128xf32, #tpu.memory_space<hbm>>) target(%arg10 : memref<128x128xf32, #tpu.memory_space<vmem>>) offsets(%dma_start3A_45 : memref<128xi32, #tpu.memory_space<vmem>>) semaphore(%arg13 : memref<!tpu.dma_semaphore, #tpu.memory_space<semaphore_mem>>)
        %dma_start3A_49 = arith.constant 1 : i32
        %dma_start3A_50 = arith.constant 0 : i32
        %dma_start3A_51 = tpu.memref_slice %arg8[%dma_start3A_49, %dma_start3A_50] : memref<40x128xi32, #tpu.memory_space<vmem>> -> memref<1x128xi32, #tpu.memory_space<vmem>>
        %dma_start3A_52 = tpu.memref_squeeze %dma_start3A_51 : memref<1x128xi32, #tpu.memory_space<vmem>> -> memref<128xi32, #tpu.memory_space<vmem>>
        %dma_start3A_53 = arith.constant 0 : i32
        %dma_start3A_54 = arith.constant 0 : i32
        %dma_start3A_55 = tpu.memref_slice %arg3[%dma_start3A_53, %dma_start3A_54] : memref<10000x128xf32, #tpu.memory_space<hbm>> -> memref<10000x128xf32, #tpu.memory_space<hbm>>
        tpu.enqueue_indirect_dma source(%dma_start3A_55 : memref<10000x128xf32, #tpu.memory_space<hbm>>) target(%arg11 : memref<128x128xf32, #tpu.memory_space<vmem>>) offsets(%dma_start3A_52 : memref<128xi32, #tpu.memory_space<vmem>>) semaphore(%arg14 : memref<!tpu.dma_semaphore, #tpu.memory_space<semaphore_mem>>)
        %scan3A_56 = arith.constant 0 : i32
        %scan3A_57 = arith.constant 19 : i32
        %scan3A_58 = arith.addi %scan3A_56, %scan3A_57 : i32
        %scan3A_59 = arith.constant 1 : i32
        scf.for %scan3A_75 = %scan3A_56 to %scan3A_58 step %scan3A_59  : i32 {
          %mul3A_76 = arith.constant 1 : i32
          %mul3A_77 = arith.muli %scan3A_75, %mul3A_76 : i32
          %add3A_78 = arith.constant 0 : i32
          %add3A_79 = arith.addi %add3A_78, %mul3A_77 : i32
          %mul3A_80 = arith.constant 2 : i32
          %mul3A_81 = arith.muli %add3A_79, %mul3A_80 : i32
          %dma_wait3A_82 = arith.constant 0 : i32
          %dma_wait3A_83 = tpu.memref_slice %arg8[%mul3A_81, %dma_wait3A_82] : memref<40x128xi32, #tpu.memory_space<vmem>> -> memref<1x128xi32, #tpu.memory_space<vmem>>
          %dma_wait3A_84 = tpu.memref_squeeze %dma_wait3A_83 : memref<1x128xi32, #tpu.memory_space<vmem>> -> memref<128xi32, #tpu.memory_space<vmem>>
          %dma_wait3A_85 = arith.constant 0 : i32
          %dma_wait3A_86 = arith.constant 0 : i32
          %dma_wait3A_87 = tpu.memref_slice %arg3[%dma_wait3A_85, %dma_wait3A_86] : memref<10000x128xf32, #tpu.memory_space<hbm>> -> memref<10000x128xf32, #tpu.memory_space<hbm>>
          tpu.wait_indirect_dma semaphore(%arg13 : memref<!tpu.dma_semaphore, #tpu.memory_space<semaphore_mem>>) src(%dma_wait3A_87 : memref<10000x128xf32, #tpu.memory_space<hbm>>) dst(%arg10 : memref<128x128xf32, #tpu.memory_space<vmem>>)
          %dma_start3A_88 = arith.constant 0 : i32
          %dma_start3A_89 = tpu.memref_slice %arg9[%mul3A_81, %dma_start3A_88] : memref<40x128xi32, #tpu.memory_space<vmem>> -> memref<1x128xi32, #tpu.memory_space<vmem>>
          %dma_start3A_90 = tpu.memref_squeeze %dma_start3A_89 : memref<1x128xi32, #tpu.memory_space<vmem>> -> memref<128xi32, #tpu.memory_space<vmem>>
          %dma_start3A_91 = arith.constant 0 : i32
          %dma_start3A_92 = arith.constant 0 : i32
          %dma_start3A_93 = tpu.memref_slice %arg12[%dma_start3A_91, %dma_start3A_92] : memref<10112x128xf32, #tpu.memory_space<vmem_shared>> -> memref<10112x128xf32, #tpu.memory_space<vmem_shared>>
          tpu.enqueue_indirect_dma source(%arg10 : memref<128x128xf32, #tpu.memory_space<vmem>>) target(%dma_start3A_93 : memref<10112x128xf32, #tpu.memory_space<vmem_shared>>) offsets(%dma_start3A_90 : memref<128xi32, #tpu.memory_space<vmem>>) semaphore(%arg15 : memref<!tpu.dma_semaphore, #tpu.memory_space<semaphore_mem>>) {add = true}
          %add3A_94 = arith.constant 1 : i32
          %add3A_95 = arith.addi %mul3A_81, %add3A_94 : i32
          %dma_wait3A_96 = arith.constant 0 : i32
          %dma_wait3A_97 = tpu.memref_slice %arg8[%add3A_95, %dma_wait3A_96] : memref<40x128xi32, #tpu.memory_space<vmem>> -> memref<1x128xi32, #tpu.memory_space<vmem>>
          %dma_wait3A_98 = tpu.memref_squeeze %dma_wait3A_97 : memref<1x128xi32, #tpu.memory_space<vmem>> -> memref<128xi32, #tpu.memory_space<vmem>>
          %dma_wait3A_99 = arith.constant 0 : i32
          %dma_wait3A_100 = arith.constant 0 : i32
          %dma_wait3A_101 = tpu.memref_slice %arg3[%dma_wait3A_99, %dma_wait3A_100] : memref<10000x128xf32, #tpu.memory_space<hbm>> -> memref<10000x128xf32, #tpu.memory_space<hbm>>
          tpu.wait_indirect_dma semaphore(%arg14 : memref<!tpu.dma_semaphore, #tpu.memory_space<semaphore_mem>>) src(%dma_wait3A_101 : memref<10000x128xf32, #tpu.memory_space<hbm>>) dst(%arg11 : memref<128x128xf32, #tpu.memory_space<vmem>>)
          %add3A_102 = arith.constant 1 : i32
          %add3A_103 = arith.addi %mul3A_81, %add3A_102 : i32
          %dma_start3A_104 = arith.constant 0 : i32
          %dma_start3A_105 = tpu.memref_slice %arg9[%add3A_103, %dma_start3A_104] : memref<40x128xi32, #tpu.memory_space<vmem>> -> memref<1x128xi32, #tpu.memory_space<vmem>>
          %dma_start3A_106 = tpu.memref_squeeze %dma_start3A_105 : memref<1x128xi32, #tpu.memory_space<vmem>> -> memref<128xi32, #tpu.memory_space<vmem>>
          %dma_start3A_107 = arith.constant 0 : i32
          %dma_start3A_108 = arith.constant 0 : i32
          %dma_start3A_109 = tpu.memref_slice %arg12[%dma_start3A_107, %dma_start3A_108] : memref<10112x128xf32, #tpu.memory_space<vmem_shared>> -> memref<10112x128xf32, #tpu.memory_space<vmem_shared>>
          tpu.enqueue_indirect_dma source(%arg11 : memref<128x128xf32, #tpu.memory_space<vmem>>) target(%dma_start3A_109 : memref<10112x128xf32, #tpu.memory_space<vmem_shared>>) offsets(%dma_start3A_106 : memref<128xi32, #tpu.memory_space<vmem>>) semaphore(%arg16 : memref<!tpu.dma_semaphore, #tpu.memory_space<semaphore_mem>>) {add = true}
          %dma_wait3A_110 = arith.constant 0 : i32
          %dma_wait3A_111 = tpu.memref_slice %arg9[%mul3A_81, %dma_wait3A_110] : memref<40x128xi32, #tpu.memory_space<vmem>> -> memref<1x128xi32, #tpu.memory_space<vmem>>
          %dma_wait3A_112 = tpu.memref_squeeze %dma_wait3A_111 : memref<1x128xi32, #tpu.memory_space<vmem>> -> memref<128xi32, #tpu.memory_space<vmem>>
          %dma_wait3A_113 = arith.constant 0 : i32
          %dma_wait3A_114 = arith.constant 0 : i32
          %dma_wait3A_115 = tpu.memref_slice %arg12[%dma_wait3A_113, %dma_wait3A_114] : memref<10112x128xf32, #tpu.memory_space<vmem_shared>> -> memref<10112x128xf32, #tpu.memory_space<vmem_shared>>
          tpu.wait_indirect_dma semaphore(%arg15 : memref<!tpu.dma_semaphore, #tpu.memory_space<semaphore_mem>>) src(%arg10 : memref<128x128xf32, #tpu.memory_space<vmem>>) dst(%dma_wait3A_115 : memref<10112x128xf32, #tpu.memory_space<vmem_shared>>)
          %add3A_116 = arith.constant 2 : i32
          %add3A_117 = arith.addi %mul3A_81, %add3A_116 : i32
          %dma_start3A_118 = arith.constant 0 : i32
          %dma_start3A_119 = tpu.memref_slice %arg8[%add3A_117, %dma_start3A_118] : memref<40x128xi32, #tpu.memory_space<vmem>> -> memref<1x128xi32, #tpu.memory_space<vmem>>
          %dma_start3A_120 = tpu.memref_squeeze %dma_start3A_119 : memref<1x128xi32, #tpu.memory_space<vmem>> -> memref<128xi32, #tpu.memory_space<vmem>>
          %dma_start3A_121 = arith.constant 0 : i32
          %dma_start3A_122 = arith.constant 0 : i32
          %dma_start3A_123 = tpu.memref_slice %arg3[%dma_start3A_121, %dma_start3A_122] : memref<10000x128xf32, #tpu.memory_space<hbm>> -> memref<10000x128xf32, #tpu.memory_space<hbm>>
          tpu.enqueue_indirect_dma source(%dma_start3A_123 : memref<10000x128xf32, #tpu.memory_space<hbm>>) target(%arg10 : memref<128x128xf32, #tpu.memory_space<vmem>>) offsets(%dma_start3A_120 : memref<128xi32, #tpu.memory_space<vmem>>) semaphore(%arg13 : memref<!tpu.dma_semaphore, #tpu.memory_space<semaphore_mem>>)
          %dma_wait3A_124 = arith.constant 0 : i32
          %dma_wait3A_125 = tpu.memref_slice %arg9[%add3A_103, %dma_wait3A_124] : memref<40x128xi32, #tpu.memory_space<vmem>> -> memref<1x128xi32, #tpu.memory_space<vmem>>
          %dma_wait3A_126 = tpu.memref_squeeze %dma_wait3A_125 : memref<1x128xi32, #tpu.memory_space<vmem>> -> memref<128xi32, #tpu.memory_space<vmem>>
          %dma_wait3A_127 = arith.constant 0 : i32
          %dma_wait3A_128 = arith.constant 0 : i32
          %dma_wait3A_129 = tpu.memref_slice %arg12[%dma_wait3A_127, %dma_wait3A_128] : memref<10112x128xf32, #tpu.memory_space<vmem_shared>> -> memref<10112x128xf32, #tpu.memory_space<vmem_shared>>
          tpu.wait_indirect_dma semaphore(%arg16 : memref<!tpu.dma_semaphore, #tpu.memory_space<semaphore_mem>>) src(%arg11 : memref<128x128xf32, #tpu.memory_space<vmem>>) dst(%dma_wait3A_129 : memref<10112x128xf32, #tpu.memory_space<vmem_shared>>)
          %add3A_130 = arith.constant 3 : i32
          %add3A_131 = arith.addi %mul3A_81, %add3A_130 : i32
          %dma_start3A_132 = arith.constant 0 : i32
          %dma_start3A_133 = tpu.memref_slice %arg8[%add3A_131, %dma_start3A_132] : memref<40x128xi32, #tpu.memory_space<vmem>> -> memref<1x128xi32, #tpu.memory_space<vmem>>
          %dma_start3A_134 = tpu.memref_squeeze %dma_start3A_133 : memref<1x128xi32, #tpu.memory_space<vmem>> -> memref<128xi32, #tpu.memory_space<vmem>>
          %dma_start3A_135 = arith.constant 0 : i32
          %dma_start3A_136 = arith.constant 0 : i32
          %dma_start3A_137 = tpu.memref_slice %arg3[%dma_start3A_135, %dma_start3A_136] : memref<10000x128xf32, #tpu.memory_space<hbm>> -> memref<10000x128xf32, #tpu.memory_space<hbm>>
          tpu.enqueue_indirect_dma source(%dma_start3A_137 : memref<10000x128xf32, #tpu.memory_space<hbm>>) target(%arg11 : memref<128x128xf32, #tpu.memory_space<vmem>>) offsets(%dma_start3A_134 : memref<128xi32, #tpu.memory_space<vmem>>) semaphore(%arg14 : memref<!tpu.dma_semaphore, #tpu.memory_space<semaphore_mem>>)
        }
        %scan3A_60 = arith.constant 19 : i32
        %dma_wait3A = arith.constant 38 : i32
        %dma_wait3A_61 = arith.constant 0 : i32
        %dma_wait3A_62 = tpu.memref_slice %arg8[%dma_wait3A, %dma_wait3A_61] : memref<40x128xi32, #tpu.memory_space<vmem>> -> memref<1x128xi32, #tpu.memory_space<vmem>>
        %dma_wait3A_63 = tpu.memref_squeeze %dma_wait3A_62 : memref<1x128xi32, #tpu.memory_space<vmem>> -> memref<128xi32, #tpu.memory_space<vmem>>
        %dma_wait3A_64 = arith.constant 0 : i32
        %dma_wait3A_65 = arith.constant 0 : i32
        %dma_wait3A_66 = tpu.memref_slice %arg3[%dma_wait3A_64, %dma_wait3A_65] : memref<10000x128xf32, #tpu.memory_space<hbm>> -> memref<10000x128xf32, #tpu.memory_space<hbm>>
        tpu.wait_indirect_dma semaphore(%arg13 : memref<!tpu.dma_semaphore, #tpu.memory_space<semaphore_mem>>) src(%dma_wait3A_66 : memref<10000x128xf32, #tpu.memory_space<hbm>>) dst(%arg10 : memref<128x128xf32, #tpu.memory_space<vmem>>)
        %run_scoped3A = arith.constant 38 : i32
        "tpu.region"() ({
          %run_scoped3A_75 = tpu.sem_alloc : memref<!tpu.dma_semaphore, #tpu.memory_space<semaphore_mem>>
          %dma_start3A_76 = arith.constant 0 : i32
          %dma_start3A_77 = tpu.memref_slice %arg9[%run_scoped3A, %dma_start3A_76] : memref<40x128xi32, #tpu.memory_space<vmem>> -> memref<1x128xi32, #tpu.memory_space<vmem>>
          %dma_start3A_78 = tpu.memref_squeeze %dma_start3A_77 : memref<1x128xi32, #tpu.memory_space<vmem>> -> memref<128xi32, #tpu.memory_space<vmem>>
          %dma_start3A_79 = arith.constant 0 : i32
          %dma_start3A_80 = arith.constant 0 : i32
          %dma_start3A_81 = tpu.memref_slice %arg12[%dma_start3A_79, %dma_start3A_80] : memref<10112x128xf32, #tpu.memory_space<vmem_shared>> -> memref<10112x128xf32, #tpu.memory_space<vmem_shared>>
          tpu.enqueue_indirect_dma source(%arg10 : memref<128x128xf32, #tpu.memory_space<vmem>>) target(%dma_start3A_81 : memref<10112x128xf32, #tpu.memory_space<vmem_shared>>) offsets(%dma_start3A_78 : memref<128xi32, #tpu.memory_space<vmem>>) semaphore(%run_scoped3A_75 : memref<!tpu.dma_semaphore, #tpu.memory_space<semaphore_mem>>) {add = true}
          %dma_wait3A_82 = arith.constant 0 : i32
          %dma_wait3A_83 = tpu.memref_slice %arg9[%run_scoped3A, %dma_wait3A_82] : memref<40x128xi32, #tpu.memory_space<vmem>> -> memref<1x128xi32, #tpu.memory_space<vmem>>
          %dma_wait3A_84 = tpu.memref_squeeze %dma_wait3A_83 : memref<1x128xi32, #tpu.memory_space<vmem>> -> memref<128xi32, #tpu.memory_space<vmem>>
          %dma_wait3A_85 = arith.constant 0 : i32
          %dma_wait3A_86 = arith.constant 0 : i32
          %dma_wait3A_87 = tpu.memref_slice %arg12[%dma_wait3A_85, %dma_wait3A_86] : memref<10112x128xf32, #tpu.memory_space<vmem_shared>> -> memref<10112x128xf32, #tpu.memory_space<vmem_shared>>
          tpu.wait_indirect_dma semaphore(%run_scoped3A_75 : memref<!tpu.dma_semaphore, #tpu.memory_space<semaphore_mem>>) src(%arg10 : memref<128x128xf32, #tpu.memory_space<vmem>>) dst(%dma_wait3A_87 : memref<10112x128xf32, #tpu.memory_space<vmem_shared>>)
          tpu.yield
        }) : () -> ()
        %dma_wait3A_67 = arith.constant 39 : i32
        %dma_wait3A_68 = arith.constant 0 : i32
        %dma_wait3A_69 = tpu.memref_slice %arg8[%dma_wait3A_67, %dma_wait3A_68] : memref<40x128xi32, #tpu.memory_space<vmem>> -> memref<1x128xi32, #tpu.memory_space<vmem>>
        %dma_wait3A_70 = tpu.memref_squeeze %dma_wait3A_69 : memref<1x128xi32, #tpu.memory_space<vmem>> -> memref<128xi32, #tpu.memory_space<vmem>>
        %dma_wait3A_71 = arith.constant 0 : i32
        %dma_wait3A_72 = arith.constant 0 : i32
        %dma_wait3A_73 = tpu.memref_slice %arg3[%dma_wait3A_71, %dma_wait3A_72] : memref<10000x128xf32, #tpu.memory_space<hbm>> -> memref<10000x128xf32, #tpu.memory_space<hbm>>
        tpu.wait_indirect_dma semaphore(%arg14 : memref<!tpu.dma_semaphore, #tpu.memory_space<semaphore_mem>>) src(%dma_wait3A_73 : memref<10000x128xf32, #tpu.memory_space<hbm>>) dst(%arg11 : memref<128x128xf32, #tpu.memory_space<vmem>>)
        %run_scoped3A_74 = arith.constant 39 : i32
        "tpu.region"() ({
          %run_scoped3A_75 = tpu.sem_alloc : memref<!tpu.dma_semaphore, #tpu.memory_space<semaphore_mem>>
          %dma_start3A_76 = arith.constant 0 : i32
          %dma_start3A_77 = tpu.memref_slice %arg9[%run_scoped3A_74, %dma_start3A_76] : memref<40x128xi32, #tpu.memory_space<vmem>> -> memref<1x128xi32, #tpu.memory_space<vmem>>
          %dma_start3A_78 = tpu.memref_squeeze %dma_start3A_77 : memref<1x128xi32, #tpu.memory_space<vmem>> -> memref<128xi32, #tpu.memory_space<vmem>>
          %dma_start3A_79 = arith.constant 0 : i32
          %dma_start3A_80 = arith.constant 0 : i32
          %dma_start3A_81 = tpu.memref_slice %arg12[%dma_start3A_79, %dma_start3A_80] : memref<10112x128xf32, #tpu.memory_space<vmem_shared>> -> memref<10112x128xf32, #tpu.memory_space<vmem_shared>>
          tpu.enqueue_indirect_dma source(%arg11 : memref<128x128xf32, #tpu.memory_space<vmem>>) target(%dma_start3A_81 : memref<10112x128xf32, #tpu.memory_space<vmem_shared>>) offsets(%dma_start3A_78 : memref<128xi32, #tpu.memory_space<vmem>>) semaphore(%run_scoped3A_75 : memref<!tpu.dma_semaphore, #tpu.memory_space<semaphore_mem>>) {add = true}
          %dma_wait3A_82 = arith.constant 0 : i32
          %dma_wait3A_83 = tpu.memref_slice %arg9[%run_scoped3A_74, %dma_wait3A_82] : memref<40x128xi32, #tpu.memory_space<vmem>> -> memref<1x128xi32, #tpu.memory_space<vmem>>
          %dma_wait3A_84 = tpu.memref_squeeze %dma_wait3A_83 : memref<1x128xi32, #tpu.memory_space<vmem>> -> memref<128xi32, #tpu.memory_space<vmem>>
          %dma_wait3A_85 = arith.constant 0 : i32
          %dma_wait3A_86 = arith.constant 0 : i32
          %dma_wait3A_87 = tpu.memref_slice %arg12[%dma_wait3A_85, %dma_wait3A_86] : memref<10112x128xf32, #tpu.memory_space<vmem_shared>> -> memref<10112x128xf32, #tpu.memory_space<vmem_shared>>
          tpu.wait_indirect_dma semaphore(%run_scoped3A_75 : memref<!tpu.dma_semaphore, #tpu.memory_space<semaphore_mem>>) src(%arg11 : memref<128x128xf32, #tpu.memory_space<vmem>>) dst(%dma_wait3A_87 : memref<10112x128xf32, #tpu.memory_space<vmem_shared>>)
          tpu.yield
        }) : () -> ()
      }
      %scan3A_33 = arith.constant 2 : i32
    } else {
    }
    %barrier3A_18 = arith.constant 0 : index
    tpu.barrier barrier_id(%barrier3A_18)
    %eq3A_19 = arith.constant 0 : i32
    %eq3A_20 = arith.cmpi eq, %arg0, %eq3A_19 : i32
    %convert_element_type3A_21 = arith.extui %eq3A_20 : i1 to i32
    %cond3A_22 = arith.constant 0 : i32
    %cond3A_23 = arith.cmpi ne, %convert_element_type3A_21, %cond3A_22 : i32
    scf.if %cond3A_23 {
      "tpu.region"() ({
        %run_scoped3A = tpu.sem_alloc : memref<!tpu.dma_semaphore, #tpu.memory_space<semaphore_mem>>
        %dma_start3A = arith.constant 0 : i32
        %dma_start3A_29 = tpu.memref_slice %arg6[%mul3A_0, %dma_start3A] : memref<10112x128xf32, #tpu.memory_space<hbm>> -> memref<632x128xf32, #tpu.memory_space<hbm>>
        %dma_start3A_30 = arith.constant 0 : i32
        %dma_start3A_31 = tpu.memref_slice %arg12[%mul3A_0, %dma_start3A_30] : memref<10112x128xf32, #tpu.memory_space<vmem_shared>> -> memref<632x128xf32, #tpu.memory_space<vmem_shared>>
        tpu.enqueue_dma source(%dma_start3A_31 : memref<632x128xf32, #tpu.memory_space<vmem_shared>>) target(%dma_start3A_29 : memref<632x128xf32, #tpu.memory_space<hbm>>) target_semaphore(%run_scoped3A : memref<!tpu.dma_semaphore, #tpu.memory_space<semaphore_mem>>)
        %dma_wait3A = arith.constant 0 : i32
        %dma_wait3A_32 = tpu.memref_slice %arg6[%mul3A_0, %dma_wait3A] : memref<10112x128xf32, #tpu.memory_space<hbm>> -> memref<632x128xf32, #tpu.memory_space<hbm>>
        %dma_wait3A_33 = arith.constant 0 : i32
        %dma_wait3A_34 = tpu.memref_slice %arg12[%mul3A_0, %dma_wait3A_33] : memref<10112x128xf32, #tpu.memory_space<vmem_shared>> -> memref<632x128xf32, #tpu.memory_space<vmem_shared>>
        tpu.wait_dma2 semaphore(%run_scoped3A : memref<!tpu.dma_semaphore, #tpu.memory_space<semaphore_mem>>) src(%dma_wait3A_34 : memref<632x128xf32, #tpu.memory_space<vmem_shared>>) dst(%dma_wait3A_32 : memref<632x128xf32, #tpu.memory_space<hbm>>)
        tpu.yield
      }) : () -> ()
    } else {
    }
    %eq3A_24 = arith.constant 1 : i32
    %eq3A_25 = arith.cmpi eq, %arg0, %eq3A_24 : i32
    %convert_element_type3A_26 = arith.extui %eq3A_25 : i1 to i32
    %cond3A_27 = arith.constant 0 : i32
    %cond3A_28 = arith.cmpi ne, %convert_element_type3A_26, %cond3A_27 : i32
    scf.if %cond3A_28 {
      "tpu.region"() ({
        %run_scoped3A = tpu.sem_alloc : memref<!tpu.dma_semaphore, #tpu.memory_space<semaphore_mem>>
        %dma_start3A = arith.constant 0 : i32
        %dma_start3A_29 = tpu.memref_slice %arg7[%mul3A_0, %dma_start3A] : memref<10112x128xf32, #tpu.memory_space<hbm>> -> memref<632x128xf32, #tpu.memory_space<hbm>>
        %dma_start3A_30 = arith.constant 0 : i32
        %dma_start3A_31 = tpu.memref_slice %arg12[%mul3A_0, %dma_start3A_30] : memref<10112x128xf32, #tpu.memory_space<vmem_shared>> -> memref<632x128xf32, #tpu.memory_space<vmem_shared>>
        tpu.enqueue_dma source(%dma_start3A_31 : memref<632x128xf32, #tpu.memory_space<vmem_shared>>) target(%dma_start3A_29 : memref<632x128xf32, #tpu.memory_space<hbm>>) target_semaphore(%run_scoped3A : memref<!tpu.dma_semaphore, #tpu.memory_space<semaphore_mem>>)
        %dma_wait3A = arith.constant 0 : i32
        %dma_wait3A_32 = tpu.memref_slice %arg7[%mul3A_0, %dma_wait3A] : memref<10112x128xf32, #tpu.memory_space<hbm>> -> memref<632x128xf32, #tpu.memory_space<hbm>>
        %dma_wait3A_33 = arith.constant 0 : i32
        %dma_wait3A_34 = tpu.memref_slice %arg12[%mul3A_0, %dma_wait3A_33] : memref<10112x128xf32, #tpu.memory_space<vmem_shared>> -> memref<632x128xf32, #tpu.memory_space<vmem_shared>>
        tpu.wait_dma2 semaphore(%run_scoped3A : memref<!tpu.dma_semaphore, #tpu.memory_space<semaphore_mem>>) src(%dma_wait3A_34 : memref<632x128xf32, #tpu.memory_space<vmem_shared>>) dst(%dma_wait3A_32 : memref<632x128xf32, #tpu.memory_space<hbm>>)
        tpu.yield
      }) : () -> ()
    } else {
    }
    return
  }
}

#map = affine_map<(d0, d1) -> (0, 0)>
#map1 = affine_map<(d0, d1) -> (0, 0, 0)>
module attributes {stable_mosaic.version = 14 : i64} {
  func.func @_conv_body(%arg0: i32, %arg1: i32, %arg2: memref<10000x128xf32, #tpu.memory_space<hbm>>, %arg3: memref<10000x128xf32, #tpu.memory_space<hbm>>, %arg4: memref<16x80x128xi32, #tpu.memory_space<hbm>>, %arg5: memref<16x80x128xi32, #tpu.memory_space<hbm>>, %arg6: memref<10112x128xf32, #tpu.memory_space<hbm>>, %arg7: memref<10112x128xf32, #tpu.memory_space<hbm>>, %arg8: memref<40x128xi32, #tpu.memory_space<vmem>>, %arg9: memref<40x128xi32, #tpu.memory_space<vmem>>, %arg10: memref<128x128xf32, #tpu.memory_space<vmem>>, %arg11: memref<128x128xf32, #tpu.memory_space<vmem>>, %arg12: memref<10112x128xf32, #tpu.memory_space<vmem_shared>>, %arg13: memref<!tpu.dma_semaphore, #tpu.memory_space<semaphore_mem>>, %arg14: memref<!tpu.dma_semaphore, #tpu.memory_space<semaphore_mem>>, %arg15: memref<!tpu.dma_semaphore, #tpu.memory_space<semaphore_mem>>, %arg16: memref<!tpu.dma_semaphore, #tpu.memory_space<semaphore_mem>>) attributes {dimension_semantics = [#tpu.dimension_semantics<core_parallel>, #tpu.dimension_semantics<subcore_parallel>], iteration_bounds = array<i64: 2, 16>, scalar_prefetch = 0 : i64, scratch_operands = 9 : i64, tpu.core_type = #tpu.core_type<sc_vector_subcore>, window_params = [{transform_indices = #map}, {transform_indices = #map}, {transform_indices = #map1}, {transform_indices = #map1}, {transform_indices = #map}, {transform_indices = #map}]} {
    %mul3A = arith.constant 632 : i32
    %mul3A_0 = arith.muli %arg1, %mul3A : i32
    %scan3A = arith.constant 0 : i32
    %scan3A_1 = arith.constant 128 : i32
    %scan3A_2 = arith.addi %scan3A, %scan3A_1 : i32
    %scan3A_3 = arith.constant 1 : i32
    scf.for %scan3A_29 = %scan3A to %scan3A_2 step %scan3A_3  : i32 {
      %mul3A_30 = arith.constant 1 : i32
      %mul3A_31 = arith.muli %scan3A_29, %mul3A_30 : i32
      %add3A_32 = arith.constant 0 : i32
      %add3A_33 = arith.addi %add3A_32, %mul3A_31 : i32
      %scan3A_34 = arith.constant 0 : i32
      %scan3A_35 = arith.constant 8 : i32
      %scan3A_36 = arith.addi %scan3A_34, %scan3A_35 : i32
      %scan3A_37 = arith.constant 1 : i32
      scf.for %scan3A_39 = %scan3A_34 to %scan3A_36 step %scan3A_37  : i32 {
        %mul3A_40 = arith.constant 16 : i32
        %mul3A_41 = arith.muli %scan3A_39, %mul3A_40 : i32
        %add3A_42 = arith.constant 0 : i32
        %add3A_43 = arith.addi %add3A_42, %mul3A_41 : i32
        %broadcast_in_dim3A = arith.constant 0.000000e+00 : f32
        %broadcast_in_dim3A_44 = vector.broadcast %broadcast_in_dim3A : f32 to vector<16xf32>
        %swap3A = arith.index_cast %add3A_33 : i32 to index
        %swap3A_45 = arith.index_cast %add3A_43 : i32 to index
        %swap3A_46 = tpu.vector_load %arg10[%swap3A, %swap3A_45] {strides = array<i32>} : memref<128x128xf32, #tpu.memory_space<vmem>>, vector<1x16xf32>,
        %swap3A_47 = vector.shape_cast %swap3A_46 : vector<1x16xf32> to vector<16xf32>
        %swap3A_48 = vector.shape_cast %broadcast_in_dim3A_44 : vector<16xf32> to vector<1x16xf32>
        tpu.vector_store %arg10[%swap3A, %swap3A_45], %swap3A_48 {strides = array<i32>} : memref<128x128xf32, #tpu.memory_space<vmem>>, vector<1x16xf32>,
      }
      %scan3A_38 = arith.constant 8 : i32
    }
    %scan3A_4 = arith.constant 128 : i32
    %scan3A_5 = arith.constant 0 : i32
    %scan3A_6 = arith.constant 4 : i32
    %scan3A_7 = arith.addi %scan3A_5, %scan3A_6 : i32
    %scan3A_8 = arith.constant 1 : i32
    scf.for %scan3A_29 = %scan3A_5 to %scan3A_7 step %scan3A_8  : i32 {
      %mul3A_30 = arith.constant 1 : i32
      %mul3A_31 = arith.muli %scan3A_29, %mul3A_30 : i32
      %add3A_32 = arith.constant 0 : i32
      %add3A_33 = arith.addi %add3A_32, %mul3A_31 : i32
      %mul3A_34 = arith.constant 128 : i32
      %mul3A_35 = arith.muli %add3A_33, %mul3A_34 : i32
      %add3A_36 = arith.addi %mul3A_0, %mul3A_35 : i32
      "tpu.region"() ({
        %run_scoped3A = tpu.sem_alloc : memref<!tpu.dma_semaphore, #tpu.memory_space<semaphore_mem>>
        %dma_start3A = arith.constant 0 : i32
        %dma_start3A_37 = tpu.memref_slice %arg12[%add3A_36, %dma_start3A] : memref<10112x128xf32, #tpu.memory_space<vmem_shared>> -> memref<128x128xf32, #tpu.memory_space<vmem_shared>>
        %dma_start3A_38 = arith.constant 0 : i32
        %dma_start3A_39 = tpu.memref_slice %arg12[%add3A_36, %dma_start3A_38] : memref<10112x128xf32, #tpu.memory_space<vmem_shared>> -> memref<128x128xf32, #tpu.memory_space<vmem_shared>>
        tpu.enqueue_dma source(%arg10 : memref<128x128xf32, #tpu.memory_space<vmem>>) target(%dma_start3A_39 : memref<128x128xf32, #tpu.memory_space<vmem_shared>>) target_semaphore(%run_scoped3A : memref<!tpu.dma_semaphore, #tpu.memory_space<semaphore_mem>>)
        %dma_wait3A = arith.constant 0 : i32
        %dma_wait3A_40 = tpu.memref_slice %arg12[%add3A_36, %dma_wait3A] : memref<10112x128xf32, #tpu.memory_space<vmem_shared>> -> memref<128x128xf32, #tpu.memory_space<vmem_shared>>
        %dma_wait3A_41 = arith.constant 0 : i32
        %dma_wait3A_42 = tpu.memref_slice %arg12[%add3A_36, %dma_wait3A_41] : memref<10112x128xf32, #tpu.memory_space<vmem_shared>> -> memref<128x128xf32, #tpu.memory_space<vmem_shared>>
        tpu.wait_dma2 semaphore(%run_scoped3A : memref<!tpu.dma_semaphore, #tpu.memory_space<semaphore_mem>>) src(%arg10 : memref<128x128xf32, #tpu.memory_space<vmem>>) dst(%dma_wait3A_42 : memref<128x128xf32, #tpu.memory_space<vmem_shared>>)
        tpu.yield
      }) : () -> ()
    }
    %scan3A_9 = arith.constant 4 : i32
    %add3A = arith.constant 512 : i32
    %add3A_10 = arith.addi %mul3A_0, %add3A : i32
    "tpu.region"() ({
      %run_scoped3A = tpu.sem_alloc : memref<!tpu.dma_semaphore, #tpu.memory_space<semaphore_mem>>
      %dma_start3A = arith.constant 0 : i32
      %dma_start3A_29 = arith.constant 0 : i32
      %dma_start3A_30 = tpu.memref_slice %arg10[%dma_start3A, %dma_start3A_29] : memref<128x128xf32, #tpu.memory_space<vmem>> -> memref<120x128xf32, #tpu.memory_space<vmem>>
      %dma_start3A_31 = arith.constant 0 : i32
      %dma_start3A_32 = tpu.memref_slice %arg12[%add3A_10, %dma_start3A_31] : memref<10112x128xf32, #tpu.memory_space<vmem_shared>> -> memref<120x128xf32, #tpu.memory_space<vmem_shared>>
      %dma_start3A_33 = arith.constant 0 : i32
      %dma_start3A_34 = tpu.memref_slice %arg12[%add3A_10, %dma_start3A_33] : memref<10112x128xf32, #tpu.memory_space<vmem_shared>> -> memref<120x128xf32, #tpu.memory_space<vmem_shared>>
      %dma_start3A_35 = arith.constant 0 : i32
      %dma_start3A_36 = arith.constant 0 : i32
      %dma_start3A_37 = tpu.memref_slice %arg10[%dma_start3A_35, %dma_start3A_36] : memref<128x128xf32, #tpu.memory_space<vmem>> -> memref<120x128xf32, #tpu.memory_space<vmem>>
      tpu.enqueue_dma source(%dma_start3A_37 : memref<120x128xf32, #tpu.memory_space<vmem>>) target(%dma_start3A_34 : memref<120x128xf32, #tpu.memory_space<vmem_shared>>) target_semaphore(%run_scoped3A : memref<!tpu.dma_semaphore, #tpu.memory_space<semaphore_mem>>)
      %dma_wait3A = arith.constant 0 : i32
      %dma_wait3A_38 = arith.constant 0 : i32
      %dma_wait3A_39 = tpu.memref_slice %arg10[%dma_wait3A, %dma_wait3A_38] : memref<128x128xf32, #tpu.memory_space<vmem>> -> memref<120x128xf32, #tpu.memory_space<vmem>>
      %dma_wait3A_40 = arith.constant 0 : i32
      %dma_wait3A_41 = tpu.memref_slice %arg12[%add3A_10, %dma_wait3A_40] : memref<10112x128xf32, #tpu.memory_space<vmem_shared>> -> memref<120x128xf32, #tpu.memory_space<vmem_shared>>
      %dma_wait3A_42 = arith.constant 0 : i32
      %dma_wait3A_43 = tpu.memref_slice %arg12[%add3A_10, %dma_wait3A_42] : memref<10112x128xf32, #tpu.memory_space<vmem_shared>> -> memref<120x128xf32, #tpu.memory_space<vmem_shared>>
      %dma_wait3A_44 = arith.constant 0 : i32
      %dma_wait3A_45 = arith.constant 0 : i32
      %dma_wait3A_46 = tpu.memref_slice %arg10[%dma_wait3A_44, %dma_wait3A_45] : memref<128x128xf32, #tpu.memory_space<vmem>> -> memref<120x128xf32, #tpu.memory_space<vmem>>
      tpu.wait_dma2 semaphore(%run_scoped3A : memref<!tpu.dma_semaphore, #tpu.memory_space<semaphore_mem>>) src(%dma_wait3A_46 : memref<120x128xf32, #tpu.memory_space<vmem>>) dst(%dma_wait3A_43 : memref<120x128xf32, #tpu.memory_space<vmem_shared>>)
      tpu.yield
    }) : () -> ()
    %barrier3A = arith.constant 0 : index
    tpu.barrier barrier_id(%barrier3A)
    %eq3A = arith.constant 0 : i32
    %eq3A_11 = arith.cmpi eq, %arg0, %eq3A : i32
    %convert_element_type3A = arith.extui %eq3A_11 : i1 to i32
    %cond3A = arith.constant 0 : i32
    %cond3A_12 = arith.cmpi ne, %convert_element_type3A, %cond3A : i32
    scf.if %cond3A_12 {
      %scan3A_29 = arith.constant 0 : i32
      %scan3A_30 = arith.constant 2 : i32
      %scan3A_31 = arith.addi %scan3A_29, %scan3A_30 : i32
      %scan3A_32 = arith.constant 1 : i32
      scf.for %scan3A_34 = %scan3A_29 to %scan3A_31 step %scan3A_32  : i32 {
        %mul3A_35 = arith.constant 1 : i32
        %mul3A_36 = arith.muli %scan3A_34, %mul3A_35 : i32
        %add3A_37 = arith.constant 0 : i32
        %add3A_38 = arith.addi %add3A_37, %mul3A_36 : i32
        %mul3A_39 = arith.constant 40 : i32
        %mul3A_40 = arith.muli %add3A_38, %mul3A_39 : i32
        "tpu.region"() ({
          %run_scoped3A_75 = tpu.sem_alloc : memref<!tpu.dma_semaphore, #tpu.memory_space<semaphore_mem>>
          %dma_start3A_76 = arith.constant 0 : i32
          %dma_start3A_77 = arith.constant 0 : i32
          %dma_start3A_78 = tpu.memref_slice %arg4[%arg1, %dma_start3A_76, %dma_start3A_77] : memref<16x80x128xi32, #tpu.memory_space<hbm>> -> memref<1x80x128xi32, #tpu.memory_space<hbm>>
          %dma_start3A_79 = tpu.memref_squeeze %dma_start3A_78 : memref<1x80x128xi32, #tpu.memory_space<hbm>> -> memref<80x128xi32, #tpu.memory_space<hbm>>
          %dma_start3A_80 = arith.constant 0 : i32
          %dma_start3A_81 = tpu.memref_slice %dma_start3A_79[%mul3A_40, %dma_start3A_80] : memref<80x128xi32, #tpu.memory_space<hbm>> -> memref<40x128xi32, #tpu.memory_space<hbm>>
          %dma_start3A_82 = arith.constant 0 : i32
          %dma_start3A_83 = arith.constant 0 : i32
          %dma_start3A_84 = tpu.memref_slice %arg4[%arg1, %dma_start3A_82, %dma_start3A_83] : memref<16x80x128xi32, #tpu.memory_space<hbm>> -> memref<1x80x128xi32, #tpu.memory_space<hbm>>
          %dma_start3A_85 = tpu.memref_squeeze %dma_start3A_84 : memref<1x80x128xi32, #tpu.memory_space<hbm>> -> memref<80x128xi32, #tpu.memory_space<hbm>>
          %dma_start3A_86 = arith.constant 0 : i32
          %dma_start3A_87 = tpu.memref_slice %dma_start3A_85[%mul3A_40, %dma_start3A_86] : memref<80x128xi32, #tpu.memory_space<hbm>> -> memref<40x128xi32, #tpu.memory_space<hbm>>
          tpu.enqueue_dma source(%dma_start3A_87 : memref<40x128xi32, #tpu.memory_space<hbm>>) target(%arg8 : memref<40x128xi32, #tpu.memory_space<vmem>>) target_semaphore(%run_scoped3A_75 : memref<!tpu.dma_semaphore, #tpu.memory_space<semaphore_mem>>)
          %dma_wait3A_88 = arith.constant 0 : i32
          %dma_wait3A_89 = arith.constant 0 : i32
          %dma_wait3A_90 = tpu.memref_slice %arg4[%arg1, %dma_wait3A_88, %dma_wait3A_89] : memref<16x80x128xi32, #tpu.memory_space<hbm>> -> memref<1x80x128xi32, #tpu.memory_space<hbm>>
          %dma_wait3A_91 = tpu.memref_squeeze %dma_wait3A_90 : memref<1x80x128xi32, #tpu.memory_space<hbm>> -> memref<80x128xi32, #tpu.memory_space<hbm>>
          %dma_wait3A_92 = arith.constant 0 : i32
          %dma_wait3A_93 = tpu.memref_slice %dma_wait3A_91[%mul3A_40, %dma_wait3A_92] : memref<80x128xi32, #tpu.memory_space<hbm>> -> memref<40x128xi32, #tpu.memory_space<hbm>>
          %dma_wait3A_94 = arith.constant 0 : i32
          %dma_wait3A_95 = arith.constant 0 : i32
          %dma_wait3A_96 = tpu.memref_slice %arg4[%arg1, %dma_wait3A_94, %dma_wait3A_95] : memref<16x80x128xi32, #tpu.memory_space<hbm>> -> memref<1x80x128xi32, #tpu.memory_space<hbm>>
          %dma_wait3A_97 = tpu.memref_squeeze %dma_wait3A_96 : memref<1x80x128xi32, #tpu.memory_space<hbm>> -> memref<80x128xi32, #tpu.memory_space<hbm>>
          %dma_wait3A_98 = arith.constant 0 : i32
          %dma_wait3A_99 = tpu.memref_slice %dma_wait3A_97[%mul3A_40, %dma_wait3A_98] : memref<80x128xi32, #tpu.memory_space<hbm>> -> memref<40x128xi32, #tpu.memory_space<hbm>>
          tpu.wait_dma2 semaphore(%run_scoped3A_75 : memref<!tpu.dma_semaphore, #tpu.memory_space<semaphore_mem>>) src(%dma_wait3A_99 : memref<40x128xi32, #tpu.memory_space<hbm>>) dst(%arg8 : memref<40x128xi32, #tpu.memory_space<vmem>>)
          tpu.yield
        }) : () -> ()
        %mul3A_41 = arith.constant 40 : i32
        %mul3A_42 = arith.muli %add3A_38, %mul3A_41 : i32
        "tpu.region"() ({
          %run_scoped3A_75 = tpu.sem_alloc : memref<!tpu.dma_semaphore, #tpu.memory_space<semaphore_mem>>
          %dma_start3A_76 = arith.constant 0 : i32
          %dma_start3A_77 = arith.constant 0 : i32
          %dma_start3A_78 = tpu.memref_slice %arg5[%arg1, %dma_start3A_76, %dma_start3A_77] : memref<16x80x128xi32, #tpu.memory_space<hbm>> -> memref<1x80x128xi32, #tpu.memory_space<hbm>>
          %dma_start3A_79 = tpu.memref_squeeze %dma_start3A_78 : memref<1x80x128xi32, #tpu.memory_space<hbm>> -> memref<80x128xi32, #tpu.memory_space<hbm>>
          %dma_start3A_80 = arith.constant 0 : i32
          %dma_start3A_81 = tpu.memref_slice %dma_start3A_79[%mul3A_42, %dma_start3A_80] : memref<80x128xi32, #tpu.memory_space<hbm>> -> memref<40x128xi32, #tpu.memory_space<hbm>>
          %dma_start3A_82 = arith.constant 0 : i32
          %dma_start3A_83 = arith.constant 0 : i32
          %dma_start3A_84 = tpu.memref_slice %arg5[%arg1, %dma_start3A_82, %dma_start3A_83] : memref<16x80x128xi32, #tpu.memory_space<hbm>> -> memref<1x80x128xi32, #tpu.memory_space<hbm>>
          %dma_start3A_85 = tpu.memref_squeeze %dma_start3A_84 : memref<1x80x128xi32, #tpu.memory_space<hbm>> -> memref<80x128xi32, #tpu.memory_space<hbm>>
          %dma_start3A_86 = arith.constant 0 : i32
          %dma_start3A_87 = tpu.memref_slice %dma_start3A_85[%mul3A_42, %dma_start3A_86] : memref<80x128xi32, #tpu.memory_space<hbm>> -> memref<40x128xi32, #tpu.memory_space<hbm>>
          tpu.enqueue_dma source(%dma_start3A_87 : memref<40x128xi32, #tpu.memory_space<hbm>>) target(%arg9 : memref<40x128xi32, #tpu.memory_space<vmem>>) target_semaphore(%run_scoped3A_75 : memref<!tpu.dma_semaphore, #tpu.memory_space<semaphore_mem>>)
          %dma_wait3A_88 = arith.constant 0 : i32
          %dma_wait3A_89 = arith.constant 0 : i32
          %dma_wait3A_90 = tpu.memref_slice %arg5[%arg1, %dma_wait3A_88, %dma_wait3A_89] : memref<16x80x128xi32, #tpu.memory_space<hbm>> -> memref<1x80x128xi32, #tpu.memory_space<hbm>>
          %dma_wait3A_91 = tpu.memref_squeeze %dma_wait3A_90 : memref<1x80x128xi32, #tpu.memory_space<hbm>> -> memref<80x128xi32, #tpu.memory_space<hbm>>
          %dma_wait3A_92 = arith.constant 0 : i32
          %dma_wait3A_93 = tpu.memref_slice %dma_wait3A_91[%mul3A_42, %dma_wait3A_92] : memref<80x128xi32, #tpu.memory_space<hbm>> -> memref<40x128xi32, #tpu.memory_space<hbm>>
          %dma_wait3A_94 = arith.constant 0 : i32
          %dma_wait3A_95 = arith.constant 0 : i32
          %dma_wait3A_96 = tpu.memref_slice %arg5[%arg1, %dma_wait3A_94, %dma_wait3A_95] : memref<16x80x128xi32, #tpu.memory_space<hbm>> -> memref<1x80x128xi32, #tpu.memory_space<hbm>>
          %dma_wait3A_97 = tpu.memref_squeeze %dma_wait3A_96 : memref<1x80x128xi32, #tpu.memory_space<hbm>> -> memref<80x128xi32, #tpu.memory_space<hbm>>
          %dma_wait3A_98 = arith.constant 0 : i32
          %dma_wait3A_99 = tpu.memref_slice %dma_wait3A_97[%mul3A_42, %dma_wait3A_98] : memref<80x128xi32, #tpu.memory_space<hbm>> -> memref<40x128xi32, #tpu.memory_space<hbm>>
          tpu.wait_dma2 semaphore(%run_scoped3A_75 : memref<!tpu.dma_semaphore, #tpu.memory_space<semaphore_mem>>) src(%dma_wait3A_99 : memref<40x128xi32, #tpu.memory_space<hbm>>) dst(%arg9 : memref<40x128xi32, #tpu.memory_space<vmem>>)
          tpu.yield
        }) : () -> ()
        %dma_start3A = arith.constant 0 : i32
        %dma_start3A_43 = arith.constant 0 : i32
        %dma_start3A_44 = tpu.memref_slice %arg8[%dma_start3A, %dma_start3A_43] : memref<40x128xi32, #tpu.memory_space<vmem>> -> memref<1x128xi32, #tpu.memory_space<vmem>>
        %dma_start3A_45 = tpu.memref_squeeze %dma_start3A_44 : memref<1x128xi32, #tpu.memory_space<vmem>> -> memref<128xi32, #tpu.memory_space<vmem>>
        %dma_start3A_46 = arith.constant 0 : i32
        %dma_start3A_47 = arith.constant 0 : i32
        %dma_start3A_48 = tpu.memref_slice %arg2[%dma_start3A_46, %dma_start3A_47] : memref<10000x128xf32, #tpu.memory_space<hbm>> -> memref<10000x128xf32, #tpu.memory_space<hbm>>
        tpu.enqueue_indirect_dma source(%dma_start3A_48 : memref<10000x128xf32, #tpu.memory_space<hbm>>) target(%arg10 : memref<128x128xf32, #tpu.memory_space<vmem>>) offsets(%dma_start3A_45 : memref<128xi32, #tpu.memory_space<vmem>>) semaphore(%arg13 : memref<!tpu.dma_semaphore, #tpu.memory_space<semaphore_mem>>)
        %dma_start3A_49 = arith.constant 1 : i32
        %dma_start3A_50 = arith.constant 0 : i32
        %dma_start3A_51 = tpu.memref_slice %arg8[%dma_start3A_49, %dma_start3A_50] : memref<40x128xi32, #tpu.memory_space<vmem>> -> memref<1x128xi32, #tpu.memory_space<vmem>>
        %dma_start3A_52 = tpu.memref_squeeze %dma_start3A_51 : memref<1x128xi32, #tpu.memory_space<vmem>> -> memref<128xi32, #tpu.memory_space<vmem>>
        %dma_start3A_53 = arith.constant 0 : i32
        %dma_start3A_54 = arith.constant 0 : i32
        %dma_start3A_55 = tpu.memref_slice %arg2[%dma_start3A_53, %dma_start3A_54] : memref<10000x128xf32, #tpu.memory_space<hbm>> -> memref<10000x128xf32, #tpu.memory_space<hbm>>
        tpu.enqueue_indirect_dma source(%dma_start3A_55 : memref<10000x128xf32, #tpu.memory_space<hbm>>) target(%arg11 : memref<128x128xf32, #tpu.memory_space<vmem>>) offsets(%dma_start3A_52 : memref<128xi32, #tpu.memory_space<vmem>>) semaphore(%arg14 : memref<!tpu.dma_semaphore, #tpu.memory_space<semaphore_mem>>)
        %scan3A_56 = arith.constant 0 : i32
        %scan3A_57 = arith.constant 19 : i32
        %scan3A_58 = arith.addi %scan3A_56, %scan3A_57 : i32
        %scan3A_59 = arith.constant 1 : i32
        scf.for %scan3A_75 = %scan3A_56 to %scan3A_58 step %scan3A_59  : i32 {
          %mul3A_76 = arith.constant 1 : i32
          %mul3A_77 = arith.muli %scan3A_75, %mul3A_76 : i32
          %add3A_78 = arith.constant 0 : i32
          %add3A_79 = arith.addi %add3A_78, %mul3A_77 : i32
          %mul3A_80 = arith.constant 2 : i32
          %mul3A_81 = arith.muli %add3A_79, %mul3A_80 : i32
          %dma_wait3A_82 = arith.constant 0 : i32
          %dma_wait3A_83 = tpu.memref_slice %arg8[%mul3A_81, %dma_wait3A_82] : memref<40x128xi32, #tpu.memory_space<vmem>> -> memref<1x128xi32, #tpu.memory_space<vmem>>
          %dma_wait3A_84 = tpu.memref_squeeze %dma_wait3A_83 : memref<1x128xi32, #tpu.memory_space<vmem>> -> memref<128xi32, #tpu.memory_space<vmem>>
          %dma_wait3A_85 = arith.constant 0 : i32
          %dma_wait3A_86 = arith.constant 0 : i32
          %dma_wait3A_87 = tpu.memref_slice %arg2[%dma_wait3A_85, %dma_wait3A_86] : memref<10000x128xf32, #tpu.memory_space<hbm>> -> memref<10000x128xf32, #tpu.memory_space<hbm>>
          tpu.wait_indirect_dma semaphore(%arg13 : memref<!tpu.dma_semaphore, #tpu.memory_space<semaphore_mem>>) src(%dma_wait3A_87 : memref<10000x128xf32, #tpu.memory_space<hbm>>) dst(%arg10 : memref<128x128xf32, #tpu.memory_space<vmem>>)
          %dma_start3A_88 = arith.constant 0 : i32
          %dma_start3A_89 = tpu.memref_slice %arg9[%mul3A_81, %dma_start3A_88] : memref<40x128xi32, #tpu.memory_space<vmem>> -> memref<1x128xi32, #tpu.memory_space<vmem>>
          %dma_start3A_90 = tpu.memref_squeeze %dma_start3A_89 : memref<1x128xi32, #tpu.memory_space<vmem>> -> memref<128xi32, #tpu.memory_space<vmem>>
          %dma_start3A_91 = arith.constant 0 : i32
          %dma_start3A_92 = arith.constant 0 : i32
          %dma_start3A_93 = tpu.memref_slice %arg12[%dma_start3A_91, %dma_start3A_92] : memref<10112x128xf32, #tpu.memory_space<vmem_shared>> -> memref<10112x128xf32, #tpu.memory_space<vmem_shared>>
          tpu.enqueue_indirect_dma source(%arg10 : memref<128x128xf32, #tpu.memory_space<vmem>>) target(%dma_start3A_93 : memref<10112x128xf32, #tpu.memory_space<vmem_shared>>) offsets(%dma_start3A_90 : memref<128xi32, #tpu.memory_space<vmem>>) semaphore(%arg15 : memref<!tpu.dma_semaphore, #tpu.memory_space<semaphore_mem>>) {add = true}
          %add3A_94 = arith.constant 1 : i32
          %add3A_95 = arith.addi %mul3A_81, %add3A_94 : i32
          %dma_wait3A_96 = arith.constant 0 : i32
          %dma_wait3A_97 = tpu.memref_slice %arg8[%add3A_95, %dma_wait3A_96] : memref<40x128xi32, #tpu.memory_space<vmem>> -> memref<1x128xi32, #tpu.memory_space<vmem>>
          %dma_wait3A_98 = tpu.memref_squeeze %dma_wait3A_97 : memref<1x128xi32, #tpu.memory_space<vmem>> -> memref<128xi32, #tpu.memory_space<vmem>>
          %dma_wait3A_99 = arith.constant 0 : i32
          %dma_wait3A_100 = arith.constant 0 : i32
          %dma_wait3A_101 = tpu.memref_slice %arg2[%dma_wait3A_99, %dma_wait3A_100] : memref<10000x128xf32, #tpu.memory_space<hbm>> -> memref<10000x128xf32, #tpu.memory_space<hbm>>
          tpu.wait_indirect_dma semaphore(%arg14 : memref<!tpu.dma_semaphore, #tpu.memory_space<semaphore_mem>>) src(%dma_wait3A_101 : memref<10000x128xf32, #tpu.memory_space<hbm>>) dst(%arg11 : memref<128x128xf32, #tpu.memory_space<vmem>>)
          %add3A_102 = arith.constant 1 : i32
          %add3A_103 = arith.addi %mul3A_81, %add3A_102 : i32
          %dma_start3A_104 = arith.constant 0 : i32
          %dma_start3A_105 = tpu.memref_slice %arg9[%add3A_103, %dma_start3A_104] : memref<40x128xi32, #tpu.memory_space<vmem>> -> memref<1x128xi32, #tpu.memory_space<vmem>>
          %dma_start3A_106 = tpu.memref_squeeze %dma_start3A_105 : memref<1x128xi32, #tpu.memory_space<vmem>> -> memref<128xi32, #tpu.memory_space<vmem>>
          %dma_start3A_107 = arith.constant 0 : i32
          %dma_start3A_108 = arith.constant 0 : i32
          %dma_start3A_109 = tpu.memref_slice %arg12[%dma_start3A_107, %dma_start3A_108] : memref<10112x128xf32, #tpu.memory_space<vmem_shared>> -> memref<10112x128xf32, #tpu.memory_space<vmem_shared>>
          tpu.enqueue_indirect_dma source(%arg11 : memref<128x128xf32, #tpu.memory_space<vmem>>) target(%dma_start3A_109 : memref<10112x128xf32, #tpu.memory_space<vmem_shared>>) offsets(%dma_start3A_106 : memref<128xi32, #tpu.memory_space<vmem>>) semaphore(%arg16 : memref<!tpu.dma_semaphore, #tpu.memory_space<semaphore_mem>>) {add = true}
          %dma_wait3A_110 = arith.constant 0 : i32
          %dma_wait3A_111 = tpu.memref_slice %arg9[%mul3A_81, %dma_wait3A_110] : memref<40x128xi32, #tpu.memory_space<vmem>> -> memref<1x128xi32, #tpu.memory_space<vmem>>
          %dma_wait3A_112 = tpu.memref_squeeze %dma_wait3A_111 : memref<1x128xi32, #tpu.memory_space<vmem>> -> memref<128xi32, #tpu.memory_space<vmem>>
          %dma_wait3A_113 = arith.constant 0 : i32
          %dma_wait3A_114 = arith.constant 0 : i32
          %dma_wait3A_115 = tpu.memref_slice %arg12[%dma_wait3A_113, %dma_wait3A_114] : memref<10112x128xf32, #tpu.memory_space<vmem_shared>> -> memref<10112x128xf32, #tpu.memory_space<vmem_shared>>
          tpu.wait_indirect_dma semaphore(%arg15 : memref<!tpu.dma_semaphore, #tpu.memory_space<semaphore_mem>>) src(%arg10 : memref<128x128xf32, #tpu.memory_space<vmem>>) dst(%dma_wait3A_115 : memref<10112x128xf32, #tpu.memory_space<vmem_shared>>)
          %add3A_116 = arith.constant 2 : i32
          %add3A_117 = arith.addi %mul3A_81, %add3A_116 : i32
          %dma_start3A_118 = arith.constant 0 : i32
          %dma_start3A_119 = tpu.memref_slice %arg8[%add3A_117, %dma_start3A_118] : memref<40x128xi32, #tpu.memory_space<vmem>> -> memref<1x128xi32, #tpu.memory_space<vmem>>
          %dma_start3A_120 = tpu.memref_squeeze %dma_start3A_119 : memref<1x128xi32, #tpu.memory_space<vmem>> -> memref<128xi32, #tpu.memory_space<vmem>>
          %dma_start3A_121 = arith.constant 0 : i32
          %dma_start3A_122 = arith.constant 0 : i32
          %dma_start3A_123 = tpu.memref_slice %arg2[%dma_start3A_121, %dma_start3A_122] : memref<10000x128xf32, #tpu.memory_space<hbm>> -> memref<10000x128xf32, #tpu.memory_space<hbm>>
          tpu.enqueue_indirect_dma source(%dma_start3A_123 : memref<10000x128xf32, #tpu.memory_space<hbm>>) target(%arg10 : memref<128x128xf32, #tpu.memory_space<vmem>>) offsets(%dma_start3A_120 : memref<128xi32, #tpu.memory_space<vmem>>) semaphore(%arg13 : memref<!tpu.dma_semaphore, #tpu.memory_space<semaphore_mem>>)
          %dma_wait3A_124 = arith.constant 0 : i32
          %dma_wait3A_125 = tpu.memref_slice %arg9[%add3A_103, %dma_wait3A_124] : memref<40x128xi32, #tpu.memory_space<vmem>> -> memref<1x128xi32, #tpu.memory_space<vmem>>
          %dma_wait3A_126 = tpu.memref_squeeze %dma_wait3A_125 : memref<1x128xi32, #tpu.memory_space<vmem>> -> memref<128xi32, #tpu.memory_space<vmem>>
          %dma_wait3A_127 = arith.constant 0 : i32
          %dma_wait3A_128 = arith.constant 0 : i32
          %dma_wait3A_129 = tpu.memref_slice %arg12[%dma_wait3A_127, %dma_wait3A_128] : memref<10112x128xf32, #tpu.memory_space<vmem_shared>> -> memref<10112x128xf32, #tpu.memory_space<vmem_shared>>
          tpu.wait_indirect_dma semaphore(%arg16 : memref<!tpu.dma_semaphore, #tpu.memory_space<semaphore_mem>>) src(%arg11 : memref<128x128xf32, #tpu.memory_space<vmem>>) dst(%dma_wait3A_129 : memref<10112x128xf32, #tpu.memory_space<vmem_shared>>)
          %add3A_130 = arith.constant 3 : i32
          %add3A_131 = arith.addi %mul3A_81, %add3A_130 : i32
          %dma_start3A_132 = arith.constant 0 : i32
          %dma_start3A_133 = tpu.memref_slice %arg8[%add3A_131, %dma_start3A_132] : memref<40x128xi32, #tpu.memory_space<vmem>> -> memref<1x128xi32, #tpu.memory_space<vmem>>
          %dma_start3A_134 = tpu.memref_squeeze %dma_start3A_133 : memref<1x128xi32, #tpu.memory_space<vmem>> -> memref<128xi32, #tpu.memory_space<vmem>>
          %dma_start3A_135 = arith.constant 0 : i32
          %dma_start3A_136 = arith.constant 0 : i32
          %dma_start3A_137 = tpu.memref_slice %arg2[%dma_start3A_135, %dma_start3A_136] : memref<10000x128xf32, #tpu.memory_space<hbm>> -> memref<10000x128xf32, #tpu.memory_space<hbm>>
          tpu.enqueue_indirect_dma source(%dma_start3A_137 : memref<10000x128xf32, #tpu.memory_space<hbm>>) target(%arg11 : memref<128x128xf32, #tpu.memory_space<vmem>>) offsets(%dma_start3A_134 : memref<128xi32, #tpu.memory_space<vmem>>) semaphore(%arg14 : memref<!tpu.dma_semaphore, #tpu.memory_space<semaphore_mem>>)
        }
        %scan3A_60 = arith.constant 19 : i32
        %dma_wait3A = arith.constant 38 : i32
        %dma_wait3A_61 = arith.constant 0 : i32
        %dma_wait3A_62 = tpu.memref_slice %arg8[%dma_wait3A, %dma_wait3A_61] : memref<40x128xi32, #tpu.memory_space<vmem>> -> memref<1x128xi32, #tpu.memory_space<vmem>>
        %dma_wait3A_63 = tpu.memref_squeeze %dma_wait3A_62 : memref<1x128xi32, #tpu.memory_space<vmem>> -> memref<128xi32, #tpu.memory_space<vmem>>
        %dma_wait3A_64 = arith.constant 0 : i32
        %dma_wait3A_65 = arith.constant 0 : i32
        %dma_wait3A_66 = tpu.memref_slice %arg2[%dma_wait3A_64, %dma_wait3A_65] : memref<10000x128xf32, #tpu.memory_space<hbm>> -> memref<10000x128xf32, #tpu.memory_space<hbm>>
        tpu.wait_indirect_dma semaphore(%arg13 : memref<!tpu.dma_semaphore, #tpu.memory_space<semaphore_mem>>) src(%dma_wait3A_66 : memref<10000x128xf32, #tpu.memory_space<hbm>>) dst(%arg10 : memref<128x128xf32, #tpu.memory_space<vmem>>)
        %run_scoped3A = arith.constant 38 : i32
        "tpu.region"() ({
          %run_scoped3A_75 = tpu.sem_alloc : memref<!tpu.dma_semaphore, #tpu.memory_space<semaphore_mem>>
          %dma_start3A_76 = arith.constant 0 : i32
          %dma_start3A_77 = tpu.memref_slice %arg9[%run_scoped3A, %dma_start3A_76] : memref<40x128xi32, #tpu.memory_space<vmem>> -> memref<1x128xi32, #tpu.memory_space<vmem>>
          %dma_start3A_78 = tpu.memref_squeeze %dma_start3A_77 : memref<1x128xi32, #tpu.memory_space<vmem>> -> memref<128xi32, #tpu.memory_space<vmem>>
          %dma_start3A_79 = arith.constant 0 : i32
          %dma_start3A_80 = arith.constant 0 : i32
          %dma_start3A_81 = tpu.memref_slice %arg12[%dma_start3A_79, %dma_start3A_80] : memref<10112x128xf32, #tpu.memory_space<vmem_shared>> -> memref<10112x128xf32, #tpu.memory_space<vmem_shared>>
          tpu.enqueue_indirect_dma source(%arg10 : memref<128x128xf32, #tpu.memory_space<vmem>>) target(%dma_start3A_81 : memref<10112x128xf32, #tpu.memory_space<vmem_shared>>) offsets(%dma_start3A_78 : memref<128xi32, #tpu.memory_space<vmem>>) semaphore(%run_scoped3A_75 : memref<!tpu.dma_semaphore, #tpu.memory_space<semaphore_mem>>) {add = true}
          %dma_wait3A_82 = arith.constant 0 : i32
          %dma_wait3A_83 = tpu.memref_slice %arg9[%run_scoped3A, %dma_wait3A_82] : memref<40x128xi32, #tpu.memory_space<vmem>> -> memref<1x128xi32, #tpu.memory_space<vmem>>
          %dma_wait3A_84 = tpu.memref_squeeze %dma_wait3A_83 : memref<1x128xi32, #tpu.memory_space<vmem>> -> memref<128xi32, #tpu.memory_space<vmem>>
          %dma_wait3A_85 = arith.constant 0 : i32
          %dma_wait3A_86 = arith.constant 0 : i32
          %dma_wait3A_87 = tpu.memref_slice %arg12[%dma_wait3A_85, %dma_wait3A_86] : memref<10112x128xf32, #tpu.memory_space<vmem_shared>> -> memref<10112x128xf32, #tpu.memory_space<vmem_shared>>
          tpu.wait_indirect_dma semaphore(%run_scoped3A_75 : memref<!tpu.dma_semaphore, #tpu.memory_space<semaphore_mem>>) src(%arg10 : memref<128x128xf32, #tpu.memory_space<vmem>>) dst(%dma_wait3A_87 : memref<10112x128xf32, #tpu.memory_space<vmem_shared>>)
          tpu.yield
        }) : () -> ()
        %dma_wait3A_67 = arith.constant 39 : i32
        %dma_wait3A_68 = arith.constant 0 : i32
        %dma_wait3A_69 = tpu.memref_slice %arg8[%dma_wait3A_67, %dma_wait3A_68] : memref<40x128xi32, #tpu.memory_space<vmem>> -> memref<1x128xi32, #tpu.memory_space<vmem>>
        %dma_wait3A_70 = tpu.memref_squeeze %dma_wait3A_69 : memref<1x128xi32, #tpu.memory_space<vmem>> -> memref<128xi32, #tpu.memory_space<vmem>>
        %dma_wait3A_71 = arith.constant 0 : i32
        %dma_wait3A_72 = arith.constant 0 : i32
        %dma_wait3A_73 = tpu.memref_slice %arg2[%dma_wait3A_71, %dma_wait3A_72] : memref<10000x128xf32, #tpu.memory_space<hbm>> -> memref<10000x128xf32, #tpu.memory_space<hbm>>
        tpu.wait_indirect_dma semaphore(%arg14 : memref<!tpu.dma_semaphore, #tpu.memory_space<semaphore_mem>>) src(%dma_wait3A_73 : memref<10000x128xf32, #tpu.memory_space<hbm>>) dst(%arg11 : memref<128x128xf32, #tpu.memory_space<vmem>>)
        %run_scoped3A_74 = arith.constant 39 : i32
        "tpu.region"() ({
          %run_scoped3A_75 = tpu.sem_alloc : memref<!tpu.dma_semaphore, #tpu.memory_space<semaphore_mem>>
          %dma_start3A_76 = arith.constant 0 : i32
          %dma_start3A_77 = tpu.memref_slice %arg9[%run_scoped3A_74, %dma_start3A_76] : memref<40x128xi32, #tpu.memory_space<vmem>> -> memref<1x128xi32, #tpu.memory_space<vmem>>
          %dma_start3A_78 = tpu.memref_squeeze %dma_start3A_77 : memref<1x128xi32, #tpu.memory_space<vmem>> -> memref<128xi32, #tpu.memory_space<vmem>>
          %dma_start3A_79 = arith.constant 0 : i32
          %dma_start3A_80 = arith.constant 0 : i32
          %dma_start3A_81 = tpu.memref_slice %arg12[%dma_start3A_79, %dma_start3A_80] : memref<10112x128xf32, #tpu.memory_space<vmem_shared>> -> memref<10112x128xf32, #tpu.memory_space<vmem_shared>>
          tpu.enqueue_indirect_dma source(%arg11 : memref<128x128xf32, #tpu.memory_space<vmem>>) target(%dma_start3A_81 : memref<10112x128xf32, #tpu.memory_space<vmem_shared>>) offsets(%dma_start3A_78 : memref<128xi32, #tpu.memory_space<vmem>>) semaphore(%run_scoped3A_75 : memref<!tpu.dma_semaphore, #tpu.memory_space<semaphore_mem>>) {add = true}
          %dma_wait3A_82 = arith.constant 0 : i32
          %dma_wait3A_83 = tpu.memref_slice %arg9[%run_scoped3A_74, %dma_wait3A_82] : memref<40x128xi32, #tpu.memory_space<vmem>> -> memref<1x128xi32, #tpu.memory_space<vmem>>
          %dma_wait3A_84 = tpu.memref_squeeze %dma_wait3A_83 : memref<1x128xi32, #tpu.memory_space<vmem>> -> memref<128xi32, #tpu.memory_space<vmem>>
          %dma_wait3A_85 = arith.constant 0 : i32
          %dma_wait3A_86 = arith.constant 0 : i32
          %dma_wait3A_87 = tpu.memref_slice %arg12[%dma_wait3A_85, %dma_wait3A_86] : memref<10112x128xf32, #tpu.memory_space<vmem_shared>> -> memref<10112x128xf32, #tpu.memory_space<vmem_shared>>
          tpu.wait_indirect_dma semaphore(%run_scoped3A_75 : memref<!tpu.dma_semaphore, #tpu.memory_space<semaphore_mem>>) src(%arg11 : memref<128x128xf32, #tpu.memory_space<vmem>>) dst(%dma_wait3A_87 : memref<10112x128xf32, #tpu.memory_space<vmem_shared>>)
          tpu.yield
        }) : () -> ()
      }
      %scan3A_33 = arith.constant 2 : i32
    } else {
    }
    %eq3A_13 = arith.constant 1 : i32
    %eq3A_14 = arith.cmpi eq, %arg0, %eq3A_13 : i32
    %convert_element_type3A_15 = arith.extui %eq3A_14 : i1 to i32
    %cond3A_16 = arith.constant 0 : i32
    %cond3A_17 = arith.cmpi ne, %convert_element_type3A_15, %cond3A_16 : i32
    scf.if %cond3A_17 {
      %scan3A_29 = arith.constant 0 : i32
      %scan3A_30 = arith.constant 2 : i32
      %scan3A_31 = arith.addi %scan3A_29, %scan3A_30 : i32
      %scan3A_32 = arith.constant 1 : i32
      scf.for %scan3A_34 = %scan3A_29 to %scan3A_31 step %scan3A_32  : i32 {
        %mul3A_35 = arith.constant 1 : i32
        %mul3A_36 = arith.muli %scan3A_34, %mul3A_35 : i32
        %add3A_37 = arith.constant 0 : i32
        %add3A_38 = arith.addi %add3A_37, %mul3A_36 : i32
        %mul3A_39 = arith.constant 40 : i32
        %mul3A_40 = arith.muli %add3A_38, %mul3A_39 : i32
        "tpu.region"() ({
          %run_scoped3A_75 = tpu.sem_alloc : memref<!tpu.dma_semaphore, #tpu.memory_space<semaphore_mem>>
          %dma_start3A_76 = arith.constant 0 : i32
          %dma_start3A_77 = arith.constant 0 : i32
          %dma_start3A_78 = tpu.memref_slice %arg4[%arg1, %dma_start3A_76, %dma_start3A_77] : memref<16x80x128xi32, #tpu.memory_space<hbm>> -> memref<1x80x128xi32, #tpu.memory_space<hbm>>
          %dma_start3A_79 = tpu.memref_squeeze %dma_start3A_78 : memref<1x80x128xi32, #tpu.memory_space<hbm>> -> memref<80x128xi32, #tpu.memory_space<hbm>>
          %dma_start3A_80 = arith.constant 0 : i32
          %dma_start3A_81 = tpu.memref_slice %dma_start3A_79[%mul3A_40, %dma_start3A_80] : memref<80x128xi32, #tpu.memory_space<hbm>> -> memref<40x128xi32, #tpu.memory_space<hbm>>
          %dma_start3A_82 = arith.constant 0 : i32
          %dma_start3A_83 = arith.constant 0 : i32
          %dma_start3A_84 = tpu.memref_slice %arg4[%arg1, %dma_start3A_82, %dma_start3A_83] : memref<16x80x128xi32, #tpu.memory_space<hbm>> -> memref<1x80x128xi32, #tpu.memory_space<hbm>>
          %dma_start3A_85 = tpu.memref_squeeze %dma_start3A_84 : memref<1x80x128xi32, #tpu.memory_space<hbm>> -> memref<80x128xi32, #tpu.memory_space<hbm>>
          %dma_start3A_86 = arith.constant 0 : i32
          %dma_start3A_87 = tpu.memref_slice %dma_start3A_85[%mul3A_40, %dma_start3A_86] : memref<80x128xi32, #tpu.memory_space<hbm>> -> memref<40x128xi32, #tpu.memory_space<hbm>>
          tpu.enqueue_dma source(%dma_start3A_87 : memref<40x128xi32, #tpu.memory_space<hbm>>) target(%arg8 : memref<40x128xi32, #tpu.memory_space<vmem>>) target_semaphore(%run_scoped3A_75 : memref<!tpu.dma_semaphore, #tpu.memory_space<semaphore_mem>>)
          %dma_wait3A_88 = arith.constant 0 : i32
          %dma_wait3A_89 = arith.constant 0 : i32
          %dma_wait3A_90 = tpu.memref_slice %arg4[%arg1, %dma_wait3A_88, %dma_wait3A_89] : memref<16x80x128xi32, #tpu.memory_space<hbm>> -> memref<1x80x128xi32, #tpu.memory_space<hbm>>
          %dma_wait3A_91 = tpu.memref_squeeze %dma_wait3A_90 : memref<1x80x128xi32, #tpu.memory_space<hbm>> -> memref<80x128xi32, #tpu.memory_space<hbm>>
          %dma_wait3A_92 = arith.constant 0 : i32
          %dma_wait3A_93 = tpu.memref_slice %dma_wait3A_91[%mul3A_40, %dma_wait3A_92] : memref<80x128xi32, #tpu.memory_space<hbm>> -> memref<40x128xi32, #tpu.memory_space<hbm>>
          %dma_wait3A_94 = arith.constant 0 : i32
          %dma_wait3A_95 = arith.constant 0 : i32
          %dma_wait3A_96 = tpu.memref_slice %arg4[%arg1, %dma_wait3A_94, %dma_wait3A_95] : memref<16x80x128xi32, #tpu.memory_space<hbm>> -> memref<1x80x128xi32, #tpu.memory_space<hbm>>
          %dma_wait3A_97 = tpu.memref_squeeze %dma_wait3A_96 : memref<1x80x128xi32, #tpu.memory_space<hbm>> -> memref<80x128xi32, #tpu.memory_space<hbm>>
          %dma_wait3A_98 = arith.constant 0 : i32
          %dma_wait3A_99 = tpu.memref_slice %dma_wait3A_97[%mul3A_40, %dma_wait3A_98] : memref<80x128xi32, #tpu.memory_space<hbm>> -> memref<40x128xi32, #tpu.memory_space<hbm>>
          tpu.wait_dma2 semaphore(%run_scoped3A_75 : memref<!tpu.dma_semaphore, #tpu.memory_space<semaphore_mem>>) src(%dma_wait3A_99 : memref<40x128xi32, #tpu.memory_space<hbm>>) dst(%arg8 : memref<40x128xi32, #tpu.memory_space<vmem>>)
          tpu.yield
        }) : () -> ()
        %mul3A_41 = arith.constant 40 : i32
        %mul3A_42 = arith.muli %add3A_38, %mul3A_41 : i32
        "tpu.region"() ({
          %run_scoped3A_75 = tpu.sem_alloc : memref<!tpu.dma_semaphore, #tpu.memory_space<semaphore_mem>>
          %dma_start3A_76 = arith.constant 0 : i32
          %dma_start3A_77 = arith.constant 0 : i32
          %dma_start3A_78 = tpu.memref_slice %arg5[%arg1, %dma_start3A_76, %dma_start3A_77] : memref<16x80x128xi32, #tpu.memory_space<hbm>> -> memref<1x80x128xi32, #tpu.memory_space<hbm>>
          %dma_start3A_79 = tpu.memref_squeeze %dma_start3A_78 : memref<1x80x128xi32, #tpu.memory_space<hbm>> -> memref<80x128xi32, #tpu.memory_space<hbm>>
          %dma_start3A_80 = arith.constant 0 : i32
          %dma_start3A_81 = tpu.memref_slice %dma_start3A_79[%mul3A_42, %dma_start3A_80] : memref<80x128xi32, #tpu.memory_space<hbm>> -> memref<40x128xi32, #tpu.memory_space<hbm>>
          %dma_start3A_82 = arith.constant 0 : i32
          %dma_start3A_83 = arith.constant 0 : i32
          %dma_start3A_84 = tpu.memref_slice %arg5[%arg1, %dma_start3A_82, %dma_start3A_83] : memref<16x80x128xi32, #tpu.memory_space<hbm>> -> memref<1x80x128xi32, #tpu.memory_space<hbm>>
          %dma_start3A_85 = tpu.memref_squeeze %dma_start3A_84 : memref<1x80x128xi32, #tpu.memory_space<hbm>> -> memref<80x128xi32, #tpu.memory_space<hbm>>
          %dma_start3A_86 = arith.constant 0 : i32
          %dma_start3A_87 = tpu.memref_slice %dma_start3A_85[%mul3A_42, %dma_start3A_86] : memref<80x128xi32, #tpu.memory_space<hbm>> -> memref<40x128xi32, #tpu.memory_space<hbm>>
          tpu.enqueue_dma source(%dma_start3A_87 : memref<40x128xi32, #tpu.memory_space<hbm>>) target(%arg9 : memref<40x128xi32, #tpu.memory_space<vmem>>) target_semaphore(%run_scoped3A_75 : memref<!tpu.dma_semaphore, #tpu.memory_space<semaphore_mem>>)
          %dma_wait3A_88 = arith.constant 0 : i32
          %dma_wait3A_89 = arith.constant 0 : i32
          %dma_wait3A_90 = tpu.memref_slice %arg5[%arg1, %dma_wait3A_88, %dma_wait3A_89] : memref<16x80x128xi32, #tpu.memory_space<hbm>> -> memref<1x80x128xi32, #tpu.memory_space<hbm>>
          %dma_wait3A_91 = tpu.memref_squeeze %dma_wait3A_90 : memref<1x80x128xi32, #tpu.memory_space<hbm>> -> memref<80x128xi32, #tpu.memory_space<hbm>>
          %dma_wait3A_92 = arith.constant 0 : i32
          %dma_wait3A_93 = tpu.memref_slice %dma_wait3A_91[%mul3A_42, %dma_wait3A_92] : memref<80x128xi32, #tpu.memory_space<hbm>> -> memref<40x128xi32, #tpu.memory_space<hbm>>
          %dma_wait3A_94 = arith.constant 0 : i32
          %dma_wait3A_95 = arith.constant 0 : i32
          %dma_wait3A_96 = tpu.memref_slice %arg5[%arg1, %dma_wait3A_94, %dma_wait3A_95] : memref<16x80x128xi32, #tpu.memory_space<hbm>> -> memref<1x80x128xi32, #tpu.memory_space<hbm>>
          %dma_wait3A_97 = tpu.memref_squeeze %dma_wait3A_96 : memref<1x80x128xi32, #tpu.memory_space<hbm>> -> memref<80x128xi32, #tpu.memory_space<hbm>>
          %dma_wait3A_98 = arith.constant 0 : i32
          %dma_wait3A_99 = tpu.memref_slice %dma_wait3A_97[%mul3A_42, %dma_wait3A_98] : memref<80x128xi32, #tpu.memory_space<hbm>> -> memref<40x128xi32, #tpu.memory_space<hbm>>
          tpu.wait_dma2 semaphore(%run_scoped3A_75 : memref<!tpu.dma_semaphore, #tpu.memory_space<semaphore_mem>>) src(%dma_wait3A_99 : memref<40x128xi32, #tpu.memory_space<hbm>>) dst(%arg9 : memref<40x128xi32, #tpu.memory_space<vmem>>)
          tpu.yield
        }) : () -> ()
        %dma_start3A = arith.constant 0 : i32
        %dma_start3A_43 = arith.constant 0 : i32
        %dma_start3A_44 = tpu.memref_slice %arg8[%dma_start3A, %dma_start3A_43] : memref<40x128xi32, #tpu.memory_space<vmem>> -> memref<1x128xi32, #tpu.memory_space<vmem>>
        %dma_start3A_45 = tpu.memref_squeeze %dma_start3A_44 : memref<1x128xi32, #tpu.memory_space<vmem>> -> memref<128xi32, #tpu.memory_space<vmem>>
        %dma_start3A_46 = arith.constant 0 : i32
        %dma_start3A_47 = arith.constant 0 : i32
        %dma_start3A_48 = tpu.memref_slice %arg3[%dma_start3A_46, %dma_start3A_47] : memref<10000x128xf32, #tpu.memory_space<hbm>> -> memref<10000x128xf32, #tpu.memory_space<hbm>>
        tpu.enqueue_indirect_dma source(%dma_start3A_48 : memref<10000x128xf32, #tpu.memory_space<hbm>>) target(%arg10 : memref<128x128xf32, #tpu.memory_space<vmem>>) offsets(%dma_start3A_45 : memref<128xi32, #tpu.memory_space<vmem>>) semaphore(%arg13 : memref<!tpu.dma_semaphore, #tpu.memory_space<semaphore_mem>>)
        %dma_start3A_49 = arith.constant 1 : i32
        %dma_start3A_50 = arith.constant 0 : i32
        %dma_start3A_51 = tpu.memref_slice %arg8[%dma_start3A_49, %dma_start3A_50] : memref<40x128xi32, #tpu.memory_space<vmem>> -> memref<1x128xi32, #tpu.memory_space<vmem>>
        %dma_start3A_52 = tpu.memref_squeeze %dma_start3A_51 : memref<1x128xi32, #tpu.memory_space<vmem>> -> memref<128xi32, #tpu.memory_space<vmem>>
        %dma_start3A_53 = arith.constant 0 : i32
        %dma_start3A_54 = arith.constant 0 : i32
        %dma_start3A_55 = tpu.memref_slice %arg3[%dma_start3A_53, %dma_start3A_54] : memref<10000x128xf32, #tpu.memory_space<hbm>> -> memref<10000x128xf32, #tpu.memory_space<hbm>>
        tpu.enqueue_indirect_dma source(%dma_start3A_55 : memref<10000x128xf32, #tpu.memory_space<hbm>>) target(%arg11 : memref<128x128xf32, #tpu.memory_space<vmem>>) offsets(%dma_start3A_52 : memref<128xi32, #tpu.memory_space<vmem>>) semaphore(%arg14 : memref<!tpu.dma_semaphore, #tpu.memory_space<semaphore_mem>>)
        %scan3A_56 = arith.constant 0 : i32
        %scan3A_57 = arith.constant 19 : i32
        %scan3A_58 = arith.addi %scan3A_56, %scan3A_57 : i32
        %scan3A_59 = arith.constant 1 : i32
        scf.for %scan3A_75 = %scan3A_56 to %scan3A_58 step %scan3A_59  : i32 {
          %mul3A_76 = arith.constant 1 : i32
          %mul3A_77 = arith.muli %scan3A_75, %mul3A_76 : i32
          %add3A_78 = arith.constant 0 : i32
          %add3A_79 = arith.addi %add3A_78, %mul3A_77 : i32
          %mul3A_80 = arith.constant 2 : i32
          %mul3A_81 = arith.muli %add3A_79, %mul3A_80 : i32
          %dma_wait3A_82 = arith.constant 0 : i32
          %dma_wait3A_83 = tpu.memref_slice %arg8[%mul3A_81, %dma_wait3A_82] : memref<40x128xi32, #tpu.memory_space<vmem>> -> memref<1x128xi32, #tpu.memory_space<vmem>>
          %dma_wait3A_84 = tpu.memref_squeeze %dma_wait3A_83 : memref<1x128xi32, #tpu.memory_space<vmem>> -> memref<128xi32, #tpu.memory_space<vmem>>
          %dma_wait3A_85 = arith.constant 0 : i32
          %dma_wait3A_86 = arith.constant 0 : i32
          %dma_wait3A_87 = tpu.memref_slice %arg3[%dma_wait3A_85, %dma_wait3A_86] : memref<10000x128xf32, #tpu.memory_space<hbm>> -> memref<10000x128xf32, #tpu.memory_space<hbm>>
          tpu.wait_indirect_dma semaphore(%arg13 : memref<!tpu.dma_semaphore, #tpu.memory_space<semaphore_mem>>) src(%dma_wait3A_87 : memref<10000x128xf32, #tpu.memory_space<hbm>>) dst(%arg10 : memref<128x128xf32, #tpu.memory_space<vmem>>)
          %dma_start3A_88 = arith.constant 0 : i32
          %dma_start3A_89 = tpu.memref_slice %arg9[%mul3A_81, %dma_start3A_88] : memref<40x128xi32, #tpu.memory_space<vmem>> -> memref<1x128xi32, #tpu.memory_space<vmem>>
          %dma_start3A_90 = tpu.memref_squeeze %dma_start3A_89 : memref<1x128xi32, #tpu.memory_space<vmem>> -> memref<128xi32, #tpu.memory_space<vmem>>
          %dma_start3A_91 = arith.constant 0 : i32
          %dma_start3A_92 = arith.constant 0 : i32
          %dma_start3A_93 = tpu.memref_slice %arg12[%dma_start3A_91, %dma_start3A_92] : memref<10112x128xf32, #tpu.memory_space<vmem_shared>> -> memref<10112x128xf32, #tpu.memory_space<vmem_shared>>
          tpu.enqueue_indirect_dma source(%arg10 : memref<128x128xf32, #tpu.memory_space<vmem>>) target(%dma_start3A_93 : memref<10112x128xf32, #tpu.memory_space<vmem_shared>>) offsets(%dma_start3A_90 : memref<128xi32, #tpu.memory_space<vmem>>) semaphore(%arg15 : memref<!tpu.dma_semaphore, #tpu.memory_space<semaphore_mem>>) {add = true}
          %add3A_94 = arith.constant 1 : i32
          %add3A_95 = arith.addi %mul3A_81, %add3A_94 : i32
          %dma_wait3A_96 = arith.constant 0 : i32
          %dma_wait3A_97 = tpu.memref_slice %arg8[%add3A_95, %dma_wait3A_96] : memref<40x128xi32, #tpu.memory_space<vmem>> -> memref<1x128xi32, #tpu.memory_space<vmem>>
          %dma_wait3A_98 = tpu.memref_squeeze %dma_wait3A_97 : memref<1x128xi32, #tpu.memory_space<vmem>> -> memref<128xi32, #tpu.memory_space<vmem>>
          %dma_wait3A_99 = arith.constant 0 : i32
          %dma_wait3A_100 = arith.constant 0 : i32
          %dma_wait3A_101 = tpu.memref_slice %arg3[%dma_wait3A_99, %dma_wait3A_100] : memref<10000x128xf32, #tpu.memory_space<hbm>> -> memref<10000x128xf32, #tpu.memory_space<hbm>>
          tpu.wait_indirect_dma semaphore(%arg14 : memref<!tpu.dma_semaphore, #tpu.memory_space<semaphore_mem>>) src(%dma_wait3A_101 : memref<10000x128xf32, #tpu.memory_space<hbm>>) dst(%arg11 : memref<128x128xf32, #tpu.memory_space<vmem>>)
          %add3A_102 = arith.constant 1 : i32
          %add3A_103 = arith.addi %mul3A_81, %add3A_102 : i32
          %dma_start3A_104 = arith.constant 0 : i32
          %dma_start3A_105 = tpu.memref_slice %arg9[%add3A_103, %dma_start3A_104] : memref<40x128xi32, #tpu.memory_space<vmem>> -> memref<1x128xi32, #tpu.memory_space<vmem>>
          %dma_start3A_106 = tpu.memref_squeeze %dma_start3A_105 : memref<1x128xi32, #tpu.memory_space<vmem>> -> memref<128xi32, #tpu.memory_space<vmem>>
          %dma_start3A_107 = arith.constant 0 : i32
          %dma_start3A_108 = arith.constant 0 : i32
          %dma_start3A_109 = tpu.memref_slice %arg12[%dma_start3A_107, %dma_start3A_108] : memref<10112x128xf32, #tpu.memory_space<vmem_shared>> -> memref<10112x128xf32, #tpu.memory_space<vmem_shared>>
          tpu.enqueue_indirect_dma source(%arg11 : memref<128x128xf32, #tpu.memory_space<vmem>>) target(%dma_start3A_109 : memref<10112x128xf32, #tpu.memory_space<vmem_shared>>) offsets(%dma_start3A_106 : memref<128xi32, #tpu.memory_space<vmem>>) semaphore(%arg16 : memref<!tpu.dma_semaphore, #tpu.memory_space<semaphore_mem>>) {add = true}
          %dma_wait3A_110 = arith.constant 0 : i32
          %dma_wait3A_111 = tpu.memref_slice %arg9[%mul3A_81, %dma_wait3A_110] : memref<40x128xi32, #tpu.memory_space<vmem>> -> memref<1x128xi32, #tpu.memory_space<vmem>>
          %dma_wait3A_112 = tpu.memref_squeeze %dma_wait3A_111 : memref<1x128xi32, #tpu.memory_space<vmem>> -> memref<128xi32, #tpu.memory_space<vmem>>
          %dma_wait3A_113 = arith.constant 0 : i32
          %dma_wait3A_114 = arith.constant 0 : i32
          %dma_wait3A_115 = tpu.memref_slice %arg12[%dma_wait3A_113, %dma_wait3A_114] : memref<10112x128xf32, #tpu.memory_space<vmem_shared>> -> memref<10112x128xf32, #tpu.memory_space<vmem_shared>>
          tpu.wait_indirect_dma semaphore(%arg15 : memref<!tpu.dma_semaphore, #tpu.memory_space<semaphore_mem>>) src(%arg10 : memref<128x128xf32, #tpu.memory_space<vmem>>) dst(%dma_wait3A_115 : memref<10112x128xf32, #tpu.memory_space<vmem_shared>>)
          %add3A_116 = arith.constant 2 : i32
          %add3A_117 = arith.addi %mul3A_81, %add3A_116 : i32
          %dma_start3A_118 = arith.constant 0 : i32
          %dma_start3A_119 = tpu.memref_slice %arg8[%add3A_117, %dma_start3A_118] : memref<40x128xi32, #tpu.memory_space<vmem>> -> memref<1x128xi32, #tpu.memory_space<vmem>>
          %dma_start3A_120 = tpu.memref_squeeze %dma_start3A_119 : memref<1x128xi32, #tpu.memory_space<vmem>> -> memref<128xi32, #tpu.memory_space<vmem>>
          %dma_start3A_121 = arith.constant 0 : i32
          %dma_start3A_122 = arith.constant 0 : i32
          %dma_start3A_123 = tpu.memref_slice %arg3[%dma_start3A_121, %dma_start3A_122] : memref<10000x128xf32, #tpu.memory_space<hbm>> -> memref<10000x128xf32, #tpu.memory_space<hbm>>
          tpu.enqueue_indirect_dma source(%dma_start3A_123 : memref<10000x128xf32, #tpu.memory_space<hbm>>) target(%arg10 : memref<128x128xf32, #tpu.memory_space<vmem>>) offsets(%dma_start3A_120 : memref<128xi32, #tpu.memory_space<vmem>>) semaphore(%arg13 : memref<!tpu.dma_semaphore, #tpu.memory_space<semaphore_mem>>)
          %dma_wait3A_124 = arith.constant 0 : i32
          %dma_wait3A_125 = tpu.memref_slice %arg9[%add3A_103, %dma_wait3A_124] : memref<40x128xi32, #tpu.memory_space<vmem>> -> memref<1x128xi32, #tpu.memory_space<vmem>>
          %dma_wait3A_126 = tpu.memref_squeeze %dma_wait3A_125 : memref<1x128xi32, #tpu.memory_space<vmem>> -> memref<128xi32, #tpu.memory_space<vmem>>
          %dma_wait3A_127 = arith.constant 0 : i32
          %dma_wait3A_128 = arith.constant 0 : i32
          %dma_wait3A_129 = tpu.memref_slice %arg12[%dma_wait3A_127, %dma_wait3A_128] : memref<10112x128xf32, #tpu.memory_space<vmem_shared>> -> memref<10112x128xf32, #tpu.memory_space<vmem_shared>>
          tpu.wait_indirect_dma semaphore(%arg16 : memref<!tpu.dma_semaphore, #tpu.memory_space<semaphore_mem>>) src(%arg11 : memref<128x128xf32, #tpu.memory_space<vmem>>) dst(%dma_wait3A_129 : memref<10112x128xf32, #tpu.memory_space<vmem_shared>>)
          %add3A_130 = arith.constant 3 : i32
          %add3A_131 = arith.addi %mul3A_81, %add3A_130 : i32
          %dma_start3A_132 = arith.constant 0 : i32
          %dma_start3A_133 = tpu.memref_slice %arg8[%add3A_131, %dma_start3A_132] : memref<40x128xi32, #tpu.memory_space<vmem>> -> memref<1x128xi32, #tpu.memory_space<vmem>>
          %dma_start3A_134 = tpu.memref_squeeze %dma_start3A_133 : memref<1x128xi32, #tpu.memory_space<vmem>> -> memref<128xi32, #tpu.memory_space<vmem>>
          %dma_start3A_135 = arith.constant 0 : i32
          %dma_start3A_136 = arith.constant 0 : i32
          %dma_start3A_137 = tpu.memref_slice %arg3[%dma_start3A_135, %dma_start3A_136] : memref<10000x128xf32, #tpu.memory_space<hbm>> -> memref<10000x128xf32, #tpu.memory_space<hbm>>
          tpu.enqueue_indirect_dma source(%dma_start3A_137 : memref<10000x128xf32, #tpu.memory_space<hbm>>) target(%arg11 : memref<128x128xf32, #tpu.memory_space<vmem>>) offsets(%dma_start3A_134 : memref<128xi32, #tpu.memory_space<vmem>>) semaphore(%arg14 : memref<!tpu.dma_semaphore, #tpu.memory_space<semaphore_mem>>)
        }
        %scan3A_60 = arith.constant 19 : i32
        %dma_wait3A = arith.constant 38 : i32
        %dma_wait3A_61 = arith.constant 0 : i32
        %dma_wait3A_62 = tpu.memref_slice %arg8[%dma_wait3A, %dma_wait3A_61] : memref<40x128xi32, #tpu.memory_space<vmem>> -> memref<1x128xi32, #tpu.memory_space<vmem>>
        %dma_wait3A_63 = tpu.memref_squeeze %dma_wait3A_62 : memref<1x128xi32, #tpu.memory_space<vmem>> -> memref<128xi32, #tpu.memory_space<vmem>>
        %dma_wait3A_64 = arith.constant 0 : i32
        %dma_wait3A_65 = arith.constant 0 : i32
        %dma_wait3A_66 = tpu.memref_slice %arg3[%dma_wait3A_64, %dma_wait3A_65] : memref<10000x128xf32, #tpu.memory_space<hbm>> -> memref<10000x128xf32, #tpu.memory_space<hbm>>
        tpu.wait_indirect_dma semaphore(%arg13 : memref<!tpu.dma_semaphore, #tpu.memory_space<semaphore_mem>>) src(%dma_wait3A_66 : memref<10000x128xf32, #tpu.memory_space<hbm>>) dst(%arg10 : memref<128x128xf32, #tpu.memory_space<vmem>>)
        %run_scoped3A = arith.constant 38 : i32
        "tpu.region"() ({
          %run_scoped3A_75 = tpu.sem_alloc : memref<!tpu.dma_semaphore, #tpu.memory_space<semaphore_mem>>
          %dma_start3A_76 = arith.constant 0 : i32
          %dma_start3A_77 = tpu.memref_slice %arg9[%run_scoped3A, %dma_start3A_76] : memref<40x128xi32, #tpu.memory_space<vmem>> -> memref<1x128xi32, #tpu.memory_space<vmem>>
          %dma_start3A_78 = tpu.memref_squeeze %dma_start3A_77 : memref<1x128xi32, #tpu.memory_space<vmem>> -> memref<128xi32, #tpu.memory_space<vmem>>
          %dma_start3A_79 = arith.constant 0 : i32
          %dma_start3A_80 = arith.constant 0 : i32
          %dma_start3A_81 = tpu.memref_slice %arg12[%dma_start3A_79, %dma_start3A_80] : memref<10112x128xf32, #tpu.memory_space<vmem_shared>> -> memref<10112x128xf32, #tpu.memory_space<vmem_shared>>
          tpu.enqueue_indirect_dma source(%arg10 : memref<128x128xf32, #tpu.memory_space<vmem>>) target(%dma_start3A_81 : memref<10112x128xf32, #tpu.memory_space<vmem_shared>>) offsets(%dma_start3A_78 : memref<128xi32, #tpu.memory_space<vmem>>) semaphore(%run_scoped3A_75 : memref<!tpu.dma_semaphore, #tpu.memory_space<semaphore_mem>>) {add = true}
          %dma_wait3A_82 = arith.constant 0 : i32
          %dma_wait3A_83 = tpu.memref_slice %arg9[%run_scoped3A, %dma_wait3A_82] : memref<40x128xi32, #tpu.memory_space<vmem>> -> memref<1x128xi32, #tpu.memory_space<vmem>>
          %dma_wait3A_84 = tpu.memref_squeeze %dma_wait3A_83 : memref<1x128xi32, #tpu.memory_space<vmem>> -> memref<128xi32, #tpu.memory_space<vmem>>
          %dma_wait3A_85 = arith.constant 0 : i32
          %dma_wait3A_86 = arith.constant 0 : i32
          %dma_wait3A_87 = tpu.memref_slice %arg12[%dma_wait3A_85, %dma_wait3A_86] : memref<10112x128xf32, #tpu.memory_space<vmem_shared>> -> memref<10112x128xf32, #tpu.memory_space<vmem_shared>>
          tpu.wait_indirect_dma semaphore(%run_scoped3A_75 : memref<!tpu.dma_semaphore, #tpu.memory_space<semaphore_mem>>) src(%arg10 : memref<128x128xf32, #tpu.memory_space<vmem>>) dst(%dma_wait3A_87 : memref<10112x128xf32, #tpu.memory_space<vmem_shared>>)
          tpu.yield
        }) : () -> ()
        %dma_wait3A_67 = arith.constant 39 : i32
        %dma_wait3A_68 = arith.constant 0 : i32
        %dma_wait3A_69 = tpu.memref_slice %arg8[%dma_wait3A_67, %dma_wait3A_68] : memref<40x128xi32, #tpu.memory_space<vmem>> -> memref<1x128xi32, #tpu.memory_space<vmem>>
        %dma_wait3A_70 = tpu.memref_squeeze %dma_wait3A_69 : memref<1x128xi32, #tpu.memory_space<vmem>> -> memref<128xi32, #tpu.memory_space<vmem>>
        %dma_wait3A_71 = arith.constant 0 : i32
        %dma_wait3A_72 = arith.constant 0 : i32
        %dma_wait3A_73 = tpu.memref_slice %arg3[%dma_wait3A_71, %dma_wait3A_72] : memref<10000x128xf32, #tpu.memory_space<hbm>> -> memref<10000x128xf32, #tpu.memory_space<hbm>>
        tpu.wait_indirect_dma semaphore(%arg14 : memref<!tpu.dma_semaphore, #tpu.memory_space<semaphore_mem>>) src(%dma_wait3A_73 : memref<10000x128xf32, #tpu.memory_space<hbm>>) dst(%arg11 : memref<128x128xf32, #tpu.memory_space<vmem>>)
        %run_scoped3A_74 = arith.constant 39 : i32
        "tpu.region"() ({
          %run_scoped3A_75 = tpu.sem_alloc : memref<!tpu.dma_semaphore, #tpu.memory_space<semaphore_mem>>
          %dma_start3A_76 = arith.constant 0 : i32
          %dma_start3A_77 = tpu.memref_slice %arg9[%run_scoped3A_74, %dma_start3A_76] : memref<40x128xi32, #tpu.memory_space<vmem>> -> memref<1x128xi32, #tpu.memory_space<vmem>>
          %dma_start3A_78 = tpu.memref_squeeze %dma_start3A_77 : memref<1x128xi32, #tpu.memory_space<vmem>> -> memref<128xi32, #tpu.memory_space<vmem>>
          %dma_start3A_79 = arith.constant 0 : i32
          %dma_start3A_80 = arith.constant 0 : i32
          %dma_start3A_81 = tpu.memref_slice %arg12[%dma_start3A_79, %dma_start3A_80] : memref<10112x128xf32, #tpu.memory_space<vmem_shared>> -> memref<10112x128xf32, #tpu.memory_space<vmem_shared>>
          tpu.enqueue_indirect_dma source(%arg11 : memref<128x128xf32, #tpu.memory_space<vmem>>) target(%dma_start3A_81 : memref<10112x128xf32, #tpu.memory_space<vmem_shared>>) offsets(%dma_start3A_78 : memref<128xi32, #tpu.memory_space<vmem>>) semaphore(%run_scoped3A_75 : memref<!tpu.dma_semaphore, #tpu.memory_space<semaphore_mem>>) {add = true}
          %dma_wait3A_82 = arith.constant 0 : i32
          %dma_wait3A_83 = tpu.memref_slice %arg9[%run_scoped3A_74, %dma_wait3A_82] : memref<40x128xi32, #tpu.memory_space<vmem>> -> memref<1x128xi32, #tpu.memory_space<vmem>>
          %dma_wait3A_84 = tpu.memref_squeeze %dma_wait3A_83 : memref<1x128xi32, #tpu.memory_space<vmem>> -> memref<128xi32, #tpu.memory_space<vmem>>
          %dma_wait3A_85 = arith.constant 0 : i32
          %dma_wait3A_86 = arith.constant 0 : i32
          %dma_wait3A_87 = tpu.memref_slice %arg12[%dma_wait3A_85, %dma_wait3A_86] : memref<10112x128xf32, #tpu.memory_space<vmem_shared>> -> memref<10112x128xf32, #tpu.memory_space<vmem_shared>>
          tpu.wait_indirect_dma semaphore(%run_scoped3A_75 : memref<!tpu.dma_semaphore, #tpu.memory_space<semaphore_mem>>) src(%arg11 : memref<128x128xf32, #tpu.memory_space<vmem>>) dst(%dma_wait3A_87 : memref<10112x128xf32, #tpu.memory_space<vmem_shared>>)
          tpu.yield
        }) : () -> ()
      }
      %scan3A_33 = arith.constant 2 : i32
    } else {
    }
    %barrier3A_18 = arith.constant 0 : index
    tpu.barrier barrier_id(%barrier3A_18)
    %eq3A_19 = arith.constant 0 : i32
    %eq3A_20 = arith.cmpi eq, %arg0, %eq3A_19 : i32
    %convert_element_type3A_21 = arith.extui %eq3A_20 : i1 to i32
    %cond3A_22 = arith.constant 0 : i32
    %cond3A_23 = arith.cmpi ne, %convert_element_type3A_21, %cond3A_22 : i32
    scf.if %cond3A_23 {
      "tpu.region"() ({
        %run_scoped3A = tpu.sem_alloc : memref<!tpu.dma_semaphore, #tpu.memory_space<semaphore_mem>>
        %dma_start3A = arith.constant 0 : i32
        %dma_start3A_29 = tpu.memref_slice %arg6[%mul3A_0, %dma_start3A] : memref<10112x128xf32, #tpu.memory_space<hbm>> -> memref<632x128xf32, #tpu.memory_space<hbm>>
        %dma_start3A_30 = arith.constant 0 : i32
        %dma_start3A_31 = tpu.memref_slice %arg12[%mul3A_0, %dma_start3A_30] : memref<10112x128xf32, #tpu.memory_space<vmem_shared>> -> memref<632x128xf32, #tpu.memory_space<vmem_shared>>
        tpu.enqueue_dma source(%dma_start3A_31 : memref<632x128xf32, #tpu.memory_space<vmem_shared>>) target(%dma_start3A_29 : memref<632x128xf32, #tpu.memory_space<hbm>>) target_semaphore(%run_scoped3A : memref<!tpu.dma_semaphore, #tpu.memory_space<semaphore_mem>>)
        %dma_wait3A = arith.constant 0 : i32
        %dma_wait3A_32 = tpu.memref_slice %arg6[%mul3A_0, %dma_wait3A] : memref<10112x128xf32, #tpu.memory_space<hbm>> -> memref<632x128xf32, #tpu.memory_space<hbm>>
        %dma_wait3A_33 = arith.constant 0 : i32
        %dma_wait3A_34 = tpu.memref_slice %arg12[%mul3A_0, %dma_wait3A_33] : memref<10112x128xf32, #tpu.memory_space<vmem_shared>> -> memref<632x128xf32, #tpu.memory_space<vmem_shared>>
        tpu.wait_dma2 semaphore(%run_scoped3A : memref<!tpu.dma_semaphore, #tpu.memory_space<semaphore_mem>>) src(%dma_wait3A_34 : memref<632x128xf32, #tpu.memory_space<vmem_shared>>) dst(%dma_wait3A_32 : memref<632x128xf32, #tpu.memory_space<hbm>>)
        tpu.yield
      }) : () -> ()
    } else {
    }
    %eq3A_24 = arith.constant 1 : i32
    %eq3A_25 = arith.cmpi eq, %arg0, %eq3A_24 : i32
    %convert_element_type3A_26 = arith.extui %eq3A_25 : i1 to i32
    %cond3A_27 = arith.constant 0 : i32
    %cond3A_28 = arith.cmpi ne, %convert_element_type3A_26, %cond3A_27 : i32
    scf.if %cond3A_28 {
      "tpu.region"() ({
        %run_scoped3A = tpu.sem_alloc : memref<!tpu.dma_semaphore, #tpu.memory_space<semaphore_mem>>
        %dma_start3A = arith.constant 0 : i32
        %dma_start3A_29 = tpu.memref_slice %arg7[%mul3A_0, %dma_start3A] : memref<10112x128xf32, #tpu.memory_space<hbm>> -> memref<632x128xf32, #tpu.memory_space<hbm>>
        %dma_start3A_30 = arith.constant 0 : i32
        %dma_start3A_31 = tpu.memref_slice %arg12[%mul3A_0, %dma_start3A_30] : memref<10112x128xf32, #tpu.memory_space<vmem_shared>> -> memref<632x128xf32, #tpu.memory_space<vmem_shared>>
        tpu.enqueue_dma source(%dma_start3A_31 : memref<632x128xf32, #tpu.memory_space<vmem_shared>>) target(%dma_start3A_29 : memref<632x128xf32, #tpu.memory_space<hbm>>) target_semaphore(%run_scoped3A : memref<!tpu.dma_semaphore, #tpu.memory_space<semaphore_mem>>)
        %dma_wait3A = arith.constant 0 : i32
        %dma_wait3A_32 = tpu.memref_slice %arg7[%mul3A_0, %dma_wait3A] : memref<10112x128xf32, #tpu.memory_space<hbm>> -> memref<632x128xf32, #tpu.memory_space<hbm>>
        %dma_wait3A_33 = arith.constant 0 : i32
        %dma_wait3A_34 = tpu.memref_slice %arg12[%mul3A_0, %dma_wait3A_33] : memref<10112x128xf32, #tpu.memory_space<vmem_shared>> -> memref<632x128xf32, #tpu.memory_space<vmem_shared>>
        tpu.wait_dma2 semaphore(%run_scoped3A : memref<!tpu.dma_semaphore, #tpu.memory_space<semaphore_mem>>) src(%dma_wait3A_34 : memref<632x128xf32, #tpu.memory_space<vmem_shared>>) dst(%dma_wait3A_32 : memref<632x128xf32, #tpu.memory_space<hbm>>)
        tpu.yield
      }) : () -> ()
    } else {
    }
    return
  }
}

module attributes {stable_mosaic.version = 14 : i64} {
  func.func @_deg_body(%arg0: memref<32x10112xf32, #tpu.memory_space<vmem>>, %arg1: memref<1x10112xf32, #tpu.memory_space<vmem>>) attributes {dimension_semantics = [], scalar_prefetch = 0 : i64, scratch_operands = 0 : i64, tpu.core_type = #tpu.core_type<tc>} {
    %get3A = arith.constant 0 : index
    %get3A_0 = arith.constant 0 : index
    %get3A_1 = vector.load %arg0[%get3A, %get3A_0] : memref<32x10112xf32, #tpu.memory_space<vmem>>, vector<32x10112xf32>
    %reduce_sum3A = arith.constant dense<0.000000e+00> : vector<10112xf32>
    %reduce_sum3A_2 = vector.multi_reduction <add>, %get3A_1, %reduce_sum3A [0] : vector<32x10112xf32> to vector<10112xf32>
    %broadcast_in_dim3A = vector.shape_cast %reduce_sum3A_2 : vector<10112xf32> to vector<1x10112xf32>
    %add3A = arith.constant 1.000000e+00 : f32
    %add3A_3 = vector.broadcast %add3A : f32 to vector<1x10112xf32>
    %add3A_4 = arith.addf %broadcast_in_dim3A, %add3A_3 : vector<1x10112xf32>
    %rsqrt3A = math.rsqrt %add3A_4 : vector<1x10112xf32>
    %swap3A = arith.constant 0 : index
    %swap3A_5 = arith.constant 0 : index
    %swap3A_6 = vector.load %arg1[%swap3A, %swap3A_5] : memref<1x10112xf32, #tpu.memory_space<vmem>>, vector<1x10112xf32>
    tpu.vector_store %arg1[%swap3A, %swap3A_5], %rsqrt3A {strides = array<i32>} : memref<1x10112xf32, #tpu.memory_space<vmem>>, vector<1x10112xf32>,
    return
  }
}

module attributes {stable_mosaic.version = 14 : i64} {
  func.func @_m1_body(%arg0: i32, %arg1: memref<1000x256xf32, #tpu.memory_space<vmem>>, %arg2: memref<256x256xf32, #tpu.memory_space<vmem>>, %arg3: memref<1000x1xf32, #tpu.memory_space<vmem>>, %arg4: memref<1000x128xf32, #tpu.memory_space<vmem>>, %arg5: memref<1000x128xf32, #tpu.memory_space<vmem>>) attributes {dimension_semantics = [#tpu.dimension_semantics<arbitrary>], iteration_bounds = array<i64: 10>, scalar_prefetch = 0 : i64, scratch_operands = 0 : i64, tpu.core_type = #tpu.core_type<tc>, window_params = [{transform_indices = @transform_0, window_bounds = array<i64: 1000, 256>}, {pipeline_mode = #tpu.pipeline_mode<synchronous>, transform_indices = @transform_1, window_bounds = array<i64: 256, 256>}, {transform_indices = @transform_2, window_bounds = array<i64: 1000, 1>}, {transform_indices = @transform_3, window_bounds = array<i64: 1000, 128>}, {transform_indices = @transform_4, window_bounds = array<i64: 1000, 128>}]} {
    %get3A = arith.constant 0 : index
    %get3A_0 = arith.constant 0 : index
    %get3A_1 = vector.load %arg1[%get3A, %get3A_0] : memref<1000x256xf32, #tpu.memory_space<vmem>>, vector<1000x256xf32>
    %get3A_2 = arith.constant 0 : index
    %get3A_3 = arith.constant 0 : index
    %get3A_4 = vector.load %arg2[%get3A_2, %get3A_3] : memref<256x256xf32, #tpu.memory_space<vmem>>, vector<256x256xf32>
    %dot_general3A = arith.constant dense<0.000000e+00> : vector<1000x256xf32>
    %dot_general3A_5 = tpu.matmul %get3A_1, %get3A_4, %dot_general3A {dimension_numbers = #tpu.dot_dimension_numbers<[1], [0], [0], [1], [0, 0, 1, 1], [], []>, transpose_lhs_hint = false} : vector<1000x256xf32>, vector<256x256xf32>, vector<1000x256xf32> -> vector<1000x256xf32>
    %get3A_6 = arith.constant 0 : index
    %get3A_7 = arith.constant 0 : index
    %get3A_8 = vector.load %arg3[%get3A_6, %get3A_7] : memref<1000x1xf32, #tpu.memory_space<vmem>>, vector<1000x1xf32>
    %mul3A = vector.broadcast %get3A_8 : vector<1000x1xf32> to vector<1000x256xf32>
    %mul3A_9 = arith.mulf %dot_general3A_5, %mul3A : vector<1000x256xf32>
    %slice3A = vector.extract_strided_slice %mul3A_9 {offsets = [0, 0], sizes = [1000, 128], strides = [1, 1]} : vector<1000x256xf32> to vector<1000x128xf32>
    %swap3A = arith.constant 0 : index
    %swap3A_10 = arith.constant 0 : index
    %swap3A_11 = vector.load %arg4[%swap3A, %swap3A_10] : memref<1000x128xf32, #tpu.memory_space<vmem>>, vector<1000x128xf32>
    tpu.vector_store %arg4[%swap3A, %swap3A_10], %slice3A {strides = array<i32>} : memref<1000x128xf32, #tpu.memory_space<vmem>>, vector<1000x128xf32>,
    %slice3A_12 = vector.extract_strided_slice %mul3A_9 {offsets = [0, 128], sizes = [1000, 128], strides = [1, 1]} : vector<1000x256xf32> to vector<1000x128xf32>
    %swap3A_13 = arith.constant 0 : index
    %swap3A_14 = arith.constant 0 : index
    %swap3A_15 = vector.load %arg5[%swap3A_13, %swap3A_14] : memref<1000x128xf32, #tpu.memory_space<vmem>>, vector<1000x128xf32>
    tpu.vector_store %arg5[%swap3A_13, %swap3A_14], %slice3A_12 {strides = array<i32>} : memref<1000x128xf32, #tpu.memory_space<vmem>>, vector<1000x128xf32>,
    return
  }
  func.func @transform_0(%arg0: i32) -> (i32, i32) {
    %c0_i32 = arith.constant 0 : i32
    %c0_i32_0 = arith.constant 0 : i32
    return %arg0, %c0_i32 : i32, i32
  }
  func.func @transform_1(%arg0: i32) -> (i32, i32) {
    %c0_i32 = arith.constant 0 : i32
    %c0_i32_0 = arith.constant 0 : i32
    %c0_i32_1 = arith.constant 0 : i32
    return %c0_i32, %c0_i32_0 : i32, i32
  }
  func.func @transform_2(%arg0: i32) -> (i32, i32) {
    %c0_i32 = arith.constant 0 : i32
    %c0_i32_0 = arith.constant 0 : i32
    return %arg0, %c0_i32 : i32, i32
  }
  func.func @transform_3(%arg0: i32) -> (i32, i32) {
    %c0_i32 = arith.constant 0 : i32
    %c0_i32_0 = arith.constant 0 : i32
    return %arg0, %c0_i32 : i32, i32
  }
  func.func @transform_4(%arg0: i32) -> (i32, i32) {
    %c0_i32 = arith.constant 0 : i32
    %c0_i32_0 = arith.constant 0 : i32
    return %arg0, %c0_i32 : i32, i32
  }
}

module attributes {stable_mosaic.version = 14 : i64} {
  func.func @_e1_body(%arg0: i32, %arg1: memref<1000x128xf32, #tpu.memory_space<vmem>>, %arg2: memref<1000x128xf32, #tpu.memory_space<vmem>>, %arg3: memref<1000x128xf32, #tpu.memory_space<vmem>>, %arg4: memref<1000x128xf32, #tpu.memory_space<vmem>>, %arg5: memref<1000x1xf32, #tpu.memory_space<vmem>>, %arg6: memref<1x256xf32, #tpu.memory_space<vmem>>, %arg7: memref<256x256xf32, #tpu.memory_space<vmem>>, %arg8: memref<1000x128xf32, #tpu.memory_space<vmem>>, %arg9: memref<1000x128xf32, #tpu.memory_space<vmem>>) attributes {dimension_semantics = [#tpu.dimension_semantics<arbitrary>], iteration_bounds = array<i64: 10>, scalar_prefetch = 0 : i64, scratch_operands = 0 : i64, tpu.core_type = #tpu.core_type<tc>, window_params = [{transform_indices = @transform_0, window_bounds = array<i64: 1000, 128>}, {transform_indices = @transform_1, window_bounds = array<i64: 1000, 128>}, {transform_indices = @transform_2, window_bounds = array<i64: 1000, 128>}, {transform_indices = @transform_3, window_bounds = array<i64: 1000, 128>}, {transform_indices = @transform_4, window_bounds = array<i64: 1000, 1>}, {pipeline_mode = #tpu.pipeline_mode<synchronous>, transform_indices = @transform_5, window_bounds = array<i64: 1, 256>}, {pipeline_mode = #tpu.pipeline_mode<synchronous>, transform_indices = @transform_6, window_bounds = array<i64: 256, 256>}, {transform_indices = @transform_7, window_bounds = array<i64: 1000, 128>}, {transform_indices = @transform_8, window_bounds = array<i64: 1000, 128>}]} {
    %get3A = arith.constant 0 : index
    %get3A_0 = arith.constant 0 : index
    %get3A_1 = vector.load %arg5[%get3A, %get3A_0] : memref<1000x1xf32, #tpu.memory_space<vmem>>, vector<1000x1xf32>
    %get3A_2 = arith.constant 0 : index
    %get3A_3 = arith.constant 0 : index
    %get3A_4 = vector.load %arg1[%get3A_2, %get3A_3] : memref<1000x128xf32, #tpu.memory_space<vmem>>, vector<1000x128xf32>
    %get3A_5 = arith.constant 0 : index
    %get3A_6 = arith.constant 0 : index
    %get3A_7 = vector.load %arg3[%get3A_5, %get3A_6] : memref<1000x128xf32, #tpu.memory_space<vmem>>, vector<1000x128xf32>
    %add3A = arith.addf %get3A_4, %get3A_7 : vector<1000x128xf32>
    %mul3A = vector.broadcast %get3A_1 : vector<1000x1xf32> to vector<1000x128xf32>
    %mul3A_8 = arith.mulf %add3A, %mul3A : vector<1000x128xf32>
    %get3A_9 = arith.constant 0 : index
    %get3A_10 = arith.constant 0 : index
    %get3A_11 = vector.load %arg2[%get3A_9, %get3A_10] : memref<1000x128xf32, #tpu.memory_space<vmem>>, vector<1000x128xf32>
    %get3A_12 = arith.constant 0 : index
    %get3A_13 = arith.constant 0 : index
    %get3A_14 = vector.load %arg4[%get3A_12, %get3A_13] : memref<1000x128xf32, #tpu.memory_space<vmem>>, vector<1000x128xf32>
    %add3A_15 = arith.addf %get3A_11, %get3A_14 : vector<1000x128xf32>
    %mul3A_16 = vector.broadcast %get3A_1 : vector<1000x1xf32> to vector<1000x128xf32>
    %mul3A_17 = arith.mulf %add3A_15, %mul3A_16 : vector<1000x128xf32>
    %concatenate3A = tpu.concatenate %mul3A_8, %mul3A_17 in 1 : vector<1000x128xf32>, vector<1000x128xf32> -> vector<1000x256xf32>
    %get3A_18 = arith.constant 0 : index
    %get3A_19 = arith.constant 0 : index
    %get3A_20 = vector.load %arg6[%get3A_18, %get3A_19] : memref<1x256xf32, #tpu.memory_space<vmem>>, vector<1x256xf32>
    %add3A_21 = vector.broadcast %get3A_20 : vector<1x256xf32> to vector<1000x256xf32>
    %add3A_22 = arith.addf %concatenate3A, %add3A_21 : vector<1000x256xf32>
    %max3A = arith.constant 0.000000e+00 : f32
    %max3A_23 = vector.broadcast %max3A : f32 to vector<1000x256xf32>
    %max3A_24 = arith.maximumf %add3A_22, %max3A_23 : vector<1000x256xf32>
    %get3A_25 = arith.constant 0 : index
    %get3A_26 = arith.constant 0 : index
    %get3A_27 = vector.load %arg7[%get3A_25, %get3A_26] : memref<256x256xf32, #tpu.memory_space<vmem>>, vector<256x256xf32>
    %dot_general3A = arith.constant dense<0.000000e+00> : vector<1000x256xf32>
    %dot_general3A_28 = tpu.matmul %max3A_24, %get3A_27, %dot_general3A {dimension_numbers = #tpu.dot_dimension_numbers<[1], [0], [0], [1], [0, 0, 1, 1], [], []>, transpose_lhs_hint = false} : vector<1000x256xf32>, vector<256x256xf32>, vector<1000x256xf32> -> vector<1000x256xf32>
    %mul3A_29 = vector.broadcast %get3A_1 : vector<1000x1xf32> to vector<1000x256xf32>
    %mul3A_30 = arith.mulf %dot_general3A_28, %mul3A_29 : vector<1000x256xf32>
    %slice3A = vector.extract_strided_slice %mul3A_30 {offsets = [0, 0], sizes = [1000, 128], strides = [1, 1]} : vector<1000x256xf32> to vector<1000x128xf32>
    %swap3A = arith.constant 0 : index
    %swap3A_31 = arith.constant 0 : index
    %swap3A_32 = vector.load %arg8[%swap3A, %swap3A_31] : memref<1000x128xf32, #tpu.memory_space<vmem>>, vector<1000x128xf32>
    tpu.vector_store %arg8[%swap3A, %swap3A_31], %slice3A {strides = array<i32>} : memref<1000x128xf32, #tpu.memory_space<vmem>>, vector<1000x128xf32>,
    %slice3A_33 = vector.extract_strided_slice %mul3A_30 {offsets = [0, 128], sizes = [1000, 128], strides = [1, 1]} : vector<1000x256xf32> to vector<1000x128xf32>
    %swap3A_34 = arith.constant 0 : index
    %swap3A_35 = arith.constant 0 : index
    %swap3A_36 = vector.load %arg9[%swap3A_34, %swap3A_35] : memref<1000x128xf32, #tpu.memory_space<vmem>>, vector<1000x128xf32>
    tpu.vector_store %arg9[%swap3A_34, %swap3A_35], %slice3A_33 {strides = array<i32>} : memref<1000x128xf32, #tpu.memory_space<vmem>>, vector<1000x128xf32>,
    return
  }
  func.func @transform_0(%arg0: i32) -> (i32, i32) {
    %c0_i32 = arith.constant 0 : i32
    %c0_i32_0 = arith.constant 0 : i32
    return %arg0, %c0_i32 : i32, i32
  }
  func.func @transform_1(%arg0: i32) -> (i32, i32) {
    %c0_i32 = arith.constant 0 : i32
    %c0_i32_0 = arith.constant 0 : i32
    return %arg0, %c0_i32 : i32, i32
  }
  func.func @transform_2(%arg0: i32) -> (i32, i32) {
    %c0_i32 = arith.constant 0 : i32
    %c0_i32_0 = arith.constant 0 : i32
    return %arg0, %c0_i32 : i32, i32
  }
  func.func @transform_3(%arg0: i32) -> (i32, i32) {
    %c0_i32 = arith.constant 0 : i32
    %c0_i32_0 = arith.constant 0 : i32
    return %arg0, %c0_i32 : i32, i32
  }
  func.func @transform_4(%arg0: i32) -> (i32, i32) {
    %c0_i32 = arith.constant 0 : i32
    %c0_i32_0 = arith.constant 0 : i32
    return %arg0, %c0_i32 : i32, i32
  }
  func.func @transform_5(%arg0: i32) -> (i32, i32) {
    %c0_i32 = arith.constant 0 : i32
    %c0_i32_0 = arith.constant 0 : i32
    %c0_i32_1 = arith.constant 0 : i32
    return %c0_i32, %c0_i32_0 : i32, i32
  }
  func.func @transform_6(%arg0: i32) -> (i32, i32) {
    %c0_i32 = arith.constant 0 : i32
    %c0_i32_0 = arith.constant 0 : i32
    %c0_i32_1 = arith.constant 0 : i32
    return %c0_i32, %c0_i32_0 : i32, i32
  }
  func.func @transform_7(%arg0: i32) -> (i32, i32) {
    %c0_i32 = arith.constant 0 : i32
    %c0_i32_0 = arith.constant 0 : i32
    return %arg0, %c0_i32 : i32, i32
  }
  func.func @transform_8(%arg0: i32) -> (i32, i32) {
    %c0_i32 = arith.constant 0 : i32
    %c0_i32_0 = arith.constant 0 : i32
    return %arg0, %c0_i32 : i32, i32
  }
}

module attributes {stable_mosaic.version = 14 : i64} {
  func.func @_e2_body(%arg0: i32, %arg1: memref<1000x128xf32, #tpu.memory_space<vmem>>, %arg2: memref<1000x128xf32, #tpu.memory_space<vmem>>, %arg3: memref<1000x128xf32, #tpu.memory_space<vmem>>, %arg4: memref<1000x128xf32, #tpu.memory_space<vmem>>, %arg5: memref<1000x1xf32, #tpu.memory_space<vmem>>, %arg6: memref<1x128xf32, #tpu.memory_space<vmem>>, %arg7: memref<1x128xf32, #tpu.memory_space<vmem>>, %arg8: memref<1000x128xf32, #tpu.memory_space<vmem>>, %arg9: memref<1000x128xf32, #tpu.memory_space<vmem>>, %arg10: memref<1000x128xf32, #tpu.memory_space<vmem>>, %arg11: memref<1000x128xbf16, #tpu.memory_space<vmem>>) attributes {dimension_semantics = [#tpu.dimension_semantics<arbitrary>], iteration_bounds = array<i64: 10>, scalar_prefetch = 0 : i64, scratch_operands = 0 : i64, tpu.core_type = #tpu.core_type<tc>, window_params = [{transform_indices = @transform_0, window_bounds = array<i64: 1000, 128>}, {transform_indices = @transform_1, window_bounds = array<i64: 1000, 128>}, {transform_indices = @transform_2, window_bounds = array<i64: 1000, 128>}, {transform_indices = @transform_3, window_bounds = array<i64: 1000, 128>}, {transform_indices = @transform_4, window_bounds = array<i64: 1000, 1>}, {pipeline_mode = #tpu.pipeline_mode<synchronous>, transform_indices = @transform_5, window_bounds = array<i64: 1, 128>}, {pipeline_mode = #tpu.pipeline_mode<synchronous>, transform_indices = @transform_6, window_bounds = array<i64: 1, 128>}, {transform_indices = @transform_7, window_bounds = array<i64: 1000, 128>}, {transform_indices = @transform_8, window_bounds = array<i64: 1000, 128>}, {transform_indices = @transform_9, window_bounds = array<i64: 1000, 128>}, {transform_indices = @transform_10, window_bounds = array<i64: 1000, 128>}]} {
    %get3A = arith.constant 0 : index
    %get3A_0 = arith.constant 0 : index
    %get3A_1 = vector.load %arg5[%get3A, %get3A_0] : memref<1000x1xf32, #tpu.memory_space<vmem>>, vector<1000x1xf32>
    %get3A_2 = arith.constant 0 : index
    %get3A_3 = arith.constant 0 : index
    %get3A_4 = vector.load %arg1[%get3A_2, %get3A_3] : memref<1000x128xf32, #tpu.memory_space<vmem>>, vector<1000x128xf32>
    %get3A_5 = arith.constant 0 : index
    %get3A_6 = arith.constant 0 : index
    %get3A_7 = vector.load %arg3[%get3A_5, %get3A_6] : memref<1000x128xf32, #tpu.memory_space<vmem>>, vector<1000x128xf32>
    %add3A = arith.addf %get3A_4, %get3A_7 : vector<1000x128xf32>
    %mul3A = vector.broadcast %get3A_1 : vector<1000x1xf32> to vector<1000x128xf32>
    %mul3A_8 = arith.mulf %add3A, %mul3A : vector<1000x128xf32>
    %get3A_9 = arith.constant 0 : index
    %get3A_10 = arith.constant 0 : index
    %get3A_11 = vector.load %arg6[%get3A_9, %get3A_10] : memref<1x128xf32, #tpu.memory_space<vmem>>, vector<1x128xf32>
    %add3A_12 = vector.broadcast %get3A_11 : vector<1x128xf32> to vector<1000x128xf32>
    %add3A_13 = arith.addf %mul3A_8, %add3A_12 : vector<1000x128xf32>
    %get3A_14 = arith.constant 0 : index
    %get3A_15 = arith.constant 0 : index
    %get3A_16 = vector.load %arg2[%get3A_14, %get3A_15] : memref<1000x128xf32, #tpu.memory_space<vmem>>, vector<1000x128xf32>
    %get3A_17 = arith.constant 0 : index
    %get3A_18 = arith.constant 0 : index
    %get3A_19 = vector.load %arg4[%get3A_17, %get3A_18] : memref<1000x128xf32, #tpu.memory_space<vmem>>, vector<1000x128xf32>
    %add3A_20 = arith.addf %get3A_16, %get3A_19 : vector<1000x128xf32>
    %mul3A_21 = vector.broadcast %get3A_1 : vector<1000x1xf32> to vector<1000x128xf32>
    %mul3A_22 = arith.mulf %add3A_20, %mul3A_21 : vector<1000x128xf32>
    %get3A_23 = arith.constant 0 : index
    %get3A_24 = arith.constant 0 : index
    %get3A_25 = vector.load %arg7[%get3A_23, %get3A_24] : memref<1x128xf32, #tpu.memory_space<vmem>>, vector<1x128xf32>
    %add3A_26 = vector.broadcast %get3A_25 : vector<1x128xf32> to vector<1000x128xf32>
    %add3A_27 = arith.addf %mul3A_22, %add3A_26 : vector<1000x128xf32>
    %swap3A = arith.constant 0 : index
    %swap3A_28 = arith.constant 0 : index
    %swap3A_29 = vector.load %arg9[%swap3A, %swap3A_28] : memref<1000x128xf32, #tpu.memory_space<vmem>>, vector<1000x128xf32>
    tpu.vector_store %arg9[%swap3A, %swap3A_28], %add3A_13 {strides = array<i32>} : memref<1000x128xf32, #tpu.memory_space<vmem>>, vector<1000x128xf32>,
    %swap3A_30 = arith.constant 0 : index
    %swap3A_31 = arith.constant 0 : index
    %swap3A_32 = vector.load %arg10[%swap3A_30, %swap3A_31] : memref<1000x128xf32, #tpu.memory_space<vmem>>, vector<1000x128xf32>
    tpu.vector_store %arg10[%swap3A_30, %swap3A_31], %add3A_27 {strides = array<i32>} : memref<1000x128xf32, #tpu.memory_space<vmem>>, vector<1000x128xf32>,
    %get3A_33 = arith.constant 0 : index
    %get3A_34 = arith.constant 0 : index
    %get3A_35 = vector.load %arg8[%get3A_33, %get3A_34] : memref<1000x128xf32, #tpu.memory_space<vmem>>, vector<1000x128xf32>
    %exp3A = math.exp %add3A_27 : vector<1000x128xf32>
    %mul3A_36 = arith.mulf %get3A_35, %exp3A : vector<1000x128xf32>
    %add3A_37 = arith.addf %add3A_13, %mul3A_36 : vector<1000x128xf32>
    %convert_element_type3A = arith.truncf %add3A_37 : vector<1000x128xf32> to vector<1000x128xbf16>
    %swap3A_38 = arith.constant 0 : index
    %swap3A_39 = arith.constant 0 : index
    %swap3A_40 = vector.load %arg11[%swap3A_38, %swap3A_39] : memref<1000x128xbf16, #tpu.memory_space<vmem>>, vector<1000x128xbf16>
    tpu.vector_store %arg11[%swap3A_38, %swap3A_39], %convert_element_type3A {strides = array<i32>} : memref<1000x128xbf16, #tpu.memory_space<vmem>>, vector<1000x128xbf16>,
    return
  }
  func.func @transform_0(%arg0: i32) -> (i32, i32) {
    %c0_i32 = arith.constant 0 : i32
    %c0_i32_0 = arith.constant 0 : i32
    return %arg0, %c0_i32 : i32, i32
  }
  func.func @transform_1(%arg0: i32) -> (i32, i32) {
    %c0_i32 = arith.constant 0 : i32
    %c0_i32_0 = arith.constant 0 : i32
    return %arg0, %c0_i32 : i32, i32
  }
  func.func @transform_2(%arg0: i32) -> (i32, i32) {
    %c0_i32 = arith.constant 0 : i32
    %c0_i32_0 = arith.constant 0 : i32
    return %arg0, %c0_i32 : i32, i32
  }
  func.func @transform_3(%arg0: i32) -> (i32, i32) {
    %c0_i32 = arith.constant 0 : i32
    %c0_i32_0 = arith.constant 0 : i32
    return %arg0, %c0_i32 : i32, i32
  }
  func.func @transform_4(%arg0: i32) -> (i32, i32) {
    %c0_i32 = arith.constant 0 : i32
    %c0_i32_0 = arith.constant 0 : i32
    return %arg0, %c0_i32 : i32, i32
  }
  func.func @transform_5(%arg0: i32) -> (i32, i32) {
    %c0_i32 = arith.constant 0 : i32
    %c0_i32_0 = arith.constant 0 : i32
    %c0_i32_1 = arith.constant 0 : i32
    return %c0_i32, %c0_i32_0 : i32, i32
  }
  func.func @transform_6(%arg0: i32) -> (i32, i32) {
    %c0_i32 = arith.constant 0 : i32
    %c0_i32_0 = arith.constant 0 : i32
    %c0_i32_1 = arith.constant 0 : i32
    return %c0_i32, %c0_i32_0 : i32, i32
  }
  func.func @transform_7(%arg0: i32) -> (i32, i32) {
    %c0_i32 = arith.constant 0 : i32
    %c0_i32_0 = arith.constant 0 : i32
    return %arg0, %c0_i32 : i32, i32
  }
  func.func @transform_8(%arg0: i32) -> (i32, i32) {
    %c0_i32 = arith.constant 0 : i32
    %c0_i32_0 = arith.constant 0 : i32
    return %arg0, %c0_i32 : i32, i32
  }
  func.func @transform_9(%arg0: i32) -> (i32, i32) {
    %c0_i32 = arith.constant 0 : i32
    %c0_i32_0 = arith.constant 0 : i32
    return %arg0, %c0_i32 : i32, i32
  }
  func.func @transform_10(%arg0: i32) -> (i32, i32) {
    %c0_i32 = arith.constant 0 : i32
    %c0_i32_0 = arith.constant 0 : i32
    return %arg0, %c0_i32 : i32, i32
  }
}

module attributes {stable_mosaic.version = 14 : i64} {
  func.func @_dec_body(%arg0: i32, %arg1: i32, %arg2: memref<1024x128xbf16, #tpu.memory_space<vmem>>, %arg3: memref<1024x128xbf16, #tpu.memory_space<vmem>>, %arg4: memref<1024x1024xf32, #tpu.memory_space<vmem>>) attributes {dimension_semantics = [#tpu.dimension_semantics<parallel>, #tpu.dimension_semantics<parallel>], iteration_bounds = array<i64: 10, 10>, scalar_prefetch = 0 : i64, scratch_operands = 0 : i64, tpu.core_type = #tpu.core_type<tc>, window_params = [{transform_indices = @transform_0, window_bounds = array<i64: 1024, 128>}, {transform_indices = @transform_1, window_bounds = array<i64: 1024, 128>}, {transform_indices = @transform_2, window_bounds = array<i64: 1024, 1024>}]} {
    %get3A = arith.constant 0 : index
    %get3A_0 = arith.constant 0 : index
    %get3A_1 = vector.load %arg2[%get3A, %get3A_0] : memref<1024x128xbf16, #tpu.memory_space<vmem>>, vector<1024x128xbf16>
    %get3A_2 = arith.constant 0 : index
    %get3A_3 = arith.constant 0 : index
    %get3A_4 = vector.load %arg3[%get3A_2, %get3A_3] : memref<1024x128xbf16, #tpu.memory_space<vmem>>, vector<1024x128xbf16>
    %dot_general3A = arith.constant dense<0.000000e+00> : vector<1024x1024xf32>
    %dot_general3A_5 = tpu.matmul %get3A_1, %get3A_4, %dot_general3A {dimension_numbers = #tpu.dot_dimension_numbers<[1], [1], [0], [0], [0, 0, 1, 0], [], []>, transpose_lhs_hint = false} : vector<1024x128xbf16>, vector<1024x128xbf16>, vector<1024x1024xf32> -> vector<1024x1024xf32>
    %swap3A = arith.constant 0 : index
    %swap3A_6 = arith.constant 0 : index
    %swap3A_7 = vector.load %arg4[%swap3A, %swap3A_6] : memref<1024x1024xf32, #tpu.memory_space<vmem>>, vector<1024x1024xf32>
    tpu.vector_store %arg4[%swap3A, %swap3A_6], %dot_general3A_5 {strides = array<i32>} : memref<1024x1024xf32, #tpu.memory_space<vmem>>, vector<1024x1024xf32>,
    return
  }
  func.func @transform_0(%arg0: i32, %arg1: i32) -> (i32, i32) {
    %c0_i32 = arith.constant 0 : i32
    %c0_i32_0 = arith.constant 0 : i32
    return %arg0, %c0_i32 : i32, i32
  }
  func.func @transform_1(%arg0: i32, %arg1: i32) -> (i32, i32) {
    %c0_i32 = arith.constant 0 : i32
    %c0_i32_0 = arith.constant 0 : i32
    return %arg1, %c0_i32 : i32, i32
  }
  func.func @transform_2(%arg0: i32, %arg1: i32) -> (i32, i32) {
    %c0_i32 = arith.constant 0 : i32
    return %arg0, %arg1 : i32, i32
  }
}

</mosaic_0001>

<sc_bundles>
// kernel: kernel.10.cloned.1.call-start
scs
__scs_entry_jumppad:
0x0: {  	(pc) =	sbr.rel $0x88, $3  }
0x1: {  	(tag) =	ssettag $0x0;
	lr =	simm.s32 $0x1  }
0x2: {  	[smem:$0x3F98] =	sst lr;
	_ =	strace $0xD0000000  }
0x3: {  	_ = 	snop  }
0x4: {  	_ = 	snop  }
0x5: {  	_ = 	snop  }
0x6: {  	_ = 	snop  }
0x7: {  	_ = 	snop  }
__scs_overlays_trampoline_lowered:
0x8: {  	[smem:$0x3FA7] =	sst s0  }
0x9: {  	[smem:$0x3FA8] =	sst s1  }
0xa: {  	[smem:$0x3FA9] =	sst s2  }
0xb: {  	[smem:$0x3FAA] =	sst s3  }
0xc: {  	[smem:$0x3FAB] =	sst s4  }
0xd: {  	[smem:$0x3FAC] =	sst s5  }
0xe: {  	[smem:$0x3FAD] =	sst s6  }
0xf: {  	[smem:$0x3FAE] =	sst s7  }
0x10: {  	[smem:$0x3FAF] =	sst s8  }
0x11: {  	[smem:$0x3FB0] =	sst s9;
	s0 =	simm.s32 @!p0 $0x0  }
0x12: {  	s1 =	sld [smem:$0x3F96];
	s0 =	simm.s32 @p0 $0x1  }
0x13: {  	[smem:$0x3FB1] =	sst s0;
	s0 =	simm.s32 @!p1 $0x0  }
0x14: {  	s2 =	sld [smem:$0x3F95];
	s0 =	simm.s32 @p1 $0x1  }
0x15: {  	[smem:$0x3FB2] =	sst s0;
	s0 =	simm.s32 @!p2 $0x0  }
0x16: {  	s3 =	sld [smem:$0x3FDB];
	s0 =	simm.s32 @p2 $0x1  }
0x17: {  	s4 =	simm.s32 $0x1BF5;
	[smem:$0x3FB4] =	sst s0  }
0x18: {  	s0 =	sld [smem:$0x3F97];
	_ =	swait.ge [sflag:s4], $0x0  }
0x19: {  	s7 =	sld [smem:$0x3F98]  }
0x1a: {  	s8 =	sadd.s32 $0xFFFFE003, lr  }
0x1b: {  	s9 =	sadd.s32 $0xFFFFFEF7, lr;
	s5 =	simm.s32 $0xFFFFFFFF;
	p2 =	slt.u32 s8, $0xFFFFF086  }
0x1c: {  	p1 =	slt.u32 s9, $0xF7A;
	s5 =	simm.s32 @!p2 $0x0  }
0x1d: {  	s5 =	simm.s32 @p1 $0x1;
	p0 =	seq.s32 s7, s2  }
0x1e: {  	s7 =	smul.u32 @!p0 $0xF7A, s2;
	p2 =	seq.s32 @!p0 s5, $0x0  }
0x1f: {  	s9 =	smul.u32 $0xF7A, s1;
	s8 =	simm.s32 @!p0 $0x1BF5;
	p2 =	por !p2, p0  }
0x20: {  	[sflag:s8] =	ssyncset.s32 @!p0 $0xFFFFF086;
	s6 =	sadd.s32 @!p0 s3, s7;
	s7 =	simm.s32 @!p0 $0x108  }
0x21: {  	s3 =	sadd.s32 s3, s9;
	s6 =	sadd.s32 @!p0 $0x88, s6;
	s7 =	simm.s32 @p2 $0x1082  }
0x22: {  	[simem:s7], [sflag:s8] =	dma.local @!p0 [hbm:s6], $0xF7A  }
0x23: {  	s9 =	sor.u32 $0xD0000000, s2;
	s6 =	simm.s32 $0x108;
	_ =	swait.ge @!p0 [sflag:s8], $0x0  }
0x24: {  	s3 =	sadd.s32 $0x88, s3;
	s6 =	simm.s32 @!p1 $0x1082;
	[sflag:s4] =	ssyncset.s32 $0xFFFFF086  }
0x25: {  	[simem:s6], [sflag:s4] =	dma.local [hbm:s3], $0xF7A  }
0x26: {  	[smem:$0x3F98] =	sst s1;
	(tag) =	ssettag s2;
	_ =	strace s9  }
0x27: {  	s1 =	sld [smem:$0x3FA8]  }
0x28: {  	s2 =	sld [smem:$0x3FA9]  }
0x29: {  	s4 =	sld [smem:$0x3FAB]  }
0x2a: {  	p0 =	seq.s32 s5, $0x0;
	s5 =	sld [smem:$0x3FAC]  }
0x2b: {  	s6 =	sld [smem:$0x3FAD]  }
0x2c: {  	s7 =	sld [smem:$0x3FAE]  }
0x2d: {  	s3 =	simm.s32 $0x108;
	s8 =	sld [smem:$0x3FAF]  }
0x2e: {  	s3 =	simm.s32 @!p0 $0x1082;
	s9 =	sld [smem:$0x3FB0]  }
0x2f: {  	lr =	sadd.s32 s0, s3;
	s0 =	sld [smem:$0x3FA7]  }
0x30: {  	s3 =	sld [smem:$0x3FAA]  }
0x31: {  	[smem:$0x3FB3] =	sst s10  }
0x32: {  	s10 =	sld [smem:$0x3FB1];
	_ =	sdelay $0x3  }
0x33: {  	p0 =	seq.s32 s10, $0x1;
	s10 =	sld [smem:$0x3FB3];
	_ =	sdelay $0x3  }
0x34: {  	[smem:$0x3FB3] =	sst s10  }
0x35: {  	s10 =	sld [smem:$0x3FB2];
	_ =	sdelay $0x3  }
0x36: {  	p1 =	seq.s32 s10, $0x1;
	s10 =	sld [smem:$0x3FB3];
	_ =	sdelay $0x3  }
0x37: {  	[smem:$0x3FB3] =	sst s10  }
0x38: {  	s10 =	sld [smem:$0x3FB4]  }
0x39: {  	_ = 	snop;
	(pc) =	sbr.ind lr, $3  }
0x3a: {  	_ = 	snop  }
0x3b: {  	_ = 	snop  }
0x3c: {  	p2 =	seq.s32 s10, $0x1;
	s10 =	sld [smem:$0x3FB3]  }
0x3d: {  	_ =	shalt  }
0x3e: {  	_ =	shalt  }
0x3f: {  	_ =	shalt  }
0x40: {  	_ =	shalt  }
0x41: {  	_ =	shalt  }
0x42: {  	_ =	shalt  }
0x43: {  	_ =	shalt  }
0x44: {  	_ =	shalt  }
0x45: {  	_ =	shalt  }
0x46: {  	_ =	shalt  }
0x47: {  	_ =	shalt  }
0x48: {  	_ =	shalt  }
0x49: {  	_ =	shalt  }
0x4a: {  	_ =	shalt  }
0x4b: {  	_ =	shalt  }
0x4c: {  	_ =	shalt  }
0x4d: {  	_ =	shalt  }
0x4e: {  	_ =	shalt  }
0x4f: {  	_ =	shalt  }
0x50: {  	_ =	shalt  }
0x51: {  	_ =	shalt  }
0x52: {  	_ =	shalt  }
0x53: {  	_ =	shalt  }
0x54: {  	_ =	shalt  }
0x55: {  	_ =	shalt  }
0x56: {  	_ =	shalt  }
0x57: {  	_ =	shalt  }
0x58: {  	_ =	shalt  }
0x59: {  	_ =	shalt  }
0x5a: {  	_ =	shalt  }
0x5b: {  	_ =	shalt  }
0x5c: {  	_ =	shalt  }
0x5d: {  	_ =	shalt  }
0x5e: {  	_ =	shalt  }
0x5f: {  	_ =	shalt  }
0x60: {  	_ =	shalt  }
0x61: {  	_ =	shalt  }
0x62: {  	_ =	shalt  }
0x63: {  	_ =	shalt  }
0x64: {  	_ =	shalt  }
0x65: {  	_ =	shalt  }
0x66: {  	_ =	shalt  }
0x67: {  	_ =	shalt  }
0x68: {  	_ =	shalt  }
0x69: {  	_ =	shalt  }
0x6a: {  	_ =	shalt  }
0x6b: {  	_ =	shalt  }
0x6c: {  	_ =	shalt  }
0x6d: {  	_ =	shalt  }
0x6e: {  	_ =	shalt  }
0x6f: {  	_ =	shalt  }
0x70: {  	_ =	shalt  }
0x71: {  	_ =	shalt  }
0x72: {  	_ =	shalt  }
0x73: {  	_ =	shalt  }
0x74: {  	_ =	shalt  }
0x75: {  	_ =	shalt  }
0x76: {  	_ =	shalt  }
0x77: {  	_ =	shalt  }
0x78: {  	_ =	shalt  }
0x79: {  	_ =	shalt  }
0x7a: {  	_ =	shalt  }
0x7b: {  	_ =	shalt  }
0x7c: {  	_ =	shalt  }
0x7d: {  	_ =	shalt  }
0x7e: {  	_ =	shalt  }
0x7f: {  	_ =	shalt  }
0x80: {  	_ =	shalt  }
0x81: {  	_ =	shalt  }
0x82: {  	_ =	shalt  }
0x83: {  	_ =	shalt  }
0x84: {  	_ =	shalt  }
0x85: {  	_ =	shalt  }
0x86: {  	_ =	shalt  }
0x87: {  	_ =	shalt  }
.Lfunc_end0:
.L_simem_size_0:
called_computation_lowered:
.L_overlay_start_0:
0x88: {  	s2 =	sld [smem:$0x3FD9]  }
0x89: {  	s3 =	sld [smem:$0x3FFE];
	_ =	sdelay $0x1  }
0x8a: {  	s1 =	srdreg.scid  }
0x8b: {  	s0 =	sand.u32 $0x1, s1  }
0x8c: {  	s14 =	sshll.u32 s0, $0xA;
	s2 =	sadd.s32 s3, s2  }
0x8d: {  	s2 =	sadd.s32 s2, s14  }
0x8e: {  	[smem:$0x3FBF] =	sst s2  }
0x8f: {  	_ = 	snop  }
0x90: {  	s2 =	sld [smem:$0x3FD0];
	_ =	sdelay $0x2  }
0x91: {  	s15 =	simm.s32 $0xA;
	s4 =	simm.s32 $0x10  }
0x92: {  	[smem:s4], [sflag:s15] =	dma.local [hbm:s2], $0x1  }
0x93: {  	_ =	swait.eq [sflag:s15], $0x1  }
0x94: {  	[sflag:s15] =	ssyncset.done $0x0  }
0x95: {  	[sflag:s15] =	ssyncadd.s32 $0xFFFFFFFF  }
0x96: {  	s16 =	sld [smem:$0x12];
	(tm) =	ssettm $0x1  }
0x97: {  	s17 =	sld [smem:$0x3FFB];
	_ =	sdelay $0x3  }
0x98: {  	_ =	strace s17  }
0x99: {  	s3 =	sld [smem:$0x3FFC];
	_ =	sdelay $0x3  }
0x9a: {  	_ =	strace s3  }
0x9b: {  	s3 =	sld [smem:$0x3FFD];
	_ =	sdelay $0x3  }
0x9c: {  	_ =	strace s3  }
0x9d: {  	_ =	strace $0x8FFFFFFF  }
0x9e: {  	s18 =	sld [smem:$0x3FDB];
	_ =	sdelay $0x1  }
0x9f: {  	s19 =	simm.s32 $_scs_section_size  }
0xa0: {  	s5 =	simm.s32 $_size__tile_overlayer_lowered;
	s6 =	simm.s32 $_tile_overlayer_lowered  }
0xa1: {  	s22 =	simm.s32 $0x1BFF;
	s21 =	sshll.u32 s6, $0x1;
	s3 =	sadd.s32 s19, s18  }
0xa2: {  	s7 =	simm.s32 $0x0;
	s20 =	sshll.u32 s5, $0x1;
	s5 =	sadd.s32 s21, s3  }
0xa3: {  	[timem:s7], [sflag:s22] =	dma.local [hbm:s5], s20  }
0xa4: {  	_ =	swait.ge [sflag:s22], s20  }
0xa5: {  	s4 =	ssub.s32 $0x0, s20;
	[sflag:s22] =	ssyncset.done $0x0  }
0xa6: {  	[sflag:s22] =	ssyncadd.s32 s4;
	_ =	sdelay $0x1  }
0xa7: {  	s23 =	simm.s32 $0x1B8B  }
0xa8: {  	_ =	swait.ge [sflag:s23], $0x1  }
0xa9: {  	[sflag:s23] =	ssyncset.done $0x0  }
0xaa: {  	s25 =	simm.s32 $0x1B8E;
	s24 =	sld [smem:$0x3FFE];
	[sflag:s23] =	ssyncadd.s32 $0xFFFFFFFF  }
0xab: {  	s26 =	simm.s32 $execute0_lowered;
	[smem:$0x3FD2] =	sst s25  }
0xac: {  	s5 =	sshll.u32 s26, $0x1;
	_ =	strace $0x80000046;
	[dreg:$0x1] =	wrdreg $0xFFFFFFFF  }
0xad: {  	s28 =	simm.s32 $_size_execute0_lowered;
	s3 =	sadd.s32 s3, s5;
	[dreg:$0x0] =	wrdreg $0x0  }
0xae: {  	s5 =	sshll.u32 s28, $0x1;
	[dreg:$0x2] =	wrdreg s3  }
0xaf: {  	[dreg:$0x3] =	wrdreg s5  }
0xb0: {  	[dreg:$0x4] =	wrdreg $0xC0  }
0xb1: {  	_ =	task [dreg:s7], $0x5FFFF  }
0xb2: {  	[dreg:$0x1] =	wrdreg $0xFFFFFFFF  }
0xb3: {  	[dreg:$0x0] =	wrdreg $0x60  }
0xb4: {  	[dreg:$0x2] =	wrdreg s24  }
0xb5: {  	[dreg:$0x3] =	wrdreg s16  }
0xb6: {  	[dreg:$0x4] =	wrdreg $0x9  }
0xb7: {  	_ =	task.clear_ibuf [dreg:s7], $0x5FFFF;
	_ =	strace $0x90000046  }
0xb8: {  	s29 =	simm.s32 $0x9;
	_ =	strace $0x80000048  }
0xb9: {  	_ =	swait.ge [sflag:s29], $0x1  }
0xba: {  	[sflag:s29] =	ssyncadd.s32 $0xFFFFFFFF  }
0xbb: {  	_ =	strace $0x90000048  }
0xbc: {  	_ =	sfence  }
0xbd: {  	s30 =	sld [smem:$0x0];
	_ =	sdelay $0x2  }
0xbe: {  	s31 =	sshll.u32 s1, $0xD;
	s1 =	sshrl.u32 s1, $0x2  }
0xbf: {  	s3 =	sand.u32 $0x4000, s31;
	s1 =	sadd.s32 s1, s30  }
0xc0: {  	s0 =	sor.u32 s3, s0;
	s1 =	sshll.u32 s1, $0x11  }
0xc1: {  	s0 =	sor.u32 s1, s0  }
0xc2: {  	s0 =	sadd.s32 $0x8F2B, s0  }
0xc3: {  	[sflag:s0] =	ssyncadd.remote.s32 $0x1  }
0xc4: {  	_ =	sfence.sel $0xFFFF  }
0xc5: {  	[dreg:$0x0] =	wrdreg $0xFFFFFFFF;
	(pc) =	sbr.abs _section_cstart, $3  }
0xc6: {  	[dreg:$0x1] =	wrdreg $0xFFFFFFFF  }
0xc7: {  	_ =	task.clear_ibuf [dreg:s7], $0x2FFFF;
	_ =	strace $0x9FFFFFFF  }
0xc8: {  	(tm) =	ssettm $0x7FFFFFFF  }
0xc9: {  	_ =	shalt  }
tec
execute0_lowered:
.L_overlay_start_1:
0x0: {  	(tag) =	ssettag $0x1  }
0x1: {  	s0 =	srdreg.scid;
	s3 =	rddreg [dreg:$0x0]  }
0x2: {  	s5 =	rddreg [dreg:$0x1];
	s1 =	stileid.u32;
	s4 =	sand.u32 $0x1, s0  }
0x3: {  	s0 =	rddreg [dreg:$0x2];
	s7 =	smul.u32 $0x500, s1;
	s2 =	sshll.u32 s4, $0x4  }
0x4: {  	s8 =	sshll.u32 s1, $0x7;
	s9 =	ssub.s32 $0x2, s4;
	s6 =	sor.u32 s1, s2  }
0x5: {  	s8 =	sand.u32 $0x380, s8;
	s31 =	smul.u32 $0x5000, s4;
	s6 =	sshrl.u32 s6, $0x3  }
0x6: {  	s2 =	simm.s32 $0x0;
	s3 =	sadd.s32 s7, s3;
	s6 =	smul.u32 $0x13C00, s6  }
0x7: {  	s30 =	sshrl.u32 s9, $0x1;
	[smem:$0x7FF] =	sst s2;
	s10 =	sshrl.u32 s31, $0x2  }
0x8: {  	s7 =	ssub.s32 s9, s30;
	s3 =	sadd.s32 $0x3C00, s3;
	v2 =	vmov s10;
	s6 =	sor.u32 s8, s6  }
0x9: {  	s9 =	simm.s32 $0x400;
	_ =	strace $0x80000047;
	s6 =	sshrl.u32 s6, $0x3  }
0xa: {  	s10 =	simm.s32 $0x0;
	s8 =	simm.s32 $0x80;
	s4 =	sadd.s32 s5, s6  }
0xb: {  	v0 =	vimm.f32 $0.0e+00;
	v1 =	vimm.f32 $1.000000000e+00;
	s5 =	smax.u32 s7, $0x1;
	s6 =	simm.s32 $0x1;
	s7 =	simm.s32 $0x2800  }
.LBB2_1:
0xc: {  	[tilespmem:s2], [sflag:$0x1] =	stream.linear.gather [hbm4b:s3+s2], $0x2800, $0x38;
	[tilespmem:$0x4F80] =	vst v63  }
0xd: {  	_ =	swait.ge [sflag:s6], $0x2800  }
0xe: {  	[sflag:s6] =	ssyncset.done $0x0  }
0xf: {  	s11 =	simm.s32 $0x0;
	[sflag:s6] =	ssyncadd.s32 $0xFFFFD800  }
.LBB2_2:
0x10: {  	p0 =	sne.s32 s11, $0x9DC0  }
.Ltmp0:
0x11: {  	_ = 	snop;
	(pc) =	sbr.rel @p0 .LBB2_2-.Ltmp0, $3  }
0x12: {  	_ =	sdelay $0x1  }
0x13: {  	s12 =	sshra.s32 s11, $0x2  }
0x14: {  	s11 =	sadd.s32 $0x40, s11;
	[tilespmem:s12+$0x2800] =	vst v0  }
0x15: {  	s11 =	simm.s32 $0x1C0  }
.LBB2_4:
0x16: {  	s12 =	sshra.s32 s11, $0x2  }
0x17: {  	v3 =	vld.idx.msk [tilespmem:v2+s12+$0xFFFFFF90 ss:$0x1], $0xffff;
	_ =	sdelay $0x7  }
0x18: {  	[tilespmem:v3+s7+$0x0] =	vst.idx.add.f32.msk $0xffff, v1  }
0x19: {  	v3 =	vld.idx.msk [tilespmem:v2+s12+$0xFFFFFFA0 ss:$0x1], $0xffff;
	_ =	sdelay $0x7  }
0x1a: {  	[tilespmem:v3+s7+$0x0] =	vst.idx.add.f32.msk $0xffff, v1  }
0x1b: {  	v3 =	vld.idx.msk [tilespmem:v2+s12+$0xFFFFFFB0 ss:$0x1], $0xffff;
	_ =	sdelay $0x7  }
0x1c: {  	[tilespmem:v3+s7+$0x0] =	vst.idx.add.f32.msk $0xffff, v1  }
0x1d: {  	v3 =	vld.idx.msk [tilespmem:v2+s12+$0xFFFFFFC0 ss:$0x1], $0xffff;
	_ =	sdelay $0x7  }
0x1e: {  	[tilespmem:v3+s7+$0x0] =	vst.idx.add.f32.msk $0xffff, v1  }
0x1f: {  	v3 =	vld.idx.msk [tilespmem:v2+s12+$0xFFFFFFD0 ss:$0x1], $0xffff;
	_ =	sdelay $0x7  }
0x20: {  	[tilespmem:v3+s7+$0x0] =	vst.idx.add.f32.msk $0xffff, v1  }
0x21: {  	v3 =	vld.idx.msk [tilespmem:v2+s12+$0xFFFFFFE0 ss:$0x1], $0xffff;
	_ =	sdelay $0x7  }
0x22: {  	[tilespmem:v3+s7+$0x0] =	vst.idx.add.f32.msk $0xffff, v1  }
0x23: {  	v3 =	vld.idx.msk [tilespmem:v2+s12+$0xFFFFFFF0 ss:$0x1], $0xffff;
	_ =	sdelay $0x7  }
0x24: {  	[tilespmem:v3+s7+$0x0] =	vst.idx.add.f32.msk $0xffff, v1  }
0x25: {  	v3 =	vld.idx.msk [tilespmem:v2+s12+$0x0 ss:$0x1], $0xffff;
	_ =	sdelay $0x2  }
0x26: {  	p0 =	sne.s32 s11, $0x4FC0  }
.Ltmp1:
0x27: {  	_ = 	snop;
	(pc) =	sbr.rel @p0 .LBB2_4-.Ltmp1, $2  }
0x28: {  	_ =	sdelay $0x2  }
0x29: {  	s11 =	sadd.s32 $0x200, s11;
	[tilespmem:v3+s7+$0x0] =	vst.idx.add.f32.msk $0xffff, v1  }
0x2a: {  	s10 =	sadd.s32 $0x1, s10  }
0x2b: {  	p0 =	sne.s32 s10, s5  }
.Ltmp2:
0x2c: {  	_ = 	snop;
	(pc) =	sbr.rel @p0 .LBB2_1-.Ltmp2, $4  }
0x2d: {  	[hbm4b:s4+s8] =	stream.strided.scatter [tilespmem:s7], [sflag:$0x1], $0x2780, s9, s8, $0x38;
	[tilespmem:$0x4F80] =	vst v63  }
0x2e: {  	_ =	swait.ge [sflag:s6], $0x2780  }
0x2f: {  	[sflag:s6] =	ssyncset.done $0x0  }
0x30: {  	[sflag:s6] =	ssyncadd.s32 $0xFFFFD880  }
0x31: {  	_ =	sfence.sel $0x180000  }
0x32: {  	[bflag:$0x0] =	sbarrier.arrive $0xFFFF  }
0x33: {  	p0 =	sne.s32 s1, $0x0;
	_ =	strace $0x90000047  }
0x34: {  	s0 =	sadd.s32 @!p0 $0x100000, s0;
	[bflag:$0x2] =	sbarrier.arrive $0xFFFF  }
0x35: {  	[sflag:s0] =	ssyncadd.tile.s32 @!p0 $0x1;
	_ =	shalt  }
.Lfunc_end2:
_tile_overlayer_lowered:
.L_overlay_start_2:
0x36: {  	(tag) =	ssettag $0x2  }
0x37: {  	s0 =	rddreg [dreg:$0x0];
	s2 =	stileid.u32  }
0x38: {  	s1 =	rddreg [dreg:$0x1];
	p0 =	sne.s32 s2, $0x0  }
0x39: {  	s3 =	rddreg [dreg:$0x2];
	[bflag:$0x3] =	sbarrier.arrive $0xFFFF;
	s2 =	simm.s32 @!p0 $0x1C01  }
0x3a: {  	[timem:s3], [sflag:s2] =	dma.local @!p0 [hbm:s0], s1  }
0x3b: {  	s0 =	simm.s32 @!p0 $0x1  }
0x3c: {  	_ =	swait.ge @!p0 [sflag:s0], s1  }
0x3d: {  	s1 =	ssub.s32 @!p0 $0x0, s1;
	[sflag:s0] =	ssyncset.done @!p0 $0x0  }
0x3e: {  	[sflag:s0] =	ssyncadd.s32 @!p0 s1  }
0x3f: {  	[bflag:$0x3] =	sbarrier.arrive $0xFFFF  }
0x40: {  	_ =	shalt  }

// kernel: kernel.13.cloned.1.call-start
scs
__scs_entry_jumppad:
0x0: {  	(pc) =	sbr.rel $0x88, $3  }
0x1: {  	(tag) =	ssettag $0x0;
	lr =	simm.s32 $0x1  }
0x2: {  	[smem:$0x3F98] =	sst lr;
	_ =	strace $0xD0000000  }
0x3: {  	_ = 	snop  }
0x4: {  	_ = 	snop  }
0x5: {  	_ = 	snop  }
0x6: {  	_ = 	snop  }
0x7: {  	_ = 	snop  }
__scs_overlays_trampoline_lowered:
0x8: {  	[smem:$0x3FA7] =	sst s0  }
0x9: {  	[smem:$0x3FA8] =	sst s1  }
0xa: {  	[smem:$0x3FA9] =	sst s2  }
0xb: {  	[smem:$0x3FAA] =	sst s3  }
0xc: {  	[smem:$0x3FAB] =	sst s4  }
0xd: {  	[smem:$0x3FAC] =	sst s5  }
0xe: {  	[smem:$0x3FAD] =	sst s6  }
0xf: {  	[smem:$0x3FAE] =	sst s7  }
0x10: {  	[smem:$0x3FAF] =	sst s8  }
0x11: {  	[smem:$0x3FB0] =	sst s9;
	s0 =	simm.s32 @!p0 $0x0  }
0x12: {  	s1 =	sld [smem:$0x3F96];
	s0 =	simm.s32 @p0 $0x1  }
0x13: {  	[smem:$0x3FB1] =	sst s0;
	s0 =	simm.s32 @!p1 $0x0  }
0x14: {  	s2 =	sld [smem:$0x3F95];
	s0 =	simm.s32 @p1 $0x1  }
0x15: {  	[smem:$0x3FB2] =	sst s0;
	s0 =	simm.s32 @!p2 $0x0  }
0x16: {  	s3 =	sld [smem:$0x3FDB];
	s0 =	simm.s32 @p2 $0x1  }
0x17: {  	s4 =	simm.s32 $0x1BF5;
	[smem:$0x3FB4] =	sst s0  }
0x18: {  	s0 =	sld [smem:$0x3F97];
	_ =	swait.ge [sflag:s4], $0x0  }
0x19: {  	s7 =	sld [smem:$0x3F98]  }
0x1a: {  	s8 =	sadd.s32 $0xFFFFE003, lr  }
0x1b: {  	s9 =	sadd.s32 $0xFFFFFEF7, lr;
	s5 =	simm.s32 $0xFFFFFFFF;
	p2 =	slt.u32 s8, $0xFFFFF086  }
0x1c: {  	p1 =	slt.u32 s9, $0xF7A;
	s5 =	simm.s32 @!p2 $0x0  }
0x1d: {  	s5 =	simm.s32 @p1 $0x1;
	p0 =	seq.s32 s7, s2  }
0x1e: {  	s7 =	smul.u32 @!p0 $0xF7A, s2;
	p2 =	seq.s32 @!p0 s5, $0x0  }
0x1f: {  	s9 =	smul.u32 $0xF7A, s1;
	s8 =	simm.s32 @!p0 $0x1BF5;
	p2 =	por !p2, p0  }
0x20: {  	[sflag:s8] =	ssyncset.s32 @!p0 $0xFFFFF086;
	s6 =	sadd.s32 @!p0 s3, s7;
	s7 =	simm.s32 @!p0 $0x108  }
0x21: {  	s3 =	sadd.s32 s3, s9;
	s6 =	sadd.s32 @!p0 $0x88, s6;
	s7 =	simm.s32 @p2 $0x1082  }
0x22: {  	[simem:s7], [sflag:s8] =	dma.local @!p0 [hbm:s6], $0xF7A  }
0x23: {  	s9 =	sor.u32 $0xD0000000, s2;
	s6 =	simm.s32 $0x108;
	_ =	swait.ge @!p0 [sflag:s8], $0x0  }
0x24: {  	s3 =	sadd.s32 $0x88, s3;
	s6 =	simm.s32 @!p1 $0x1082;
	[sflag:s4] =	ssyncset.s32 $0xFFFFF086  }
0x25: {  	[simem:s6], [sflag:s4] =	dma.local [hbm:s3], $0xF7A  }
0x26: {  	[smem:$0x3F98] =	sst s1;
	(tag) =	ssettag s2;
	_ =	strace s9  }
0x27: {  	s1 =	sld [smem:$0x3FA8]  }
0x28: {  	s2 =	sld [smem:$0x3FA9]  }
0x29: {  	s4 =	sld [smem:$0x3FAB]  }
0x2a: {  	p0 =	seq.s32 s5, $0x0;
	s5 =	sld [smem:$0x3FAC]  }
0x2b: {  	s6 =	sld [smem:$0x3FAD]  }
0x2c: {  	s7 =	sld [smem:$0x3FAE]  }
0x2d: {  	s3 =	simm.s32 $0x108;
	s8 =	sld [smem:$0x3FAF]  }
0x2e: {  	s3 =	simm.s32 @!p0 $0x1082;
	s9 =	sld [smem:$0x3FB0]  }
0x2f: {  	lr =	sadd.s32 s0, s3;
	s0 =	sld [smem:$0x3FA7]  }
0x30: {  	s3 =	sld [smem:$0x3FAA]  }
0x31: {  	[smem:$0x3FB3] =	sst s10  }
0x32: {  	s10 =	sld [smem:$0x3FB1];
	_ =	sdelay $0x3  }
0x33: {  	p0 =	seq.s32 s10, $0x1;
	s10 =	sld [smem:$0x3FB3];
	_ =	sdelay $0x3  }
0x34: {  	[smem:$0x3FB3] =	sst s10  }
0x35: {  	s10 =	sld [smem:$0x3FB2];
	_ =	sdelay $0x3  }
0x36: {  	p1 =	seq.s32 s10, $0x1;
	s10 =	sld [smem:$0x3FB3];
	_ =	sdelay $0x3  }
0x37: {  	[smem:$0x3FB3] =	sst s10  }
0x38: {  	s10 =	sld [smem:$0x3FB4]  }
0x39: {  	_ = 	snop;
	(pc) =	sbr.ind lr, $3  }
0x3a: {  	_ = 	snop  }
0x3b: {  	_ = 	snop  }
0x3c: {  	p2 =	seq.s32 s10, $0x1;
	s10 =	sld [smem:$0x3FB3]  }
0x3d: {  	_ =	shalt  }
0x3e: {  	_ =	shalt  }
0x3f: {  	_ =	shalt  }
0x40: {  	_ =	shalt  }
0x41: {  	_ =	shalt  }
0x42: {  	_ =	shalt  }
0x43: {  	_ =	shalt  }
0x44: {  	_ =	shalt  }
0x45: {  	_ =	shalt  }
0x46: {  	_ =	shalt  }
0x47: {  	_ =	shalt  }
0x48: {  	_ =	shalt  }
0x49: {  	_ =	shalt  }
0x4a: {  	_ =	shalt  }
0x4b: {  	_ =	shalt  }
0x4c: {  	_ =	shalt  }
0x4d: {  	_ =	shalt  }
0x4e: {  	_ =	shalt  }
0x4f: {  	_ =	shalt  }
0x50: {  	_ =	shalt  }
0x51: {  	_ =	shalt  }
0x52: {  	_ =	shalt  }
0x53: {  	_ =	shalt  }
0x54: {  	_ =	shalt  }
0x55: {  	_ =	shalt  }
0x56: {  	_ =	shalt  }
0x57: {  	_ =	shalt  }
0x58: {  	_ =	shalt  }
0x59: {  	_ =	shalt  }
0x5a: {  	_ =	shalt  }
0x5b: {  	_ =	shalt  }
0x5c: {  	_ =	shalt  }
0x5d: {  	_ =	shalt  }
0x5e: {  	_ =	shalt  }
0x5f: {  	_ =	shalt  }
0x60: {  	_ =	shalt  }
0x61: {  	_ =	shalt  }
0x62: {  	_ =	shalt  }
0x63: {  	_ =	shalt  }
0x64: {  	_ =	shalt  }
0x65: {  	_ =	shalt  }
0x66: {  	_ =	shalt  }
0x67: {  	_ =	shalt  }
0x68: {  	_ =	shalt  }
0x69: {  	_ =	shalt  }
0x6a: {  	_ =	shalt  }
0x6b: {  	_ =	shalt  }
0x6c: {  	_ =	shalt  }
0x6d: {  	_ =	shalt  }
0x6e: {  	_ =	shalt  }
0x6f: {  	_ =	shalt  }
0x70: {  	_ =	shalt  }
0x71: {  	_ =	shalt  }
0x72: {  	_ =	shalt  }
0x73: {  	_ =	shalt  }
0x74: {  	_ =	shalt  }
0x75: {  	_ =	shalt  }
0x76: {  	_ =	shalt  }
0x77: {  	_ =	shalt  }
0x78: {  	_ =	shalt  }
0x79: {  	_ =	shalt  }
0x7a: {  	_ =	shalt  }
0x7b: {  	_ =	shalt  }
0x7c: {  	_ =	shalt  }
0x7d: {  	_ =	shalt  }
0x7e: {  	_ =	shalt  }
0x7f: {  	_ =	shalt  }
0x80: {  	_ =	shalt  }
0x81: {  	_ =	shalt  }
0x82: {  	_ =	shalt  }
0x83: {  	_ =	shalt  }
0x84: {  	_ =	shalt  }
0x85: {  	_ =	shalt  }
0x86: {  	_ =	shalt  }
0x87: {  	_ =	shalt  }
.Lfunc_end0:
.L_simem_size_0:
called_computation.1_lowered:
.L_overlay_start_0:
0x88: {  	s2 =	sld [smem:$0x3FD9]  }
0x89: {  	s3 =	sld [smem:$0x3FFE];
	_ =	sdelay $0x1  }
0x8a: {  	s1 =	srdreg.scid  }
0x8b: {  	s0 =	sand.u32 $0x1, s1  }
0x8c: {  	s14 =	sshll.u32 s0, $0xA;
	s2 =	sadd.s32 s3, s2  }
0x8d: {  	s2 =	sadd.s32 s2, s14  }
0x8e: {  	[smem:$0x3FBF] =	sst s2  }
0x8f: {  	_ = 	snop  }
0x90: {  	s2 =	sld [smem:$0x3FD0];
	_ =	sdelay $0x2  }
0x91: {  	s15 =	simm.s32 $0xA;
	s4 =	simm.s32 $0x10  }
0x92: {  	[smem:s4], [sflag:s15] =	dma.local [hbm:s2], $0x1  }
0x93: {  	_ =	swait.eq [sflag:s15], $0x1  }
0x94: {  	s16 =	sld [smem:$0x10];
	[sflag:s15] =	ssyncset.done $0x0  }
0x95: {  	s17 =	sld [smem:$0x11];
	[sflag:s15] =	ssyncadd.s32 $0xFFFFFFFF  }
0x96: {  	s18 =	sld [smem:$0x12];
	(tm) =	ssettm $0x1  }
0x97: {  	s5 =	sld [smem:$0x3FFB];
	_ =	sdelay $0x3  }
0x98: {  	_ =	strace s5  }
0x99: {  	s5 =	sld [smem:$0x3FFC];
	_ =	sdelay $0x3  }
0x9a: {  	_ =	strace s5  }
0x9b: {  	s5 =	sld [smem:$0x3FFD];
	_ =	sdelay $0x3  }
0x9c: {  	_ =	strace s5  }
0x9d: {  	_ =	strace $0x8FFFFFFF  }
0x9e: {  	s19 =	sld [smem:$0x3FDB];
	_ =	sdelay $0x1  }
0x9f: {  	s6 =	simm.s32 $_scs_section_size  }
0xa0: {  	s7 =	simm.s32 $_size__tile_overlayer_lowered;
	s8 =	simm.s32 $_tile_overlayer_lowered  }
0xa1: {  	s22 =	simm.s32 $0x1BFF;
	s21 =	sshll.u32 s8, $0x1;
	s5 =	sadd.s32 s6, s19  }
0xa2: {  	s9 =	simm.s32 $0x0;
	s20 =	sshll.u32 s7, $0x1;
	s7 =	sadd.s32 s21, s5  }
0xa3: {  	[timem:s9], [sflag:s22] =	dma.local [hbm:s7], s20  }
0xa4: {  	_ =	swait.ge [sflag:s22], s20  }
0xa5: {  	s6 =	ssub.s32 $0x0, s20;
	[sflag:s22] =	ssyncset.done $0x0  }
0xa6: {  	[sflag:s22] =	ssyncadd.s32 s6;
	_ =	sdelay $0x1  }
0xa7: {  	s23 =	simm.s32 $0x1B8B  }
0xa8: {  	_ =	swait.ge [sflag:s23], $0x1  }
0xa9: {  	[sflag:s23] =	ssyncset.done $0x0  }
0xaa: {  	s25 =	simm.s32 $0x1B8E;
	s24 =	sld [smem:$0x3FFE];
	[sflag:s23] =	ssyncadd.s32 $0xFFFFFFFF  }
0xab: {  	s26 =	simm.s32 $execute0_lowered;
	[smem:$0x3FD2] =	sst s25  }
0xac: {  	s7 =	sshll.u32 s26, $0x1;
	_ =	strace $0x80000049;
	[dreg:$0x1] =	wrdreg $0xFFFFFFFF  }
0xad: {  	s28 =	simm.s32 $_size_execute0_lowered;
	s5 =	sadd.s32 s5, s7;
	[dreg:$0x0] =	wrdreg $0x0  }
0xae: {  	s7 =	sshll.u32 s28, $0x1;
	[dreg:$0x2] =	wrdreg s5  }
0xaf: {  	[dreg:$0x3] =	wrdreg s7  }
0xb0: {  	[dreg:$0x4] =	wrdreg $0xC0  }
0xb1: {  	_ =	task [dreg:s9], $0x5FFFF  }
0xb2: {  	[dreg:$0x1] =	wrdreg $0xFFFFFFFF  }
0xb3: {  	[dreg:$0x0] =	wrdreg $0x60  }
0xb4: {  	[dreg:$0x2] =	wrdreg s18  }
0xb5: {  	[dreg:$0x3] =	wrdreg s17  }
0xb6: {  	[dreg:$0x4] =	wrdreg s24  }
0xb7: {  	[dreg:$0x5] =	wrdreg s16  }
0xb8: {  	[dreg:$0x6] =	wrdreg $0xA8000  }
0xb9: {  	[dreg:$0x7] =	wrdreg $0x9  }
0xba: {  	_ =	task.clear_ibuf [dreg:s9], $0x8FFFF;
	_ =	strace $0x90000049  }
0xbb: {  	s29 =	simm.s32 $0x9;
	_ =	strace $0x8000004B  }
0xbc: {  	_ =	swait.ge [sflag:s29], $0x1  }
0xbd: {  	[sflag:s29] =	ssyncadd.s32 $0xFFFFFFFF  }
0xbe: {  	_ =	strace $0x9000004B  }
0xbf: {  	_ =	sfence  }
0xc0: {  	s30 =	sld [smem:$0x0];
	_ =	sdelay $0x2  }
0xc1: {  	s31 =	sshll.u32 s1, $0xD;
	s1 =	sshrl.u32 s1, $0x2  }
0xc2: {  	s3 =	sand.u32 $0x4000, s31;
	s1 =	sadd.s32 s1, s30  }
0xc3: {  	s0 =	sor.u32 s3, s0;
	s1 =	sshll.u32 s1, $0x11  }
0xc4: {  	s0 =	sor.u32 s1, s0  }
0xc5: {  	s0 =	sadd.s32 $0x8F2B, s0  }
0xc6: {  	[sflag:s0] =	ssyncadd.remote.s32 $0x1  }
0xc7: {  	_ =	sfence.sel $0xFFFF  }
0xc8: {  	[dreg:$0x0] =	wrdreg $0xFFFFFFFF;
	(pc) =	sbr.abs _section_cstart, $3  }
0xc9: {  	[dreg:$0x1] =	wrdreg $0xFFFFFFFF  }
0xca: {  	_ =	task.clear_ibuf [dreg:s9], $0x2FFFF;
	_ =	strace $0x9FFFFFFF  }
0xcb: {  	(tm) =	ssettm $0x7FFFFFFF  }
tec
execute0_lowered:
.L_overlay_start_1:
0x0: {  	(tag) =	ssettag $0x1  }
0x1: {  	s1 =	rddreg [dreg:$0x0]  }
0x2: {  	s2 =	rddreg [dreg:$0x1]  }
0x3: {  	s7 =	rddreg [dreg:$0x2]  }
0x4: {  	s4 =	rddreg [dreg:$0x3]  }
0x5: {  	s5 =	rddreg [dreg:$0x4];
	s3 =	stileid.u32  }
0x6: {  	s6 =	simm.s32 $0x0;
	s9 =	srdreg.scid;
	s18 =	simm.s32 $0x5  }
0x7: {  	s19 =	simm.s32 $0x1400;
	s20 =	simm.s32 $0x80;
	s21 =	simm.s32 $0x6800  }
0x8: {  	s22 =	simm.s32 $0x1;
	s23 =	simm.s32 $0x2;
	s24 =	simm.s32 $0x3  }
0x9: {  	s25 =	simm.s32 $0x4;
	s26 =	simm.s32 $0x2700;
	s8 =	smul.u32 $0x500, s3  }
0xa: {  	s28 =	simm.s32 $0x2780;
	s29 =	simm.s32 $0x0;
	s30 =	smul.u32 $0x4F000, s3  }
0xb: {  	[smem:$0x7FF] =	sst s6;
	s17 =	sand.u32 $0x1, s9;
	s12 =	smul.u32 $0x2780, s3  }
0xc: {  	_ =	strace $0x8000004A;
	s10 =	ssub.s32 $0x2, s17;
	p0 =	seq.s32 s17, $0x0  }
.Ltmp0:
0xd: {  	s17 =	simm.s32 $0x2800;
	s11 =	sadd.s32 s8, s7;
	(pc) =	sbr.rel .LBB2_1-.Ltmp0, $4  }
0xe: {  	s31 =	sshrl.u32 s10, $0x1;
	s9 =	sshrl.u32 s30, $0x2;
	s7 =	sadd.s32 $0x34E00, s7  }
0xf: {  	s13 =	ssub.s32 s10, s31;
	s8 =	sadd.s32 s9, s5;
	s10 =	sadd.s32 $0x8C00, s11  }
0x10: {  	s11 =	sadd.s32 $0x3C00, s11;
	s9 =	sadd.s32 $0x10000, s8;
	s13 =	smax.u32 s13, $0x1  }
0x11: {  	v0 =	vimm.f32 $0.0e+00;
	s14 =	sadd.s32 $0x4000, s8;
	s15 =	sadd.s32 $0x8000, s8;
	s16 =	sadd.s32 $0xC000, s8  }
.LBB2_8:
0x12: {  	[tilespmem:s21], [sflag:$0x2] =	stream.indirect.gather [hbm4b:s2+s20], $0x80, s31, s20, $0xb8;
	[tilespmem:$0x1E400] =	vst v63  }
0x13: {  	s30 =	smov.u32 s7  }
.LBB2_14:
0x14: {  	_ =	swait.ge [sflag:s22], $0x4000  }
0x15: {  	[sflag:s22] =	ssyncset.done $0x0  }
0x16: {  	[sflag:s22] =	ssyncadd.s32 $0xFFFFC000  }
0x17: {  	[spmem:s5] =	stream.indirect.scatter.add.f32 [tilespmem:s17], [sflag:$0x5], $0x80, s26, s20, $0xb8;
	[tilespmem:$0x1E400] =	vst v63  }
0x18: {  	_ =	swait.ge [sflag:s18], $0x4000  }
0x19: {  	[sflag:s18] =	ssyncset.done $0x0  }
0x1a: {  	[sflag:s18] =	ssyncadd.s32 $0xFFFFC000  }
0x1b: {  	_ =	swait.ge [sflag:s23], $0x4000  }
0x1c: {  	[sflag:s23] =	ssyncset.done $0x0  }
0x1d: {  	[sflag:s23] =	ssyncadd.s32 $0xFFFFC000  }
0x1e: {  	[spmem:s5] =	stream.indirect.scatter.add.f32 [tilespmem:s21], [sflag:$0x5], $0x80, s28, s20, $0xb8;
	[tilespmem:$0x1E400] =	vst v63  }
0x1f: {  	s0 =	sadd.s32 s30, s12;
	_ =	swait.ge [sflag:s18], $0x4000  }
0x20: {  	s31 =	sshll.u32 s3, $0x6;
	s29 =	sadd.s32 $0x1, s29;
	[sflag:s18] =	ssyncset.done $0x0  }
0x21: {  	s30 =	sor.u32 $0x1C05, s31;
	p1 =	sne.s32 s29, s13;
	[sflag:s18] =	ssyncadd.s32 $0xFFFFC000  }
.Ltmp1:
0x22: {  	s31 =	sshrl.u32 s8, $0x3;
	[bflag:$0x0] =	sbarrier.arrive $0xFFFF;
	(pc) =	sbr.rel @!p1 .LBB2_15-.Ltmp1, $4  }
0x23: {  	[hbm:s0], [sflag:s30] =	dma.local [spmem:s31], $0x2780  }
0x24: {  	_ =	swait.ge [sflag:s18], $0x2780  }
0x25: {  	[sflag:s18] =	ssyncset.done $0x0  }
0x26: {  	[sflag:s18] =	ssyncadd.s32 $0xFFFFD880  }
.LBB2_1:
0x27: {  	s30 =	simm.s32 $0x0;
	s31 =	simm.s32 $0x200  }
.LBB2_2:
0x28: {  	p1 =	sne.s32 s31, $0xFE00;
	[tilespmem:s30+$0x2870] =	vst v0  }
0x29: {  	[tilespmem:s30+$0x2800] =	vst v0  }
0x2a: {  	[tilespmem:s30+$0x2810] =	vst v0  }
.Ltmp2:
0x2b: {  	[tilespmem:s30+$0x2820] =	vst v0;
	(pc) =	sbr.rel @p1 .LBB2_2-.Ltmp2, $4  }
0x2c: {  	[tilespmem:s30+$0x2830] =	vst v0  }
0x2d: {  	[tilespmem:s30+$0x2840] =	vst v0  }
0x2e: {  	[tilespmem:s30+$0x2850] =	vst v0  }
0x2f: {  	[tilespmem:s30+$0x2860] =	vst v0;
	s30 =	sshra.s32 s31, $0x2;
	s31 =	sadd.s32 $0x200, s31  }
0x30: {  	[tilespmem:s30+$0x2870] =	vst v0  }
0x31: {  	[tilespmem:s30+$0x2800] =	vst v0  }
0x32: {  	[tilespmem:s30+$0x2810] =	vst v0  }
0x33: {  	[tilespmem:s30+$0x2820] =	vst v0  }
0x34: {  	[tilespmem:s30+$0x2830] =	vst v0  }
0x35: {  	[tilespmem:s30+$0x2840] =	vst v0  }
0x36: {  	[tilespmem:s30+$0x2850] =	vst v0  }
0x37: {  	[tilespmem:s30+$0x2860] =	vst v0  }
0x38: {  	[spmem:s8] =	stream.linear.scatter [tilespmem:s17], [sflag:$0x5], $0x4000, $0x38;
	[tilespmem:$0x1E400] =	vst v63  }
0x39: {  	_ =	swait.ge [sflag:s18], $0x4000  }
0x3a: {  	[sflag:s18] =	ssyncset.done $0x0  }
0x3b: {  	[sflag:s18] =	ssyncadd.s32 $0xFFFFC000  }
0x3c: {  	[spmem:s14] =	stream.linear.scatter [tilespmem:s17], [sflag:$0x5], $0x4000, $0x38;
	[tilespmem:$0x1E400] =	vst v63  }
0x3d: {  	_ =	swait.ge [sflag:s18], $0x4000  }
0x3e: {  	[sflag:s18] =	ssyncset.done $0x0  }
0x3f: {  	[sflag:s18] =	ssyncadd.s32 $0xFFFFC000  }
0x40: {  	[spmem:s15] =	stream.linear.scatter [tilespmem:s17], [sflag:$0x5], $0x4000, $0x38;
	[tilespmem:$0x1E400] =	vst v63  }
0x41: {  	_ =	swait.ge [sflag:s18], $0x4000  }
0x42: {  	[sflag:s18] =	ssyncset.done $0x0  }
0x43: {  	[sflag:s18] =	ssyncadd.s32 $0xFFFFC000  }
0x44: {  	[spmem:s16] =	stream.linear.scatter [tilespmem:s17], [sflag:$0x5], $0x4000, $0x38;
	[tilespmem:$0x1E400] =	vst v63  }
0x45: {  	_ =	swait.ge [sflag:s18], $0x4000  }
0x46: {  	[sflag:s18] =	ssyncset.done $0x0  }
0x47: {  	[sflag:s18] =	ssyncadd.s32 $0xFFFFC000  }
0x48: {  	[spmem:s9] =	stream.linear.scatter [tilespmem:s17], [sflag:$0x5], $0x3C00, $0x38;
	[tilespmem:$0x1E400] =	vst v63  }
0x49: {  	_ =	swait.ge [sflag:s18], $0x3C00  }
0x4a: {  	[sflag:s18] =	ssyncset.done $0x0  }
0x4b: {  	[sflag:s18] =	ssyncadd.s32 $0xFFFFC400  }
0x4c: {  	[bflag:$0x0] =	sbarrier.arrive $0xFFFF  }
0x4d: {  	[tilespmem:s6], [sflag:$0x5] =	stream.linear.gather [hbm4b:s10+s6], $0x1400, $0x38;
	[tilespmem:$0x1E400] =	vst v63  }
0x4e: {  	_ =	swait.ge [sflag:s18], $0x1400  }
0x4f: {  	[sflag:s18] =	ssyncset.done $0x0  }
.Ltmp3:
0x50: {  	[sflag:s18] =	ssyncadd.s32 $0xFFFFEC00;
	(pc) =	sbr.rel @!p0 .LBB2_4-.Ltmp3, $4  }
0x51: {  	[tilespmem:s19], [sflag:$0x5] =	stream.linear.gather [hbm4b:s11+s6], $0x1400, $0x38;
	[tilespmem:$0x1E400] =	vst v63  }
0x52: {  	_ =	swait.ge [sflag:s18], $0x1400  }
0x53: {  	[sflag:s18] =	ssyncset.done $0x0  }
0x54: {  	s30 =	simm.s32 $0x0;
	[sflag:s18] =	ssyncadd.s32 $0xFFFFEC00  }
0x55: {  	[tilespmem:s17], [sflag:$0x1] =	stream.indirect.gather [hbm4b:s1+s20], $0x80, s30, s20, $0xb8;
	[tilespmem:$0x1E400] =	vst v63  }
0x56: {  	_ = 	snop  }
0x57: {  	[tilespmem:s21], [sflag:$0x2] =	stream.indirect.gather [hbm4b:s1+s20], $0x80, s20, s20, $0xb8;
	[tilespmem:$0x1E400] =	vst v63  }
0x58: {  	_ =	swait.ge [sflag:s22], $0x4000  }
0x59: {  	[sflag:s22] =	ssyncset.done $0x0  }
0x5a: {  	s30 =	simm.s32 $0x1400;
	[sflag:s22] =	ssyncadd.s32 $0xFFFFC000  }
0x5b: {  	[spmem:s5] =	stream.indirect.scatter.add.f32 [tilespmem:s17], [sflag:$0x3], $0x80, s30, s20, $0xb8;
	[tilespmem:$0x1E400] =	vst v63  }
0x5c: {  	_ =	swait.ge [sflag:s23], $0x4000  }
0x5d: {  	[sflag:s23] =	ssyncset.done $0x0  }
0x5e: {  	s30 =	simm.s32 $0x1480;
	[sflag:s23] =	ssyncadd.s32 $0xFFFFC000  }
0x5f: {  	[spmem:s5] =	stream.indirect.scatter.add.f32 [tilespmem:s21], [sflag:$0x4], $0x80, s30, s20, $0xb8;
	[tilespmem:$0x1E400] =	vst v63  }
0x60: {  	_ =	swait.ge [sflag:s24], $0x4000  }
0x61: {  	[sflag:s24] =	ssyncset.done $0x0  }
0x62: {  	s30 =	simm.s32 $0x100;
	[sflag:s24] =	ssyncadd.s32 $0xFFFFC000  }
0x63: {  	[tilespmem:s17], [sflag:$0x1] =	stream.indirect.gather [hbm4b:s1+s20], $0x80, s30, s20, $0xb8;
	[tilespmem:$0x1E400] =	vst v63  }
0x64: {  	_ =	swait.ge [sflag:s25], $0x4000  }
0x65: {  	[sflag:s25] =	ssyncset.done $0x0  }
0x66: {  	s31 =	simm.s32 $0x180;
	s30 =	simm.s32 $0x400;
	[sflag:s25] =	ssyncadd.s32 $0xFFFFC000  }
.LBB2_10:
0x67: {  	[tilespmem:s21], [sflag:$0x2] =	stream.indirect.gather [hbm4b:s1+s20], $0x80, s31, s20, $0xb8;
	[tilespmem:$0x1E400] =	vst v63  }
0x68: {  	s31 =	smov.u32 s30  }
0x69: {  	p1 =	sne.s32 s30, $0x4800;
	s30 =	sadd.s32 $0x400, s30;
	_ =	swait.ge [sflag:s22], $0x4000  }
0x6a: {  	s31 =	sshra.s32 s31, $0x2;
	[sflag:s22] =	ssyncset.done $0x0  }
0x6b: {  	s0 =	sadd.s32 $0x1400, s31;
	[sflag:s22] =	ssyncadd.s32 $0xFFFFC000  }
0x6c: {  	[spmem:s5] =	stream.indirect.scatter.add.f32 [tilespmem:s17], [sflag:$0x3], $0x80, s0, s20, $0xb8;
	[tilespmem:$0x1E400] =	vst v63  }
0x6d: {  	_ =	swait.ge [sflag:s23], $0x4000  }
0x6e: {  	[sflag:s23] =	ssyncset.done $0x0  }
0x6f: {  	s0 =	sadd.s32 $0x1480, s31;
	[sflag:s23] =	ssyncadd.s32 $0xFFFFC000  }
0x70: {  	[spmem:s5] =	stream.indirect.scatter.add.f32 [tilespmem:s21], [sflag:$0x4], $0x80, s0, s20, $0xb8;
	[tilespmem:$0x1E400] =	vst v63  }
0x71: {  	_ =	swait.ge [sflag:s24], $0x4000  }
0x72: {  	[sflag:s24] =	ssyncset.done $0x0  }
.Ltmp4:
0x73: {  	s0 =	sadd.s32 $0x100, s31;
	[sflag:s24] =	ssyncadd.s32 $0xFFFFC000;
	(pc) =	sbr.rel @p1 .LBB2_10-.Ltmp4, $4  }
0x74: {  	[tilespmem:s17], [sflag:$0x1] =	stream.indirect.gather [hbm4b:s1+s20], $0x80, s0, s20, $0xb8;
	[tilespmem:$0x1E400] =	vst v63  }
0x75: {  	_ =	swait.ge [sflag:s25], $0x4000  }
0x76: {  	[sflag:s25] =	ssyncset.done $0x0  }
0x77: {  	s31 =	sadd.s32 $0x180, s31;
	[sflag:s25] =	ssyncadd.s32 $0xFFFFC000  }
0x78: {  	[tilespmem:s21], [sflag:$0x2] =	stream.indirect.gather [hbm4b:s1+s20], $0x80, s31, s20, $0xb8;
	[tilespmem:$0x1E400] =	vst v63  }
0x79: {  	_ =	swait.ge [sflag:s22], $0x4000  }
0x7a: {  	[sflag:s22] =	ssyncset.done $0x0  }
0x7b: {  	[sflag:s22] =	ssyncadd.s32 $0xFFFFC000  }
0x7c: {  	[spmem:s5] =	stream.indirect.scatter.add.f32 [tilespmem:s17], [sflag:$0x5], $0x80, s26, s20, $0xb8;
	[tilespmem:$0x1E400] =	vst v63  }
0x7d: {  	_ =	swait.ge [sflag:s18], $0x4000  }
0x7e: {  	[sflag:s18] =	ssyncset.done $0x0  }
0x7f: {  	[sflag:s18] =	ssyncadd.s32 $0xFFFFC000  }
0x80: {  	_ =	swait.ge [sflag:s23], $0x4000  }
0x81: {  	[sflag:s23] =	ssyncset.done $0x0  }
0x82: {  	[sflag:s23] =	ssyncadd.s32 $0xFFFFC000  }
0x83: {  	[spmem:s5] =	stream.indirect.scatter.add.f32 [tilespmem:s21], [sflag:$0x5], $0x80, s28, s20, $0xb8;
	[tilespmem:$0x1E400] =	vst v63  }
0x84: {  	_ =	swait.ge [sflag:s18], $0x4000  }
0x85: {  	[sflag:s18] =	ssyncset.done $0x0  }
0x86: {  	s0 =	sadd.s32 $0x280, s10;
	s30 =	simm.s32 $0x0;
	[sflag:s18] =	ssyncadd.s32 $0xFFFFC000  }
0x87: {  	[tilespmem:s30], [sflag:$0x5] =	stream.linear.gather [hbm4b:s0+s30], $0x1400, $0x38;
	[tilespmem:$0x1E400] =	vst v63  }
0x88: {  	_ =	swait.ge [sflag:s18], $0x1400  }
0x89: {  	[sflag:s18] =	ssyncset.done $0x0  }
0x8a: {  	s0 =	sadd.s32 $0x280, s11;
	[sflag:s18] =	ssyncadd.s32 $0xFFFFEC00  }
0x8b: {  	[tilespmem:s19], [sflag:$0x5] =	stream.linear.gather [hbm4b:s0+s30], $0x1400, $0x38;
	[tilespmem:$0x1E400] =	vst v63  }
0x8c: {  	_ =	swait.ge [sflag:s18], $0x1400  }
0x8d: {  	[sflag:s18] =	ssyncset.done $0x0  }
0x8e: {  	[sflag:s18] =	ssyncadd.s32 $0xFFFFEC00  }
0x8f: {  	[tilespmem:s17], [sflag:$0x1] =	stream.indirect.gather [hbm4b:s1+s20], $0x80, s30, s20, $0xb8;
	[tilespmem:$0x1E400] =	vst v63  }
0x90: {  	_ = 	snop  }
0x91: {  	[tilespmem:s21], [sflag:$0x2] =	stream.indirect.gather [hbm4b:s1+s20], $0x80, s20, s20, $0xb8;
	[tilespmem:$0x1E400] =	vst v63  }
0x92: {  	_ =	swait.ge [sflag:s22], $0x4000  }
0x93: {  	[sflag:s22] =	ssyncset.done $0x0  }
0x94: {  	s0 =	simm.s32 $0x1400;
	[sflag:s22] =	ssyncadd.s32 $0xFFFFC000  }
0x95: {  	[spmem:s5] =	stream.indirect.scatter.add.f32 [tilespmem:s17], [sflag:$0x3], $0x80, s0, s20, $0xb8;
	[tilespmem:$0x1E400] =	vst v63  }
0x96: {  	_ =	swait.ge [sflag:s23], $0x4000  }
0x97: {  	[sflag:s23] =	ssyncset.done $0x0  }
0x98: {  	s0 =	simm.s32 $0x1480;
	[sflag:s23] =	ssyncadd.s32 $0xFFFFC000  }
0x99: {  	[spmem:s5] =	stream.indirect.scatter.add.f32 [tilespmem:s21], [sflag:$0x4], $0x80, s0, s20, $0xb8;
	[tilespmem:$0x1E400] =	vst v63  }
0x9a: {  	_ =	swait.ge [sflag:s24], $0x4000  }
0x9b: {  	[sflag:s24] =	ssyncset.done $0x0  }
0x9c: {  	s0 =	simm.s32 $0x100;
	[sflag:s24] =	ssyncadd.s32 $0xFFFFC000  }
0x9d: {  	[tilespmem:s17], [sflag:$0x1] =	stream.indirect.gather [hbm4b:s1+s20], $0x80, s0, s20, $0xb8;
	[tilespmem:$0x1E400] =	vst v63  }
0x9e: {  	_ =	swait.ge [sflag:s25], $0x4000  }
0x9f: {  	[sflag:s25] =	ssyncset.done $0x0  }
0xa0: {  	s31 =	simm.s32 $0x180;
	s30 =	simm.s32 $0x400;
	[sflag:s25] =	ssyncadd.s32 $0xFFFFC000  }
.LBB2_12:
0xa1: {  	[tilespmem:s21], [sflag:$0x2] =	stream.indirect.gather [hbm4b:s1+s20], $0x80, s31, s20, $0xb8;
	[tilespmem:$0x1E400] =	vst v63  }
0xa2: {  	s0 =	smov.u32 s30  }
0xa3: {  	p1 =	seq.s32 s30, $0x4800;
	s30 =	sadd.s32 $0x400, s30;
	_ =	swait.ge [sflag:s22], $0x4000  }
0xa4: {  	s0 =	sshra.s32 s0, $0x2;
	[sflag:s22] =	ssyncset.done $0x0  }
0xa5: {  	s31 =	sadd.s32 $0x1400, s0;
	[sflag:s22] =	ssyncadd.s32 $0xFFFFC000  }
0xa6: {  	[spmem:s5] =	stream.indirect.scatter.add.f32 [tilespmem:s17], [sflag:$0x3], $0x80, s31, s20, $0xb8;
	[tilespmem:$0x1E400] =	vst v63  }
0xa7: {  	_ =	swait.ge [sflag:s23], $0x4000  }
0xa8: {  	[sflag:s23] =	ssyncset.done $0x0  }
0xa9: {  	s31 =	sadd.s32 $0x1480, s0;
	[sflag:s23] =	ssyncadd.s32 $0xFFFFC000  }
0xaa: {  	[spmem:s5] =	stream.indirect.scatter.add.f32 [tilespmem:s21], [sflag:$0x4], $0x80, s31, s20, $0xb8;
	[tilespmem:$0x1E400] =	vst v63  }
0xab: {  	_ =	swait.ge [sflag:s24], $0x4000  }
0xac: {  	[sflag:s24] =	ssyncset.done $0x0  }
.Ltmp5:
0xad: {  	s31 =	sadd.s32 $0x100, s0;
	[sflag:s24] =	ssyncadd.s32 $0xFFFFC000;
	(pc) =	sbr.rel @!p1 .LBB2_12-.Ltmp5, $4  }
0xae: {  	[tilespmem:s17], [sflag:$0x1] =	stream.indirect.gather [hbm4b:s1+s20], $0x80, s31, s20, $0xb8;
	[tilespmem:$0x1E400] =	vst v63  }
0xaf: {  	_ =	swait.ge [sflag:s25], $0x4000  }
0xb0: {  	[sflag:s25] =	ssyncset.done $0x0  }
0xb1: {  	s31 =	sadd.s32 $0x180, s0;
	[sflag:s25] =	ssyncadd.s32 $0xFFFFC000  }
.Ltmp6:
0xb2: {  	(pc) =	sbr.rel .LBB2_14-.Ltmp6, $3  }
0xb3: {  	_ =	sdelay $0x1  }
0xb4: {  	[tilespmem:s21], [sflag:$0x2] =	stream.indirect.gather [hbm4b:s1+s20], $0x80, s31, s20, $0xb8;
	[tilespmem:$0x1E400] =	vst v63  }
0xb5: {  	s30 =	smov.u32 s4  }
.LBB2_4:
0xb6: {  	[tilespmem:s17], [sflag:$0x1] =	stream.indirect.gather [hbm4b:s2+s20], $0x80, s30, s20, $0xb8;
	[tilespmem:$0x1E400] =	vst v63  }
0xb7: {  	_ = 	snop  }
0xb8: {  	[tilespmem:s21], [sflag:$0x2] =	stream.indirect.gather [hbm4b:s2+s20], $0x80, s20, s20, $0xb8;
	[tilespmem:$0x1E400] =	vst v63  }
0xb9: {  	_ =	swait.ge [sflag:s22], $0x4000  }
0xba: {  	[sflag:s22] =	ssyncset.done $0x0  }
0xbb: {  	s0 =	simm.s32 $0x1400;
	[sflag:s22] =	ssyncadd.s32 $0xFFFFC000  }
0xbc: {  	[spmem:s5] =	stream.indirect.scatter.add.f32 [tilespmem:s17], [sflag:$0x3], $0x80, s0, s20, $0xb8;
	[tilespmem:$0x1E400] =	vst v63  }
0xbd: {  	_ =	swait.ge [sflag:s23], $0x4000  }
0xbe: {  	[sflag:s23] =	ssyncset.done $0x0  }
0xbf: {  	s0 =	simm.s32 $0x1480;
	[sflag:s23] =	ssyncadd.s32 $0xFFFFC000  }
0xc0: {  	[spmem:s5] =	stream.indirect.scatter.add.f32 [tilespmem:s21], [sflag:$0x4], $0x80, s0, s20, $0xb8;
	[tilespmem:$0x1E400] =	vst v63  }
0xc1: {  	_ =	swait.ge [sflag:s24], $0x4000  }
0xc2: {  	[sflag:s24] =	ssyncset.done $0x0  }
0xc3: {  	s0 =	simm.s32 $0x100;
	[sflag:s24] =	ssyncadd.s32 $0xFFFFC000  }
0xc4: {  	[tilespmem:s17], [sflag:$0x1] =	stream.indirect.gather [hbm4b:s2+s20], $0x80, s0, s20, $0xb8;
	[tilespmem:$0x1E400] =	vst v63  }
0xc5: {  	_ =	swait.ge [sflag:s25], $0x4000  }
0xc6: {  	[sflag:s25] =	ssyncset.done $0x0  }
0xc7: {  	s30 =	simm.s32 $0x400;
	s31 =	simm.s32 $0x180;
	[sflag:s25] =	ssyncadd.s32 $0xFFFFC000  }
.LBB2_5:
0xc8: {  	[tilespmem:s21], [sflag:$0x2] =	stream.indirect.gather [hbm4b:s2+s20], $0x80, s31, s20, $0xb8;
	[tilespmem:$0x1E400] =	vst v63  }
0xc9: {  	s0 =	smov.u32 s30  }
0xca: {  	p1 =	sne.s32 s30, $0x4800;
	s30 =	sadd.s32 $0x400, s30;
	_ =	swait.ge [sflag:s22], $0x4000  }
0xcb: {  	s0 =	sshra.s32 s0, $0x2;
	[sflag:s22] =	ssyncset.done $0x0  }
0xcc: {  	s31 =	sadd.s32 $0x1400, s0;
	[sflag:s22] =	ssyncadd.s32 $0xFFFFC000  }
0xcd: {  	[spmem:s5] =	stream.indirect.scatter.add.f32 [tilespmem:s17], [sflag:$0x3], $0x80, s31, s20, $0xb8;
	[tilespmem:$0x1E400] =	vst v63  }
0xce: {  	_ =	swait.ge [sflag:s23], $0x4000  }
0xcf: {  	[sflag:s23] =	ssyncset.done $0x0  }
0xd0: {  	s31 =	sadd.s32 $0x1480, s0;
	[sflag:s23] =	ssyncadd.s32 $0xFFFFC000  }
0xd1: {  	[spmem:s5] =	stream.indirect.scatter.add.f32 [tilespmem:s21], [sflag:$0x4], $0x80, s31, s20, $0xb8;
	[tilespmem:$0x1E400] =	vst v63  }
0xd2: {  	_ =	swait.ge [sflag:s24], $0x4000  }
0xd3: {  	[sflag:s24] =	ssyncset.done $0x0  }
.Ltmp7:
0xd4: {  	s31 =	sadd.s32 $0x100, s0;
	[sflag:s24] =	ssyncadd.s32 $0xFFFFC000;
	(pc) =	sbr.rel @p1 .LBB2_5-.Ltmp7, $4  }
0xd5: {  	[tilespmem:s17], [sflag:$0x1] =	stream.indirect.gather [hbm4b:s2+s20], $0x80, s31, s20, $0xb8;
	[tilespmem:$0x1E400] =	vst v63  }
0xd6: {  	_ =	swait.ge [sflag:s25], $0x4000  }
0xd7: {  	[sflag:s25] =	ssyncset.done $0x0  }
0xd8: {  	s31 =	sadd.s32 $0x180, s0;
	[sflag:s25] =	ssyncadd.s32 $0xFFFFC000  }
0xd9: {  	[tilespmem:s21], [sflag:$0x2] =	stream.indirect.gather [hbm4b:s2+s20], $0x80, s31, s20, $0xb8;
	[tilespmem:$0x1E400] =	vst v63  }
0xda: {  	_ =	swait.ge [sflag:s22], $0x4000  }
0xdb: {  	[sflag:s22] =	ssyncset.done $0x0  }
0xdc: {  	[sflag:s22] =	ssyncadd.s32 $0xFFFFC000  }
0xdd: {  	[spmem:s5] =	stream.indirect.scatter.add.f32 [tilespmem:s17], [sflag:$0x5], $0x80, s26, s20, $0xb8;
	[tilespmem:$0x1E400] =	vst v63  }
0xde: {  	_ =	swait.ge [sflag:s18], $0x4000  }
0xdf: {  	[sflag:s18] =	ssyncset.done $0x0  }
0xe0: {  	[sflag:s18] =	ssyncadd.s32 $0xFFFFC000  }
0xe1: {  	_ =	swait.ge [sflag:s23], $0x4000  }
0xe2: {  	[sflag:s23] =	ssyncset.done $0x0  }
0xe3: {  	[sflag:s23] =	ssyncadd.s32 $0xFFFFC000  }
0xe4: {  	[spmem:s5] =	stream.indirect.scatter.add.f32 [tilespmem:s21], [sflag:$0x5], $0x80, s28, s20, $0xb8;
	[tilespmem:$0x1E400] =	vst v63  }
0xe5: {  	_ =	swait.ge [sflag:s18], $0x4000  }
0xe6: {  	[sflag:s18] =	ssyncset.done $0x0  }
0xe7: {  	s0 =	sadd.s32 $0x280, s10;
	s30 =	simm.s32 $0x0;
	[sflag:s18] =	ssyncadd.s32 $0xFFFFC000  }
0xe8: {  	[tilespmem:s30], [sflag:$0x5] =	stream.linear.gather [hbm4b:s0+s30], $0x1400, $0x38;
	[tilespmem:$0x1E400] =	vst v63  }
0xe9: {  	_ =	swait.ge [sflag:s18], $0x1400  }
0xea: {  	[sflag:s18] =	ssyncset.done $0x0  }
0xeb: {  	s0 =	sadd.s32 $0x280, s11;
	[sflag:s18] =	ssyncadd.s32 $0xFFFFEC00  }
0xec: {  	[tilespmem:s19], [sflag:$0x5] =	stream.linear.gather [hbm4b:s0+s30], $0x1400, $0x38;
	[tilespmem:$0x1E400] =	vst v63  }
0xed: {  	_ =	swait.ge [sflag:s18], $0x1400  }
0xee: {  	[sflag:s18] =	ssyncset.done $0x0  }
0xef: {  	[sflag:s18] =	ssyncadd.s32 $0xFFFFEC00  }
0xf0: {  	[tilespmem:s17], [sflag:$0x1] =	stream.indirect.gather [hbm4b:s2+s20], $0x80, s30, s20, $0xb8;
	[tilespmem:$0x1E400] =	vst v63  }
0xf1: {  	_ = 	snop  }
0xf2: {  	[tilespmem:s21], [sflag:$0x2] =	stream.indirect.gather [hbm4b:s2+s20], $0x80, s20, s20, $0xb8;
	[tilespmem:$0x1E400] =	vst v63  }
0xf3: {  	_ =	swait.ge [sflag:s22], $0x4000  }
0xf4: {  	[sflag:s22] =	ssyncset.done $0x0  }
0xf5: {  	s0 =	simm.s32 $0x1400;
	[sflag:s22] =	ssyncadd.s32 $0xFFFFC000  }
0xf6: {  	[spmem:s5] =	stream.indirect.scatter.add.f32 [tilespmem:s17], [sflag:$0x3], $0x80, s0, s20, $0xb8;
	[tilespmem:$0x1E400] =	vst v63  }
0xf7: {  	_ =	swait.ge [sflag:s23], $0x4000  }
0xf8: {  	[sflag:s23] =	ssyncset.done $0x0  }
0xf9: {  	s0 =	simm.s32 $0x1480;
	[sflag:s23] =	ssyncadd.s32 $0xFFFFC000  }
0xfa: {  	[spmem:s5] =	stream.indirect.scatter.add.f32 [tilespmem:s21], [sflag:$0x4], $0x80, s0, s20, $0xb8;
	[tilespmem:$0x1E400] =	vst v63  }
0xfb: {  	_ =	swait.ge [sflag:s24], $0x4000  }
0xfc: {  	[sflag:s24] =	ssyncset.done $0x0  }
0xfd: {  	s0 =	simm.s32 $0x100;
	[sflag:s24] =	ssyncadd.s32 $0xFFFFC000  }
0xfe: {  	[tilespmem:s17], [sflag:$0x1] =	stream.indirect.gather [hbm4b:s2+s20], $0x80, s0, s20, $0xb8;
	[tilespmem:$0x1E400] =	vst v63  }
0xff: {  	_ =	swait.ge [sflag:s25], $0x4000  }
0x100: {  	[sflag:s25] =	ssyncset.done $0x0  }
0x101: {  	s31 =	simm.s32 $0x180;
	s30 =	simm.s32 $0x400;
	[sflag:s25] =	ssyncadd.s32 $0xFFFFC000  }
.LBB2_7:
0x102: {  	[tilespmem:s21], [sflag:$0x2] =	stream.indirect.gather [hbm4b:s2+s20], $0x80, s31, s20, $0xb8;
	[tilespmem:$0x1E400] =	vst v63  }
0x103: {  	s0 =	smov.u32 s30  }
0x104: {  	p1 =	sne.s32 s30, $0x4800;
	s30 =	sadd.s32 $0x400, s30;
	_ =	swait.ge [sflag:s22], $0x4000  }
0x105: {  	s0 =	sshra.s32 s0, $0x2;
	[sflag:s22] =	ssyncset.done $0x0  }
0x106: {  	s31 =	sadd.s32 $0x1400, s0;
	[sflag:s22] =	ssyncadd.s32 $0xFFFFC000  }
0x107: {  	[spmem:s5] =	stream.indirect.scatter.add.f32 [tilespmem:s17], [sflag:$0x3], $0x80, s31, s20, $0xb8;
	[tilespmem:$0x1E400] =	vst v63  }
0x108: {  	_ =	swait.ge [sflag:s23], $0x4000  }
0x109: {  	[sflag:s23] =	ssyncset.done $0x0  }
0x10a: {  	s31 =	sadd.s32 $0x1480, s0;
	[sflag:s23] =	ssyncadd.s32 $0xFFFFC000  }
0x10b: {  	[spmem:s5] =	stream.indirect.scatter.add.f32 [tilespmem:s21], [sflag:$0x4], $0x80, s31, s20, $0xb8;
	[tilespmem:$0x1E400] =	vst v63  }
0x10c: {  	_ =	swait.ge [sflag:s24], $0x4000  }
0x10d: {  	[sflag:s24] =	ssyncset.done $0x0  }
.Ltmp8:
0x10e: {  	s31 =	sadd.s32 $0x100, s0;
	[sflag:s24] =	ssyncadd.s32 $0xFFFFC000;
	(pc) =	sbr.rel @p1 .LBB2_7-.Ltmp8, $4  }
0x10f: {  	[tilespmem:s17], [sflag:$0x1] =	stream.indirect.gather [hbm4b:s2+s20], $0x80, s31, s20, $0xb8;
	[tilespmem:$0x1E400] =	vst v63  }
0x110: {  	_ =	swait.ge [sflag:s25], $0x4000  }
0x111: {  	[sflag:s25] =	ssyncset.done $0x0  }
0x112: {  	s31 =	sadd.s32 $0x180, s0;
	[sflag:s25] =	ssyncadd.s32 $0xFFFFC000  }
.Ltmp9:
0x113: {  	_ = 	snop;
	(pc) =	sbr.rel .LBB2_8-.Ltmp9, $1  }
0x114: {  	_ =	sdelay $0x3  }
.LBB2_15:
0x115: {  	_ =	sfence.sel $0x180000  }
0x116: {  	[bflag:$0x0] =	sbarrier.arrive $0xFFFF  }
0x117: {  	_ =	strace $0x9000004A  }
0x118: {  	[bflag:$0x2] =	sbarrier.arrive $0xFFFF  }
0x119: {  	p0 =	sne.s32 s3, $0x0;
	s0 =	rddreg [dreg:$0x5]  }
0x11a: {  	s0 =	sadd.s32 @!p0 $0x100000, s0  }
0x11b: {  	[sflag:s0] =	ssyncadd.tile.s32 @!p0 $0x1;
	_ =	shalt  }
.Lfunc_end2:
_tile_overlayer_lowered:
.L_overlay_start_2:
0x11c: {  	(tag) =	ssettag $0x2  }
0x11d: {  	s0 =	rddreg [dreg:$0x0];
	s2 =	stileid.u32  }
0x11e: {  	s1 =	rddreg [dreg:$0x1];
	p0 =	sne.s32 s2, $0x0  }
0x11f: {  	s3 =	rddreg [dreg:$0x2];
	[bflag:$0x3] =	sbarrier.arrive $0xFFFF;
	s2 =	simm.s32 @!p0 $0x1C05  }
0x120: {  	[timem:s3], [sflag:s2] =	dma.local @!p0 [hbm:s0], s1  }
0x121: {  	s0 =	simm.s32 @!p0 $0x5  }
0x122: {  	_ =	swait.ge @!p0 [sflag:s0], s1  }
0x123: {  	s1 =	ssub.s32 @!p0 $0x0, s1;
	[sflag:s0] =	ssyncset.done @!p0 $0x0  }
0x124: {  	[sflag:s0] =	ssyncadd.s32 @!p0 s1  }
0x125: {  	[bflag:$0x3] =	sbarrier.arrive $0xFFFF  }
0x126: {  	_ =	shalt  }

// kernel: kernel.16.cloned.1.call-start
scs
__scs_entry_jumppad:
0x0: {  	(pc) =	sbr.rel $0x88, $3  }
0x1: {  	(tag) =	ssettag $0x0;
	lr =	simm.s32 $0x1  }
0x2: {  	[smem:$0x3F98] =	sst lr;
	_ =	strace $0xD0000000  }
0x3: {  	_ = 	snop  }
0x4: {  	_ = 	snop  }
0x5: {  	_ = 	snop  }
0x6: {  	_ = 	snop  }
0x7: {  	_ = 	snop  }
__scs_overlays_trampoline_lowered:
0x8: {  	[smem:$0x3FA7] =	sst s0  }
0x9: {  	[smem:$0x3FA8] =	sst s1  }
0xa: {  	[smem:$0x3FA9] =	sst s2  }
0xb: {  	[smem:$0x3FAA] =	sst s3  }
0xc: {  	[smem:$0x3FAB] =	sst s4  }
0xd: {  	[smem:$0x3FAC] =	sst s5  }
0xe: {  	[smem:$0x3FAD] =	sst s6  }
0xf: {  	[smem:$0x3FAE] =	sst s7  }
0x10: {  	[smem:$0x3FAF] =	sst s8  }
0x11: {  	[smem:$0x3FB0] =	sst s9;
	s0 =	simm.s32 @!p0 $0x0  }
0x12: {  	s1 =	sld [smem:$0x3F96];
	s0 =	simm.s32 @p0 $0x1  }
0x13: {  	[smem:$0x3FB1] =	sst s0;
	s0 =	simm.s32 @!p1 $0x0  }
0x14: {  	s2 =	sld [smem:$0x3F95];
	s0 =	simm.s32 @p1 $0x1  }
0x15: {  	[smem:$0x3FB2] =	sst s0;
	s0 =	simm.s32 @!p2 $0x0  }
0x16: {  	s3 =	sld [smem:$0x3FDB];
	s0 =	simm.s32 @p2 $0x1  }
0x17: {  	s4 =	simm.s32 $0x1BF5;
	[smem:$0x3FB4] =	sst s0  }
0x18: {  	s0 =	sld [smem:$0x3F97];
	_ =	swait.ge [sflag:s4], $0x0  }
0x19: {  	s7 =	sld [smem:$0x3F98]  }
0x1a: {  	s8 =	sadd.s32 $0xFFFFE003, lr  }
0x1b: {  	s9 =	sadd.s32 $0xFFFFFEF7, lr;
	s5 =	simm.s32 $0xFFFFFFFF;
	p2 =	slt.u32 s8, $0xFFFFF086  }
0x1c: {  	p1 =	slt.u32 s9, $0xF7A;
	s5 =	simm.s32 @!p2 $0x0  }
0x1d: {  	s5 =	simm.s32 @p1 $0x1;
	p0 =	seq.s32 s7, s2  }
0x1e: {  	s7 =	smul.u32 @!p0 $0xF7A, s2;
	p2 =	seq.s32 @!p0 s5, $0x0  }
0x1f: {  	s9 =	smul.u32 $0xF7A, s1;
	s8 =	simm.s32 @!p0 $0x1BF5;
	p2 =	por !p2, p0  }
0x20: {  	[sflag:s8] =	ssyncset.s32 @!p0 $0xFFFFF086;
	s6 =	sadd.s32 @!p0 s3, s7;
	s7 =	simm.s32 @!p0 $0x108  }
0x21: {  	s3 =	sadd.s32 s3, s9;
	s6 =	sadd.s32 @!p0 $0x88, s6;
	s7 =	simm.s32 @p2 $0x1082  }
0x22: {  	[simem:s7], [sflag:s8] =	dma.local @!p0 [hbm:s6], $0xF7A  }
0x23: {  	s9 =	sor.u32 $0xD0000000, s2;
	s6 =	simm.s32 $0x108;
	_ =	swait.ge @!p0 [sflag:s8], $0x0  }
0x24: {  	s3 =	sadd.s32 $0x88, s3;
	s6 =	simm.s32 @!p1 $0x1082;
	[sflag:s4] =	ssyncset.s32 $0xFFFFF086  }
0x25: {  	[simem:s6], [sflag:s4] =	dma.local [hbm:s3], $0xF7A  }
0x26: {  	[smem:$0x3F98] =	sst s1;
	(tag) =	ssettag s2;
	_ =	strace s9  }
0x27: {  	s1 =	sld [smem:$0x3FA8]  }
0x28: {  	s2 =	sld [smem:$0x3FA9]  }
0x29: {  	s4 =	sld [smem:$0x3FAB]  }
0x2a: {  	p0 =	seq.s32 s5, $0x0;
	s5 =	sld [smem:$0x3FAC]  }
0x2b: {  	s6 =	sld [smem:$0x3FAD]  }
0x2c: {  	s7 =	sld [smem:$0x3FAE]  }
0x2d: {  	s3 =	simm.s32 $0x108;
	s8 =	sld [smem:$0x3FAF]  }
0x2e: {  	s3 =	simm.s32 @!p0 $0x1082;
	s9 =	sld [smem:$0x3FB0]  }
0x2f: {  	lr =	sadd.s32 s0, s3;
	s0 =	sld [smem:$0x3FA7]  }
0x30: {  	s3 =	sld [smem:$0x3FAA]  }
0x31: {  	[smem:$0x3FB3] =	sst s10  }
0x32: {  	s10 =	sld [smem:$0x3FB1];
	_ =	sdelay $0x3  }
0x33: {  	p0 =	seq.s32 s10, $0x1;
	s10 =	sld [smem:$0x3FB3];
	_ =	sdelay $0x3  }
0x34: {  	[smem:$0x3FB3] =	sst s10  }
0x35: {  	s10 =	sld [smem:$0x3FB2];
	_ =	sdelay $0x3  }
0x36: {  	p1 =	seq.s32 s10, $0x1;
	s10 =	sld [smem:$0x3FB3];
	_ =	sdelay $0x3  }
0x37: {  	[smem:$0x3FB3] =	sst s10  }
0x38: {  	s10 =	sld [smem:$0x3FB4]  }
0x39: {  	_ = 	snop;
	(pc) =	sbr.ind lr, $3  }
0x3a: {  	_ = 	snop  }
0x3b: {  	_ = 	snop  }
0x3c: {  	p2 =	seq.s32 s10, $0x1;
	s10 =	sld [smem:$0x3FB3]  }
0x3d: {  	_ =	shalt  }
0x3e: {  	_ =	shalt  }
0x3f: {  	_ =	shalt  }
0x40: {  	_ =	shalt  }
0x41: {  	_ =	shalt  }
0x42: {  	_ =	shalt  }
0x43: {  	_ =	shalt  }
0x44: {  	_ =	shalt  }
0x45: {  	_ =	shalt  }
0x46: {  	_ =	shalt  }
0x47: {  	_ =	shalt  }
0x48: {  	_ =	shalt  }
0x49: {  	_ =	shalt  }
0x4a: {  	_ =	shalt  }
0x4b: {  	_ =	shalt  }
0x4c: {  	_ =	shalt  }
0x4d: {  	_ =	shalt  }
0x4e: {  	_ =	shalt  }
0x4f: {  	_ =	shalt  }
0x50: {  	_ =	shalt  }
0x51: {  	_ =	shalt  }
0x52: {  	_ =	shalt  }
0x53: {  	_ =	shalt  }
0x54: {  	_ =	shalt  }
0x55: {  	_ =	shalt  }
0x56: {  	_ =	shalt  }
0x57: {  	_ =	shalt  }
0x58: {  	_ =	shalt  }
0x59: {  	_ =	shalt  }
0x5a: {  	_ =	shalt  }
0x5b: {  	_ =	shalt  }
0x5c: {  	_ =	shalt  }
0x5d: {  	_ =	shalt  }
0x5e: {  	_ =	shalt  }
0x5f: {  	_ =	shalt  }
0x60: {  	_ =	shalt  }
0x61: {  	_ =	shalt  }
0x62: {  	_ =	shalt  }
0x63: {  	_ =	shalt  }
0x64: {  	_ =	shalt  }
0x65: {  	_ =	shalt  }
0x66: {  	_ =	shalt  }
0x67: {  	_ =	shalt  }
0x68: {  	_ =	shalt  }
0x69: {  	_ =	shalt  }
0x6a: {  	_ =	shalt  }
0x6b: {  	_ =	shalt  }
0x6c: {  	_ =	shalt  }
0x6d: {  	_ =	shalt  }
0x6e: {  	_ =	shalt  }
0x6f: {  	_ =	shalt  }
0x70: {  	_ =	shalt  }
0x71: {  	_ =	shalt  }
0x72: {  	_ =	shalt  }
0x73: {  	_ =	shalt  }
0x74: {  	_ =	shalt  }
0x75: {  	_ =	shalt  }
0x76: {  	_ =	shalt  }
0x77: {  	_ =	shalt  }
0x78: {  	_ =	shalt  }
0x79: {  	_ =	shalt  }
0x7a: {  	_ =	shalt  }
0x7b: {  	_ =	shalt  }
0x7c: {  	_ =	shalt  }
0x7d: {  	_ =	shalt  }
0x7e: {  	_ =	shalt  }
0x7f: {  	_ =	shalt  }
0x80: {  	_ =	shalt  }
0x81: {  	_ =	shalt  }
0x82: {  	_ =	shalt  }
0x83: {  	_ =	shalt  }
0x84: {  	_ =	shalt  }
0x85: {  	_ =	shalt  }
0x86: {  	_ =	shalt  }
0x87: {  	_ =	shalt  }
.Lfunc_end0:
.L_simem_size_0:
called_computation.2_lowered:
.L_overlay_start_0:
0x88: {  	s2 =	sld [smem:$0x3FD9]  }
0x89: {  	s3 =	sld [smem:$0x3FFE];
	_ =	sdelay $0x1  }
0x8a: {  	s1 =	srdreg.scid  }
0x8b: {  	s0 =	sand.u32 $0x1, s1  }
0x8c: {  	s14 =	sshll.u32 s0, $0xA;
	s2 =	sadd.s32 s3, s2  }
0x8d: {  	s2 =	sadd.s32 s2, s14  }
0x8e: {  	[smem:$0x3FBF] =	sst s2  }
0x8f: {  	_ = 	snop  }
0x90: {  	s2 =	sld [smem:$0x3FD0];
	_ =	sdelay $0x2  }
0x91: {  	s15 =	simm.s32 $0xA;
	s4 =	simm.s32 $0x10  }
0x92: {  	[smem:s4], [sflag:s15] =	dma.local [hbm:s2], $0x1  }
0x93: {  	_ =	swait.eq [sflag:s15], $0x1  }
0x94: {  	s16 =	sld [smem:$0x10];
	[sflag:s15] =	ssyncset.done $0x0  }
0x95: {  	s17 =	sld [smem:$0x11];
	[sflag:s15] =	ssyncadd.s32 $0xFFFFFFFF  }
0x96: {  	s18 =	sld [smem:$0x12];
	(tm) =	ssettm $0x1  }
0x97: {  	s5 =	sld [smem:$0x3FFB];
	_ =	sdelay $0x3  }
0x98: {  	_ =	strace s5  }
0x99: {  	s5 =	sld [smem:$0x3FFC];
	_ =	sdelay $0x3  }
0x9a: {  	_ =	strace s5  }
0x9b: {  	s5 =	sld [smem:$0x3FFD];
	_ =	sdelay $0x3  }
0x9c: {  	_ =	strace s5  }
0x9d: {  	_ =	strace $0x8FFFFFFF  }
0x9e: {  	s19 =	sld [smem:$0x3FDB];
	_ =	sdelay $0x1  }
0x9f: {  	s6 =	simm.s32 $_scs_section_size  }
0xa0: {  	s7 =	simm.s32 $_size__tile_overlayer_lowered;
	s8 =	simm.s32 $_tile_overlayer_lowered  }
0xa1: {  	s22 =	simm.s32 $0x1BFF;
	s21 =	sshll.u32 s8, $0x1;
	s5 =	sadd.s32 s6, s19  }
0xa2: {  	s9 =	simm.s32 $0x0;
	s20 =	sshll.u32 s7, $0x1;
	s7 =	sadd.s32 s21, s5  }
0xa3: {  	[timem:s9], [sflag:s22] =	dma.local [hbm:s7], s20  }
0xa4: {  	_ =	swait.ge [sflag:s22], s20  }
0xa5: {  	s6 =	ssub.s32 $0x0, s20;
	[sflag:s22] =	ssyncset.done $0x0  }
0xa6: {  	[sflag:s22] =	ssyncadd.s32 s6;
	_ =	sdelay $0x1  }
0xa7: {  	s23 =	simm.s32 $0x1B8B  }
0xa8: {  	_ =	swait.ge [sflag:s23], $0x1  }
0xa9: {  	[sflag:s23] =	ssyncset.done $0x0  }
0xaa: {  	s25 =	simm.s32 $0x1B8E;
	s24 =	sld [smem:$0x3FFE];
	[sflag:s23] =	ssyncadd.s32 $0xFFFFFFFF  }
0xab: {  	s26 =	simm.s32 $execute0_lowered;
	[smem:$0x3FD2] =	sst s25  }
0xac: {  	s7 =	sshll.u32 s26, $0x1;
	_ =	strace $0x8000004C;
	[dreg:$0x1] =	wrdreg $0xFFFFFFFF  }
0xad: {  	s28 =	simm.s32 $_size_execute0_lowered;
	s5 =	sadd.s32 s5, s7;
	[dreg:$0x0] =	wrdreg $0x0  }
0xae: {  	s7 =	sshll.u32 s28, $0x1;
	[dreg:$0x2] =	wrdreg s5  }
0xaf: {  	[dreg:$0x3] =	wrdreg s7  }
0xb0: {  	[dreg:$0x4] =	wrdreg $0xC0  }
0xb1: {  	_ =	task [dreg:s9], $0x5FFFF  }
0xb2: {  	[dreg:$0x1] =	wrdreg $0xFFFFFFFF  }
0xb3: {  	[dreg:$0x0] =	wrdreg $0x60  }
0xb4: {  	[dreg:$0x2] =	wrdreg s18  }
0xb5: {  	[dreg:$0x3] =	wrdreg s17  }
0xb6: {  	[dreg:$0x4] =	wrdreg s24  }
0xb7: {  	[dreg:$0x5] =	wrdreg s16  }
0xb8: {  	[dreg:$0x6] =	wrdreg $0xA8000  }
0xb9: {  	[dreg:$0x7] =	wrdreg $0x9  }
0xba: {  	_ =	task.clear_ibuf [dreg:s9], $0x8FFFF;
	_ =	strace $0x9000004C  }
0xbb: {  	s29 =	simm.s32 $0x9;
	_ =	strace $0x8000004E  }
0xbc: {  	_ =	swait.ge [sflag:s29], $0x1  }
0xbd: {  	[sflag:s29] =	ssyncadd.s32 $0xFFFFFFFF  }
0xbe: {  	_ =	strace $0x9000004E  }
0xbf: {  	_ =	sfence  }
0xc0: {  	s30 =	sld [smem:$0x0];
	_ =	sdelay $0x2  }
0xc1: {  	s31 =	sshll.u32 s1, $0xD;
	s1 =	sshrl.u32 s1, $0x2  }
0xc2: {  	s3 =	sand.u32 $0x4000, s31;
	s1 =	sadd.s32 s1, s30  }
0xc3: {  	s0 =	sor.u32 s3, s0;
	s1 =	sshll.u32 s1, $0x11  }
0xc4: {  	s0 =	sor.u32 s1, s0  }
0xc5: {  	s0 =	sadd.s32 $0x8F2B, s0  }
0xc6: {  	[sflag:s0] =	ssyncadd.remote.s32 $0x1  }
0xc7: {  	_ =	sfence.sel $0xFFFF  }
0xc8: {  	[dreg:$0x0] =	wrdreg $0xFFFFFFFF;
	(pc) =	sbr.abs _section_cstart, $3  }
0xc9: {  	[dreg:$0x1] =	wrdreg $0xFFFFFFFF  }
0xca: {  	_ =	task.clear_ibuf [dreg:s9], $0x2FFFF;
	_ =	strace $0x9FFFFFFF  }
0xcb: {  	(tm) =	ssettm $0x7FFFFFFF  }
tec
execute0_lowered:
.L_overlay_start_1:
0x0: {  	(tag) =	ssettag $0x1  }
0x1: {  	s1 =	rddreg [dreg:$0x0]  }
0x2: {  	s2 =	rddreg [dreg:$0x1]  }
0x3: {  	s7 =	rddreg [dreg:$0x2]  }
0x4: {  	s4 =	rddreg [dreg:$0x3]  }
0x5: {  	s5 =	rddreg [dreg:$0x4];
	s3 =	stileid.u32  }
0x6: {  	s6 =	simm.s32 $0x0;
	s9 =	srdreg.scid;
	s18 =	simm.s32 $0x5  }
0x7: {  	s19 =	simm.s32 $0x1400;
	s20 =	simm.s32 $0x80;
	s21 =	simm.s32 $0x6800  }
0x8: {  	s22 =	simm.s32 $0x1;
	s23 =	simm.s32 $0x2;
	s24 =	simm.s32 $0x3  }
0x9: {  	s25 =	simm.s32 $0x4;
	s26 =	simm.s32 $0x2700;
	s8 =	smul.u32 $0x500, s3  }
0xa: {  	s28 =	simm.s32 $0x2780;
	s29 =	simm.s32 $0x0;
	s30 =	smul.u32 $0x4F000, s3  }
0xb: {  	[smem:$0x7FF] =	sst s6;
	s17 =	sand.u32 $0x1, s9;
	s12 =	smul.u32 $0x2780, s3  }
0xc: {  	_ =	strace $0x8000004D;
	s10 =	ssub.s32 $0x2, s17;
	p0 =	seq.s32 s17, $0x0  }
.Ltmp0:
0xd: {  	s17 =	simm.s32 $0x2800;
	s11 =	sadd.s32 s8, s7;
	(pc) =	sbr.rel .LBB2_1-.Ltmp0, $4  }
0xe: {  	s31 =	sshrl.u32 s10, $0x1;
	s9 =	sshrl.u32 s30, $0x2;
	s7 =	sadd.s32 $0x34E00, s7  }
0xf: {  	s13 =	ssub.s32 s10, s31;
	s8 =	sadd.s32 s9, s5;
	s10 =	sadd.s32 $0x8C00, s11  }
0x10: {  	s11 =	sadd.s32 $0x3C00, s11;
	s9 =	sadd.s32 $0x10000, s8;
	s13 =	smax.u32 s13, $0x1  }
0x11: {  	v0 =	vimm.f32 $0.0e+00;
	s14 =	sadd.s32 $0x4000, s8;
	s15 =	sadd.s32 $0x8000, s8;
	s16 =	sadd.s32 $0xC000, s8  }
.LBB2_8:
0x12: {  	[tilespmem:s21], [sflag:$0x2] =	stream.indirect.gather [hbm4b:s2+s20], $0x80, s31, s20, $0xb8;
	[tilespmem:$0x1E400] =	vst v63  }
0x13: {  	s30 =	smov.u32 s7  }
.LBB2_14:
0x14: {  	_ =	swait.ge [sflag:s22], $0x4000  }
0x15: {  	[sflag:s22] =	ssyncset.done $0x0  }
0x16: {  	[sflag:s22] =	ssyncadd.s32 $0xFFFFC000  }
0x17: {  	[spmem:s5] =	stream.indirect.scatter.add.f32 [tilespmem:s17], [sflag:$0x5], $0x80, s26, s20, $0xb8;
	[tilespmem:$0x1E400] =	vst v63  }
0x18: {  	_ =	swait.ge [sflag:s18], $0x4000  }
0x19: {  	[sflag:s18] =	ssyncset.done $0x0  }
0x1a: {  	[sflag:s18] =	ssyncadd.s32 $0xFFFFC000  }
0x1b: {  	_ =	swait.ge [sflag:s23], $0x4000  }
0x1c: {  	[sflag:s23] =	ssyncset.done $0x0  }
0x1d: {  	[sflag:s23] =	ssyncadd.s32 $0xFFFFC000  }
0x1e: {  	[spmem:s5] =	stream.indirect.scatter.add.f32 [tilespmem:s21], [sflag:$0x5], $0x80, s28, s20, $0xb8;
	[tilespmem:$0x1E400] =	vst v63  }
0x1f: {  	s0 =	sadd.s32 s30, s12;
	_ =	swait.ge [sflag:s18], $0x4000  }
0x20: {  	s31 =	sshll.u32 s3, $0x6;
	s29 =	sadd.s32 $0x1, s29;
	[sflag:s18] =	ssyncset.done $0x0  }
0x21: {  	s30 =	sor.u32 $0x1C05, s31;
	p1 =	sne.s32 s29, s13;
	[sflag:s18] =	ssyncadd.s32 $0xFFFFC000  }
.Ltmp1:
0x22: {  	s31 =	sshrl.u32 s8, $0x3;
	[bflag:$0x0] =	sbarrier.arrive $0xFFFF;
	(pc) =	sbr.rel @!p1 .LBB2_15-.Ltmp1, $4  }
0x23: {  	[hbm:s0], [sflag:s30] =	dma.local [spmem:s31], $0x2780  }
0x24: {  	_ =	swait.ge [sflag:s18], $0x2780  }
0x25: {  	[sflag:s18] =	ssyncset.done $0x0  }
0x26: {  	[sflag:s18] =	ssyncadd.s32 $0xFFFFD880  }
.LBB2_1:
0x27: {  	s30 =	simm.s32 $0x0;
	s31 =	simm.s32 $0x200  }
.LBB2_2:
0x28: {  	p1 =	sne.s32 s31, $0xFE00;
	[tilespmem:s30+$0x2870] =	vst v0  }
0x29: {  	[tilespmem:s30+$0x2800] =	vst v0  }
0x2a: {  	[tilespmem:s30+$0x2810] =	vst v0  }
.Ltmp2:
0x2b: {  	[tilespmem:s30+$0x2820] =	vst v0;
	(pc) =	sbr.rel @p1 .LBB2_2-.Ltmp2, $4  }
0x2c: {  	[tilespmem:s30+$0x2830] =	vst v0  }
0x2d: {  	[tilespmem:s30+$0x2840] =	vst v0  }
0x2e: {  	[tilespmem:s30+$0x2850] =	vst v0  }
0x2f: {  	[tilespmem:s30+$0x2860] =	vst v0;
	s30 =	sshra.s32 s31, $0x2;
	s31 =	sadd.s32 $0x200, s31  }
0x30: {  	[tilespmem:s30+$0x2870] =	vst v0  }
0x31: {  	[tilespmem:s30+$0x2800] =	vst v0  }
0x32: {  	[tilespmem:s30+$0x2810] =	vst v0  }
0x33: {  	[tilespmem:s30+$0x2820] =	vst v0  }
0x34: {  	[tilespmem:s30+$0x2830] =	vst v0  }
0x35: {  	[tilespmem:s30+$0x2840] =	vst v0  }
0x36: {  	[tilespmem:s30+$0x2850] =	vst v0  }
0x37: {  	[tilespmem:s30+$0x2860] =	vst v0  }
0x38: {  	[spmem:s8] =	stream.linear.scatter [tilespmem:s17], [sflag:$0x5], $0x4000, $0x38;
	[tilespmem:$0x1E400] =	vst v63  }
0x39: {  	_ =	swait.ge [sflag:s18], $0x4000  }
0x3a: {  	[sflag:s18] =	ssyncset.done $0x0  }
0x3b: {  	[sflag:s18] =	ssyncadd.s32 $0xFFFFC000  }
0x3c: {  	[spmem:s14] =	stream.linear.scatter [tilespmem:s17], [sflag:$0x5], $0x4000, $0x38;
	[tilespmem:$0x1E400] =	vst v63  }
0x3d: {  	_ =	swait.ge [sflag:s18], $0x4000  }
0x3e: {  	[sflag:s18] =	ssyncset.done $0x0  }
0x3f: {  	[sflag:s18] =	ssyncadd.s32 $0xFFFFC000  }
0x40: {  	[spmem:s15] =	stream.linear.scatter [tilespmem:s17], [sflag:$0x5], $0x4000, $0x38;
	[tilespmem:$0x1E400] =	vst v63  }
0x41: {  	_ =	swait.ge [sflag:s18], $0x4000  }
0x42: {  	[sflag:s18] =	ssyncset.done $0x0  }
0x43: {  	[sflag:s18] =	ssyncadd.s32 $0xFFFFC000  }
0x44: {  	[spmem:s16] =	stream.linear.scatter [tilespmem:s17], [sflag:$0x5], $0x4000, $0x38;
	[tilespmem:$0x1E400] =	vst v63  }
0x45: {  	_ =	swait.ge [sflag:s18], $0x4000  }
0x46: {  	[sflag:s18] =	ssyncset.done $0x0  }
0x47: {  	[sflag:s18] =	ssyncadd.s32 $0xFFFFC000  }
0x48: {  	[spmem:s9] =	stream.linear.scatter [tilespmem:s17], [sflag:$0x5], $0x3C00, $0x38;
	[tilespmem:$0x1E400] =	vst v63  }
0x49: {  	_ =	swait.ge [sflag:s18], $0x3C00  }
0x4a: {  	[sflag:s18] =	ssyncset.done $0x0  }
0x4b: {  	[sflag:s18] =	ssyncadd.s32 $0xFFFFC400  }
0x4c: {  	[bflag:$0x0] =	sbarrier.arrive $0xFFFF  }
0x4d: {  	[tilespmem:s6], [sflag:$0x5] =	stream.linear.gather [hbm4b:s10+s6], $0x1400, $0x38;
	[tilespmem:$0x1E400] =	vst v63  }
0x4e: {  	_ =	swait.ge [sflag:s18], $0x1400  }
0x4f: {  	[sflag:s18] =	ssyncset.done $0x0  }
.Ltmp3:
0x50: {  	[sflag:s18] =	ssyncadd.s32 $0xFFFFEC00;
	(pc) =	sbr.rel @!p0 .LBB2_4-.Ltmp3, $4  }
0x51: {  	[tilespmem:s19], [sflag:$0x5] =	stream.linear.gather [hbm4b:s11+s6], $0x1400, $0x38;
	[tilespmem:$0x1E400] =	vst v63  }
0x52: {  	_ =	swait.ge [sflag:s18], $0x1400  }
0x53: {  	[sflag:s18] =	ssyncset.done $0x0  }
0x54: {  	s30 =	simm.s32 $0x0;
	[sflag:s18] =	ssyncadd.s32 $0xFFFFEC00  }
0x55: {  	[tilespmem:s17], [sflag:$0x1] =	stream.indirect.gather [hbm4b:s1+s20], $0x80, s30, s20, $0xb8;
	[tilespmem:$0x1E400] =	vst v63  }
0x56: {  	_ = 	snop  }
0x57: {  	[tilespmem:s21], [sflag:$0x2] =	stream.indirect.gather [hbm4b:s1+s20], $0x80, s20, s20, $0xb8;
	[tilespmem:$0x1E400] =	vst v63  }
0x58: {  	_ =	swait.ge [sflag:s22], $0x4000  }
0x59: {  	[sflag:s22] =	ssyncset.done $0x0  }
0x5a: {  	s30 =	simm.s32 $0x1400;
	[sflag:s22] =	ssyncadd.s32 $0xFFFFC000  }
0x5b: {  	[spmem:s5] =	stream.indirect.scatter.add.f32 [tilespmem:s17], [sflag:$0x3], $0x80, s30, s20, $0xb8;
	[tilespmem:$0x1E400] =	vst v63  }
0x5c: {  	_ =	swait.ge [sflag:s23], $0x4000  }
0x5d: {  	[sflag:s23] =	ssyncset.done $0x0  }
0x5e: {  	s30 =	simm.s32 $0x1480;
	[sflag:s23] =	ssyncadd.s32 $0xFFFFC000  }
0x5f: {  	[spmem:s5] =	stream.indirect.scatter.add.f32 [tilespmem:s21], [sflag:$0x4], $0x80, s30, s20, $0xb8;
	[tilespmem:$0x1E400] =	vst v63  }
0x60: {  	_ =	swait.ge [sflag:s24], $0x4000  }
0x61: {  	[sflag:s24] =	ssyncset.done $0x0  }
0x62: {  	s30 =	simm.s32 $0x100;
	[sflag:s24] =	ssyncadd.s32 $0xFFFFC000  }
0x63: {  	[tilespmem:s17], [sflag:$0x1] =	stream.indirect.gather [hbm4b:s1+s20], $0x80, s30, s20, $0xb8;
	[tilespmem:$0x1E400] =	vst v63  }
0x64: {  	_ =	swait.ge [sflag:s25], $0x4000  }
0x65: {  	[sflag:s25] =	ssyncset.done $0x0  }
0x66: {  	s31 =	simm.s32 $0x180;
	s30 =	simm.s32 $0x400;
	[sflag:s25] =	ssyncadd.s32 $0xFFFFC000  }
.LBB2_10:
0x67: {  	[tilespmem:s21], [sflag:$0x2] =	stream.indirect.gather [hbm4b:s1+s20], $0x80, s31, s20, $0xb8;
	[tilespmem:$0x1E400] =	vst v63  }
0x68: {  	s31 =	smov.u32 s30  }
0x69: {  	p1 =	sne.s32 s30, $0x4800;
	s30 =	sadd.s32 $0x400, s30;
	_ =	swait.ge [sflag:s22], $0x4000  }
0x6a: {  	s31 =	sshra.s32 s31, $0x2;
	[sflag:s22] =	ssyncset.done $0x0  }
0x6b: {  	s0 =	sadd.s32 $0x1400, s31;
	[sflag:s22] =	ssyncadd.s32 $0xFFFFC000  }
0x6c: {  	[spmem:s5] =	stream.indirect.scatter.add.f32 [tilespmem:s17], [sflag:$0x3], $0x80, s0, s20, $0xb8;
	[tilespmem:$0x1E400] =	vst v63  }
0x6d: {  	_ =	swait.ge [sflag:s23], $0x4000  }
0x6e: {  	[sflag:s23] =	ssyncset.done $0x0  }
0x6f: {  	s0 =	sadd.s32 $0x1480, s31;
	[sflag:s23] =	ssyncadd.s32 $0xFFFFC000  }
0x70: {  	[spmem:s5] =	stream.indirect.scatter.add.f32 [tilespmem:s21], [sflag:$0x4], $0x80, s0, s20, $0xb8;
	[tilespmem:$0x1E400] =	vst v63  }
0x71: {  	_ =	swait.ge [sflag:s24], $0x4000  }
0x72: {  	[sflag:s24] =	ssyncset.done $0x0  }
.Ltmp4:
0x73: {  	s0 =	sadd.s32 $0x100, s31;
	[sflag:s24] =	ssyncadd.s32 $0xFFFFC000;
	(pc) =	sbr.rel @p1 .LBB2_10-.Ltmp4, $4  }
0x74: {  	[tilespmem:s17], [sflag:$0x1] =	stream.indirect.gather [hbm4b:s1+s20], $0x80, s0, s20, $0xb8;
	[tilespmem:$0x1E400] =	vst v63  }
0x75: {  	_ =	swait.ge [sflag:s25], $0x4000  }
0x76: {  	[sflag:s25] =	ssyncset.done $0x0  }
0x77: {  	s31 =	sadd.s32 $0x180, s31;
	[sflag:s25] =	ssyncadd.s32 $0xFFFFC000  }
0x78: {  	[tilespmem:s21], [sflag:$0x2] =	stream.indirect.gather [hbm4b:s1+s20], $0x80, s31, s20, $0xb8;
	[tilespmem:$0x1E400] =	vst v63  }
0x79: {  	_ =	swait.ge [sflag:s22], $0x4000  }
0x7a: {  	[sflag:s22] =	ssyncset.done $0x0  }
0x7b: {  	[sflag:s22] =	ssyncadd.s32 $0xFFFFC000  }
0x7c: {  	[spmem:s5] =	stream.indirect.scatter.add.f32 [tilespmem:s17], [sflag:$0x5], $0x80, s26, s20, $0xb8;
	[tilespmem:$0x1E400] =	vst v63  }
0x7d: {  	_ =	swait.ge [sflag:s18], $0x4000  }
0x7e: {  	[sflag:s18] =	ssyncset.done $0x0  }
0x7f: {  	[sflag:s18] =	ssyncadd.s32 $0xFFFFC000  }
0x80: {  	_ =	swait.ge [sflag:s23], $0x4000  }
0x81: {  	[sflag:s23] =	ssyncset.done $0x0  }
0x82: {  	[sflag:s23] =	ssyncadd.s32 $0xFFFFC000  }
0x83: {  	[spmem:s5] =	stream.indirect.scatter.add.f32 [tilespmem:s21], [sflag:$0x5], $0x80, s28, s20, $0xb8;
	[tilespmem:$0x1E400] =	vst v63  }
0x84: {  	_ =	swait.ge [sflag:s18], $0x4000  }
0x85: {  	[sflag:s18] =	ssyncset.done $0x0  }
0x86: {  	s0 =	sadd.s32 $0x280, s10;
	s30 =	simm.s32 $0x0;
	[sflag:s18] =	ssyncadd.s32 $0xFFFFC000  }
0x87: {  	[tilespmem:s30], [sflag:$0x5] =	stream.linear.gather [hbm4b:s0+s30], $0x1400, $0x38;
	[tilespmem:$0x1E400] =	vst v63  }
0x88: {  	_ =	swait.ge [sflag:s18], $0x1400  }
0x89: {  	[sflag:s18] =	ssyncset.done $0x0  }
0x8a: {  	s0 =	sadd.s32 $0x280, s11;
	[sflag:s18] =	ssyncadd.s32 $0xFFFFEC00  }
0x8b: {  	[tilespmem:s19], [sflag:$0x5] =	stream.linear.gather [hbm4b:s0+s30], $0x1400, $0x38;
	[tilespmem:$0x1E400] =	vst v63  }
0x8c: {  	_ =	swait.ge [sflag:s18], $0x1400  }
0x8d: {  	[sflag:s18] =	ssyncset.done $0x0  }
0x8e: {  	[sflag:s18] =	ssyncadd.s32 $0xFFFFEC00  }
0x8f: {  	[tilespmem:s17], [sflag:$0x1] =	stream.indirect.gather [hbm4b:s1+s20], $0x80, s30, s20, $0xb8;
	[tilespmem:$0x1E400] =	vst v63  }
0x90: {  	_ = 	snop  }
0x91: {  	[tilespmem:s21], [sflag:$0x2] =	stream.indirect.gather [hbm4b:s1+s20], $0x80, s20, s20, $0xb8;
	[tilespmem:$0x1E400] =	vst v63  }
0x92: {  	_ =	swait.ge [sflag:s22], $0x4000  }
0x93: {  	[sflag:s22] =	ssyncset.done $0x0  }
0x94: {  	s0 =	simm.s32 $0x1400;
	[sflag:s22] =	ssyncadd.s32 $0xFFFFC000  }
0x95: {  	[spmem:s5] =	stream.indirect.scatter.add.f32 [tilespmem:s17], [sflag:$0x3], $0x80, s0, s20, $0xb8;
	[tilespmem:$0x1E400] =	vst v63  }
0x96: {  	_ =	swait.ge [sflag:s23], $0x4000  }
0x97: {  	[sflag:s23] =	ssyncset.done $0x0  }
0x98: {  	s0 =	simm.s32 $0x1480;
	[sflag:s23] =	ssyncadd.s32 $0xFFFFC000  }
0x99: {  	[spmem:s5] =	stream.indirect.scatter.add.f32 [tilespmem:s21], [sflag:$0x4], $0x80, s0, s20, $0xb8;
	[tilespmem:$0x1E400] =	vst v63  }
0x9a: {  	_ =	swait.ge [sflag:s24], $0x4000  }
0x9b: {  	[sflag:s24] =	ssyncset.done $0x0  }
0x9c: {  	s0 =	simm.s32 $0x100;
	[sflag:s24] =	ssyncadd.s32 $0xFFFFC000  }
0x9d: {  	[tilespmem:s17], [sflag:$0x1] =	stream.indirect.gather [hbm4b:s1+s20], $0x80, s0, s20, $0xb8;
	[tilespmem:$0x1E400] =	vst v63  }
0x9e: {  	_ =	swait.ge [sflag:s25], $0x4000  }
0x9f: {  	[sflag:s25] =	ssyncset.done $0x0  }
0xa0: {  	s31 =	simm.s32 $0x180;
	s30 =	simm.s32 $0x400;
	[sflag:s25] =	ssyncadd.s32 $0xFFFFC000  }
.LBB2_12:
0xa1: {  	[tilespmem:s21], [sflag:$0x2] =	stream.indirect.gather [hbm4b:s1+s20], $0x80, s31, s20, $0xb8;
	[tilespmem:$0x1E400] =	vst v63  }
0xa2: {  	s0 =	smov.u32 s30  }
0xa3: {  	p1 =	seq.s32 s30, $0x4800;
	s30 =	sadd.s32 $0x400, s30;
	_ =	swait.ge [sflag:s22], $0x4000  }
0xa4: {  	s0 =	sshra.s32 s0, $0x2;
	[sflag:s22] =	ssyncset.done $0x0  }
0xa5: {  	s31 =	sadd.s32 $0x1400, s0;
	[sflag:s22] =	ssyncadd.s32 $0xFFFFC000  }
0xa6: {  	[spmem:s5] =	stream.indirect.scatter.add.f32 [tilespmem:s17], [sflag:$0x3], $0x80, s31, s20, $0xb8;
	[tilespmem:$0x1E400] =	vst v63  }
0xa7: {  	_ =	swait.ge [sflag:s23], $0x4000  }
0xa8: {  	[sflag:s23] =	ssyncset.done $0x0  }
0xa9: {  	s31 =	sadd.s32 $0x1480, s0;
	[sflag:s23] =	ssyncadd.s32 $0xFFFFC000  }
0xaa: {  	[spmem:s5] =	stream.indirect.scatter.add.f32 [tilespmem:s21], [sflag:$0x4], $0x80, s31, s20, $0xb8;
	[tilespmem:$0x1E400] =	vst v63  }
0xab: {  	_ =	swait.ge [sflag:s24], $0x4000  }
0xac: {  	[sflag:s24] =	ssyncset.done $0x0  }
.Ltmp5:
0xad: {  	s31 =	sadd.s32 $0x100, s0;
	[sflag:s24] =	ssyncadd.s32 $0xFFFFC000;
	(pc) =	sbr.rel @!p1 .LBB2_12-.Ltmp5, $4  }
0xae: {  	[tilespmem:s17], [sflag:$0x1] =	stream.indirect.gather [hbm4b:s1+s20], $0x80, s31, s20, $0xb8;
	[tilespmem:$0x1E400] =	vst v63  }
0xaf: {  	_ =	swait.ge [sflag:s25], $0x4000  }
0xb0: {  	[sflag:s25] =	ssyncset.done $0x0  }
0xb1: {  	s31 =	sadd.s32 $0x180, s0;
	[sflag:s25] =	ssyncadd.s32 $0xFFFFC000  }
.Ltmp6:
0xb2: {  	(pc) =	sbr.rel .LBB2_14-.Ltmp6, $3  }
0xb3: {  	_ =	sdelay $0x1  }
0xb4: {  	[tilespmem:s21], [sflag:$0x2] =	stream.indirect.gather [hbm4b:s1+s20], $0x80, s31, s20, $0xb8;
	[tilespmem:$0x1E400] =	vst v63  }
0xb5: {  	s30 =	smov.u32 s4  }
.LBB2_4:
0xb6: {  	[tilespmem:s17], [sflag:$0x1] =	stream.indirect.gather [hbm4b:s2+s20], $0x80, s30, s20, $0xb8;
	[tilespmem:$0x1E400] =	vst v63  }
0xb7: {  	_ = 	snop  }
0xb8: {  	[tilespmem:s21], [sflag:$0x2] =	stream.indirect.gather [hbm4b:s2+s20], $0x80, s20, s20, $0xb8;
	[tilespmem:$0x1E400] =	vst v63  }
0xb9: {  	_ =	swait.ge [sflag:s22], $0x4000  }
0xba: {  	[sflag:s22] =	ssyncset.done $0x0  }
0xbb: {  	s0 =	simm.s32 $0x1400;
	[sflag:s22] =	ssyncadd.s32 $0xFFFFC000  }
0xbc: {  	[spmem:s5] =	stream.indirect.scatter.add.f32 [tilespmem:s17], [sflag:$0x3], $0x80, s0, s20, $0xb8;
	[tilespmem:$0x1E400] =	vst v63  }
0xbd: {  	_ =	swait.ge [sflag:s23], $0x4000  }
0xbe: {  	[sflag:s23] =	ssyncset.done $0x0  }
0xbf: {  	s0 =	simm.s32 $0x1480;
	[sflag:s23] =	ssyncadd.s32 $0xFFFFC000  }
0xc0: {  	[spmem:s5] =	stream.indirect.scatter.add.f32 [tilespmem:s21], [sflag:$0x4], $0x80, s0, s20, $0xb8;
	[tilespmem:$0x1E400] =	vst v63  }
0xc1: {  	_ =	swait.ge [sflag:s24], $0x4000  }
0xc2: {  	[sflag:s24] =	ssyncset.done $0x0  }
0xc3: {  	s0 =	simm.s32 $0x100;
	[sflag:s24] =	ssyncadd.s32 $0xFFFFC000  }
0xc4: {  	[tilespmem:s17], [sflag:$0x1] =	stream.indirect.gather [hbm4b:s2+s20], $0x80, s0, s20, $0xb8;
	[tilespmem:$0x1E400] =	vst v63  }
0xc5: {  	_ =	swait.ge [sflag:s25], $0x4000  }
0xc6: {  	[sflag:s25] =	ssyncset.done $0x0  }
0xc7: {  	s30 =	simm.s32 $0x400;
	s31 =	simm.s32 $0x180;
	[sflag:s25] =	ssyncadd.s32 $0xFFFFC000  }
.LBB2_5:
0xc8: {  	[tilespmem:s21], [sflag:$0x2] =	stream.indirect.gather [hbm4b:s2+s20], $0x80, s31, s20, $0xb8;
	[tilespmem:$0x1E400] =	vst v63  }
0xc9: {  	s0 =	smov.u32 s30  }
0xca: {  	p1 =	sne.s32 s30, $0x4800;
	s30 =	sadd.s32 $0x400, s30;
	_ =	swait.ge [sflag:s22], $0x4000  }
0xcb: {  	s0 =	sshra.s32 s0, $0x2;
	[sflag:s22] =	ssyncset.done $0x0  }
0xcc: {  	s31 =	sadd.s32 $0x1400, s0;
	[sflag:s22] =	ssyncadd.s32 $0xFFFFC000  }
0xcd: {  	[spmem:s5] =	stream.indirect.scatter.add.f32 [tilespmem:s17], [sflag:$0x3], $0x80, s31, s20, $0xb8;
	[tilespmem:$0x1E400] =	vst v63  }
0xce: {  	_ =	swait.ge [sflag:s23], $0x4000  }
0xcf: {  	[sflag:s23] =	ssyncset.done $0x0  }
0xd0: {  	s31 =	sadd.s32 $0x1480, s0;
	[sflag:s23] =	ssyncadd.s32 $0xFFFFC000  }
0xd1: {  	[spmem:s5] =	stream.indirect.scatter.add.f32 [tilespmem:s21], [sflag:$0x4], $0x80, s31, s20, $0xb8;
	[tilespmem:$0x1E400] =	vst v63  }
0xd2: {  	_ =	swait.ge [sflag:s24], $0x4000  }
0xd3: {  	[sflag:s24] =	ssyncset.done $0x0  }
.Ltmp7:
0xd4: {  	s31 =	sadd.s32 $0x100, s0;
	[sflag:s24] =	ssyncadd.s32 $0xFFFFC000;
	(pc) =	sbr.rel @p1 .LBB2_5-.Ltmp7, $4  }
0xd5: {  	[tilespmem:s17], [sflag:$0x1] =	stream.indirect.gather [hbm4b:s2+s20], $0x80, s31, s20, $0xb8;
	[tilespmem:$0x1E400] =	vst v63  }
0xd6: {  	_ =	swait.ge [sflag:s25], $0x4000  }
0xd7: {  	[sflag:s25] =	ssyncset.done $0x0  }
0xd8: {  	s31 =	sadd.s32 $0x180, s0;
	[sflag:s25] =	ssyncadd.s32 $0xFFFFC000  }
0xd9: {  	[tilespmem:s21], [sflag:$0x2] =	stream.indirect.gather [hbm4b:s2+s20], $0x80, s31, s20, $0xb8;
	[tilespmem:$0x1E400] =	vst v63  }
0xda: {  	_ =	swait.ge [sflag:s22], $0x4000  }
0xdb: {  	[sflag:s22] =	ssyncset.done $0x0  }
0xdc: {  	[sflag:s22] =	ssyncadd.s32 $0xFFFFC000  }
0xdd: {  	[spmem:s5] =	stream.indirect.scatter.add.f32 [tilespmem:s17], [sflag:$0x5], $0x80, s26, s20, $0xb8;
	[tilespmem:$0x1E400] =	vst v63  }
0xde: {  	_ =	swait.ge [sflag:s18], $0x4000  }
0xdf: {  	[sflag:s18] =	ssyncset.done $0x0  }
0xe0: {  	[sflag:s18] =	ssyncadd.s32 $0xFFFFC000  }
0xe1: {  	_ =	swait.ge [sflag:s23], $0x4000  }
0xe2: {  	[sflag:s23] =	ssyncset.done $0x0  }
0xe3: {  	[sflag:s23] =	ssyncadd.s32 $0xFFFFC000  }
0xe4: {  	[spmem:s5] =	stream.indirect.scatter.add.f32 [tilespmem:s21], [sflag:$0x5], $0x80, s28, s20, $0xb8;
	[tilespmem:$0x1E400] =	vst v63  }
0xe5: {  	_ =	swait.ge [sflag:s18], $0x4000  }
0xe6: {  	[sflag:s18] =	ssyncset.done $0x0  }
0xe7: {  	s0 =	sadd.s32 $0x280, s10;
	s30 =	simm.s32 $0x0;
	[sflag:s18] =	ssyncadd.s32 $0xFFFFC000  }
0xe8: {  	[tilespmem:s30], [sflag:$0x5] =	stream.linear.gather [hbm4b:s0+s30], $0x1400, $0x38;
	[tilespmem:$0x1E400] =	vst v63  }
0xe9: {  	_ =	swait.ge [sflag:s18], $0x1400  }
0xea: {  	[sflag:s18] =	ssyncset.done $0x0  }
0xeb: {  	s0 =	sadd.s32 $0x280, s11;
	[sflag:s18] =	ssyncadd.s32 $0xFFFFEC00  }
0xec: {  	[tilespmem:s19], [sflag:$0x5] =	stream.linear.gather [hbm4b:s0+s30], $0x1400, $0x38;
	[tilespmem:$0x1E400] =	vst v63  }
0xed: {  	_ =	swait.ge [sflag:s18], $0x1400  }
0xee: {  	[sflag:s18] =	ssyncset.done $0x0  }
0xef: {  	[sflag:s18] =	ssyncadd.s32 $0xFFFFEC00  }
0xf0: {  	[tilespmem:s17], [sflag:$0x1] =	stream.indirect.gather [hbm4b:s2+s20], $0x80, s30, s20, $0xb8;
	[tilespmem:$0x1E400] =	vst v63  }
0xf1: {  	_ = 	snop  }
0xf2: {  	[tilespmem:s21], [sflag:$0x2] =	stream.indirect.gather [hbm4b:s2+s20], $0x80, s20, s20, $0xb8;
	[tilespmem:$0x1E400] =	vst v63  }
0xf3: {  	_ =	swait.ge [sflag:s22], $0x4000  }
0xf4: {  	[sflag:s22] =	ssyncset.done $0x0  }
0xf5: {  	s0 =	simm.s32 $0x1400;
	[sflag:s22] =	ssyncadd.s32 $0xFFFFC000  }
0xf6: {  	[spmem:s5] =	stream.indirect.scatter.add.f32 [tilespmem:s17], [sflag:$0x3], $0x80, s0, s20, $0xb8;
	[tilespmem:$0x1E400] =	vst v63  }
0xf7: {  	_ =	swait.ge [sflag:s23], $0x4000  }
0xf8: {  	[sflag:s23] =	ssyncset.done $0x0  }
0xf9: {  	s0 =	simm.s32 $0x1480;
	[sflag:s23] =	ssyncadd.s32 $0xFFFFC000  }
0xfa: {  	[spmem:s5] =	stream.indirect.scatter.add.f32 [tilespmem:s21], [sflag:$0x4], $0x80, s0, s20, $0xb8;
	[tilespmem:$0x1E400] =	vst v63  }
0xfb: {  	_ =	swait.ge [sflag:s24], $0x4000  }
0xfc: {  	[sflag:s24] =	ssyncset.done $0x0  }
0xfd: {  	s0 =	simm.s32 $0x100;
	[sflag:s24] =	ssyncadd.s32 $0xFFFFC000  }
0xfe: {  	[tilespmem:s17], [sflag:$0x1] =	stream.indirect.gather [hbm4b:s2+s20], $0x80, s0, s20, $0xb8;
	[tilespmem:$0x1E400] =	vst v63  }
0xff: {  	_ =	swait.ge [sflag:s25], $0x4000  }
0x100: {  	[sflag:s25] =	ssyncset.done $0x0  }
0x101: {  	s31 =	simm.s32 $0x180;
	s30 =	simm.s32 $0x400;
	[sflag:s25] =	ssyncadd.s32 $0xFFFFC000  }
.LBB2_7:
0x102: {  	[tilespmem:s21], [sflag:$0x2] =	stream.indirect.gather [hbm4b:s2+s20], $0x80, s31, s20, $0xb8;
	[tilespmem:$0x1E400] =	vst v63  }
0x103: {  	s0 =	smov.u32 s30  }
0x104: {  	p1 =	sne.s32 s30, $0x4800;
	s30 =	sadd.s32 $0x400, s30;
	_ =	swait.ge [sflag:s22], $0x4000  }
0x105: {  	s0 =	sshra.s32 s0, $0x2;
	[sflag:s22] =	ssyncset.done $0x0  }
0x106: {  	s31 =	sadd.s32 $0x1400, s0;
	[sflag:s22] =	ssyncadd.s32 $0xFFFFC000  }
0x107: {  	[spmem:s5] =	stream.indirect.scatter.add.f32 [tilespmem:s17], [sflag:$0x3], $0x80, s31, s20, $0xb8;
	[tilespmem:$0x1E400] =	vst v63  }
0x108: {  	_ =	swait.ge [sflag:s23], $0x4000  }
0x109: {  	[sflag:s23] =	ssyncset.done $0x0  }
0x10a: {  	s31 =	sadd.s32 $0x1480, s0;
	[sflag:s23] =	ssyncadd.s32 $0xFFFFC000  }
0x10b: {  	[spmem:s5] =	stream.indirect.scatter.add.f32 [tilespmem:s21], [sflag:$0x4], $0x80, s31, s20, $0xb8;
	[tilespmem:$0x1E400] =	vst v63  }
0x10c: {  	_ =	swait.ge [sflag:s24], $0x4000  }
0x10d: {  	[sflag:s24] =	ssyncset.done $0x0  }
.Ltmp8:
0x10e: {  	s31 =	sadd.s32 $0x100, s0;
	[sflag:s24] =	ssyncadd.s32 $0xFFFFC000;
	(pc) =	sbr.rel @p1 .LBB2_7-.Ltmp8, $4  }
0x10f: {  	[tilespmem:s17], [sflag:$0x1] =	stream.indirect.gather [hbm4b:s2+s20], $0x80, s31, s20, $0xb8;
	[tilespmem:$0x1E400] =	vst v63  }
0x110: {  	_ =	swait.ge [sflag:s25], $0x4000  }
0x111: {  	[sflag:s25] =	ssyncset.done $0x0  }
0x112: {  	s31 =	sadd.s32 $0x180, s0;
	[sflag:s25] =	ssyncadd.s32 $0xFFFFC000  }
.Ltmp9:
0x113: {  	_ = 	snop;
	(pc) =	sbr.rel .LBB2_8-.Ltmp9, $1  }
0x114: {  	_ =	sdelay $0x3  }
.LBB2_15:
0x115: {  	_ =	sfence.sel $0x180000  }
0x116: {  	[bflag:$0x0] =	sbarrier.arrive $0xFFFF  }
0x117: {  	_ =	strace $0x9000004D  }
0x118: {  	[bflag:$0x2] =	sbarrier.arrive $0xFFFF  }
0x119: {  	p0 =	sne.s32 s3, $0x0;
	s0 =	rddreg [dreg:$0x5]  }
0x11a: {  	s0 =	sadd.s32 @!p0 $0x100000, s0  }
0x11b: {  	[sflag:s0] =	ssyncadd.tile.s32 @!p0 $0x1;
	_ =	shalt  }
.Lfunc_end2:
_tile_overlayer_lowered:
.L_overlay_start_2:
0x11c: {  	(tag) =	ssettag $0x2  }
0x11d: {  	s0 =	rddreg [dreg:$0x0];
	s2 =	stileid.u32  }
0x11e: {  	s1 =	rddreg [dreg:$0x1];
	p0 =	sne.s32 s2, $0x0  }
0x11f: {  	s3 =	rddreg [dreg:$0x2];
	[bflag:$0x3] =	sbarrier.arrive $0xFFFF;
	s2 =	simm.s32 @!p0 $0x1C05  }
0x120: {  	[timem:s3], [sflag:s2] =	dma.local @!p0 [hbm:s0], s1  }
0x121: {  	s0 =	simm.s32 @!p0 $0x5  }
0x122: {  	_ =	swait.ge @!p0 [sflag:s0], s1  }
0x123: {  	s1 =	ssub.s32 @!p0 $0x0, s1;
	[sflag:s0] =	ssyncset.done @!p0 $0x0  }
0x124: {  	[sflag:s0] =	ssyncadd.s32 @!p0 s1  }
0x125: {  	[bflag:$0x3] =	sbarrier.arrive $0xFFFF  }
0x126: {  	_ =	shalt  }

</sc_bundles>
